<compile_context>
chip_gen: v7x
topology: tpu7x:2x2x1
jax: 0.10.2.dev20260603
libtpu: 0.0.44.dev20260713+nightly
codegen_flags: <defaults>
</compile_context>

<pallas_src>
import functools
import jax
import jax.numpy as jnp
from jax import lax
from jax.experimental import pallas as pl
from jax.experimental.pallas import tpu as pltpu
from jax.experimental.pallas import tpu_sc as plsc

N = 10000
E = 320000
H = 64
G = 128
NC = 2
NS = 16
NW = NC * NS
CH = 128
NCHUNK = -(-E // (NW * CH))
EPAD = NW * CH * NCHUNK - E
NA = N + 16
RPW = 624
RTAIL = NA - NS * RPW

def _fill_rows(ref, n_rows, n_cols, value):
    v = jnp.full((16,), value, dtype=ref.dtype)

    def body(i, _):
        for j in range(n_cols // 16):
            ref[i, pl.ds(j * 16, 16)] = v
        return 0

    lax.fori_loop(0, n_rows, body, 0)


def _sc_degree_body(ei3d, out, didx, ones_v, zbuf, acc):
    c = lax.axis_index("c")
    s = lax.axis_index("s")
    wid = c * NS + s
    pltpu.sync_copy(ei3d.at[1].at[wid], didx)
    _fill_rows(ones_v, CH, 16, 1.0)
    _fill_rows(zbuf, RPW, 16, 0.0)
    pltpu.sync_copy(zbuf.at[pl.ds(0, RPW)], acc.at[pl.ds(s * RPW, RPW)])

    @pl.when(s == NS - 1)
    def _():
        pltpu.sync_copy(zbuf.at[pl.ds(0, RTAIL)], acc.at[pl.ds(NS * RPW, RTAIL)])

    plsc.subcore_barrier()

    def body(j, _):
        pltpu.sync_copy(ones_v, acc.at[didx.at[j]], add=True)
        return 0

    lax.fori_loop(0, NCHUNK, body, 0)
    plsc.subcore_barrier()
    pltpu.sync_copy(acc.at[pl.ds(s * RPW, RPW)],
                    out.at[pl.ds(s * RPW, RPW), pl.ds(c * 16, 16)])

    @pl.when(s == NS - 1)
    def _():
        pltpu.sync_copy(acc.at[pl.ds(NS * RPW, N - NS * RPW)],
                        out.at[pl.ds(NS * RPW, N - NS * RPW), pl.ds(c * 16, 16)])


def _sc_aggregate_body(hs, ei3d, out, sidx, didx, rows0, rows1, zbuf,
                       acc, sem0, sem1):
    c = lax.axis_index("c")
    s = lax.axis_index("s")
    wid = c * NS + s
    hs64 = hs
    pltpu.sync_copy(ei3d.at[0].at[wid], sidx)
    pltpu.sync_copy(ei3d.at[1].at[wid], didx)
    _fill_rows(zbuf, RPW, H, 0.0)
    pltpu.sync_copy(zbuf.at[pl.ds(0, RPW)], acc.at[pl.ds(s * RPW, RPW)])

    @pl.when(s == NS - 1)
    def _():
        pltpu.sync_copy(zbuf.at[pl.ds(0, RTAIL)], acc.at[pl.ds(NS * RPW, RTAIL)])

    plsc.subcore_barrier()

    pltpu.async_copy(hs64.at[sidx.at[0]], rows0, sem0)

    def body(i, _):
        j0 = 2 * i
        pltpu.async_copy(hs64.at[sidx.at[j0 + 1]], rows1, sem1)
        pltpu.make_async_copy(hs64.at[sidx.at[j0]], rows0, sem0).wait()
        pltpu.sync_copy(rows0, acc.at[didx.at[j0]], add=True)
        pltpu.async_copy(hs64.at[sidx.at[j0 + 2]], rows0, sem0)
        pltpu.make_async_copy(hs64.at[sidx.at[j0 + 1]], rows1, sem1).wait()
        pltpu.sync_copy(rows1, acc.at[didx.at[j0 + 1]], add=True)
        return 0

    lax.fori_loop(0, (NCHUNK - 1) // 2, body, 0)
    pltpu.make_async_copy(hs64.at[sidx.at[NCHUNK - 1]], rows0, sem0).wait()
    pltpu.sync_copy(rows0, acc.at[didx.at[NCHUNK - 1]], add=True)
    plsc.subcore_barrier()
    pltpu.sync_copy(acc.at[pl.ds(s * RPW, RPW)],
                    out.at[pl.ds(s * RPW, RPW), pl.ds(c * H, H)])

    @pl.when(s == NS - 1)
    def _():
        pltpu.sync_copy(acc.at[pl.ds(NS * RPW, N - NS * RPW)],
                        out.at[pl.ds(NS * RPW, N - NS * RPW), pl.ds(c * H, H)])


@functools.cache
def _sc_kernels():
    mesh = plsc.VectorSubcoreMesh(core_axis_name="c", subcore_axis_name="s",
                                  num_cores=NC, num_subcores=NS)
    params = pltpu.CompilerParams(use_tc_tiling_on_sc=False)
    sc_degree = pl.kernel(
        _sc_degree_body,
        out_type=jax.ShapeDtypeStruct((N, 128), jnp.float32),
        mesh=mesh,
        scratch_types=[
            pltpu.VMEM((NCHUNK, CH), jnp.int32),
            pltpu.VMEM((CH, 16), jnp.float32),
            pltpu.VMEM((RPW, 16), jnp.float32),
            pltpu.VMEM_SHARED((NA, 16), jnp.float32),
        ],
        compiler_params=params,
    )
    sc_aggregate = pl.kernel(
        _sc_aggregate_body,
        out_type=jax.ShapeDtypeStruct((N, 2 * H), jnp.float32),
        mesh=mesh,
        scratch_types=[
            pltpu.VMEM((NCHUNK, CH), jnp.int32),
            pltpu.VMEM((NCHUNK, CH), jnp.int32),
            pltpu.VMEM((CH, H), jnp.float32),
            pltpu.VMEM((CH, H), jnp.float32),
            pltpu.VMEM((RPW, H), jnp.float32),
            pltpu.VMEM_SHARED((NA, H), jnp.float32),
            pltpu.SemaphoreType.DMA,
            pltpu.SemaphoreType.DMA,
        ],
        compiler_params=params,
    )
    return sc_degree, sc_aggregate


def _dis_from_degp(degp_ref):
    deg = 1.0 + degp_ref[:, pl.ds(0, 1)] + degp_ref[:, pl.ds(16, 1)]
    return lax.rsqrt(deg)


def _tc_head_body(x_ref, w1_ref, degp_ref, bcol_ref, hs_ref, se_ref):
    dis = _dis_from_degp(degp_ref)
    hs_ref[...] = jnp.dot(x_ref[...], w1_ref[...],
                          preferred_element_type=jnp.float32) * dis
    bcol = bcol_ref[...]
    gids = lax.broadcasted_iota(jnp.int32, (N, G), 1)
    starts = jnp.sum((bcol < gids).astype(jnp.float32), axis=0, keepdims=True)
    ends = jnp.sum((bcol <= gids).astype(jnp.float32), axis=0, keepdims=True)
    se_ref[...] = jnp.concatenate([starts, ends], axis=0).astype(jnp.int32)


def _tc_mid_body(p_ref, hsp_ref, degp_ref, w_ref, b_ref, hs_ref):
    dis = _dis_from_degp(degp_ref)
    agg = (p_ref[:, pl.ds(0, H)] + p_ref[:, pl.ds(H, H)] + hsp_ref[...])
    h = jnp.maximum(agg * dis + b_ref[...], 0.0)
    hs_ref[...] = jnp.dot(h, w_ref[...], preferred_element_type=jnp.float32) * dis


NB = N // 16


def _tc_tail_body(p_ref, hsp_ref, degp_ref, b3_ref, brow_ref, bcol_ref,
                  batch8_ref, se_ref,
                  wc1_ref, bc1_ref, wc2_ref, bc2_ref, wc3_ref, bc3_ref,
                  out_ref, xmax_ref, h3_ref, bm_ref):
    dis = _dis_from_degp(degp_ref)
    agg = (p_ref[:, pl.ds(0, H)] + p_ref[:, pl.ds(H, H)] + hsp_ref[...])
    h3_ref[...] = jnp.maximum(agg * dis + b3_ref[...], 0.0)
    h3 = h3_ref[...]

    gids = lax.broadcasted_iota(jnp.int32, (G, N), 0)
    sel = (brow_ref[...] == gids).astype(jnp.float32)
    counts = jnp.sum(sel, axis=1, keepdims=True)
    x_mean = jnp.dot(sel, h3, preferred_element_type=jnp.float32)
    x_mean = x_mean / jnp.maximum(counts, 1.0)

    neg = jnp.float32(-jnp.inf)
    bm_ref[...] = jnp.max(h3.reshape(NB, 16, H), axis=1)
    gmin = batch8_ref[:, pl.ds(0, 1)]
    gmax = batch8_ref[:, pl.ds(15, 1)]
    pb_id = jnp.where(gmin == gmax, gmin, -1)

    def mbody(g, _):
        pm = jnp.max(jnp.where(pb_id == g, bm_ref[...], neg),
                     axis=0, keepdims=True)
        s_g = se_ref[0, g]
        e_g = se_ref[1, g]
        b1 = jnp.minimum(s_g // 16, NB - 1)
        b2 = jnp.minimum(jnp.maximum(e_g - 1, 0) // 16, NB - 1)
        blk1 = h3_ref[pl.ds(b1 * 16, 16), :]
        msk1 = bcol_ref[pl.ds(b1 * 16, 16), :] == g
        m1 = jnp.max(jnp.where(msk1, blk1, neg), axis=0, keepdims=True)
        blk2 = h3_ref[pl.ds(b2 * 16, 16), :]
        msk2 = bcol_ref[pl.ds(b2 * 16, 16), :] == g
        m2 = jnp.max(jnp.where(msk2, blk2, neg), axis=0, keepdims=True)
        xmax_ref[pl.ds(g, 1), :] = jnp.maximum(pm, jnp.maximum(m1, m2))
        return 0

    lax.fori_loop(0, G, mbody, 0)
    xm = xmax_ref[...]
    x_max = jnp.where(jnp.isfinite(xm), xm, 0.0)

    gfeat = jnp.concatenate([x_mean, x_max], axis=1)
    g1 = jnp.maximum(jnp.dot(gfeat, wc1_ref[...],
                             preferred_element_type=jnp.float32) + bc1_ref[...], 0.0)
    g2 = jnp.maximum(jnp.dot(g1, wc2_ref[...],
                             preferred_element_type=jnp.float32) + bc2_ref[...], 0.0)
    logits = jnp.dot(g2, wc3_ref[...],
                     preferred_element_type=jnp.float32) + bc3_ref[...]
    m = jnp.max(logits, axis=1, keepdims=True)
    e = jnp.exp(logits - m)
    lse = jnp.log(jnp.sum(e, axis=1, keepdims=True))
    out_ref[...] = logits - m - lse


_tc_head = pl.pallas_call(
    _tc_head_body,
    out_shape=(jax.ShapeDtypeStruct((N, H), jnp.float32),
               jax.ShapeDtypeStruct((2, G), jnp.int32)),
)

_tc_mid = pl.pallas_call(
    _tc_mid_body,
    out_shape=jax.ShapeDtypeStruct((N, H), jnp.float32),
)

_tc_tail = pl.pallas_call(
    _tc_tail_body,
    out_shape=jax.ShapeDtypeStruct((G, 2), jnp.float32),
    in_specs=[pl.BlockSpec(memory_space=pltpu.VMEM)] * 7
    + [pl.BlockSpec(memory_space=pltpu.SMEM)]
    + [pl.BlockSpec(memory_space=pltpu.VMEM)] * 6,
    scratch_shapes=[pltpu.VMEM((G, H), jnp.float32),
                    pltpu.VMEM((N, H), jnp.float32),
                    pltpu.VMEM((NB, H), jnp.float32)],
)


def kernel(x, edge_index, batch, W1, b1, W2, b2, W3, b3,
           Wc1, bc1, Wc2, bc2, Wc3, bc3):
    pidx = jnp.arange(EPAD, dtype=jnp.int32)
    pad = jnp.concatenate(
        [(pidx * 8 % N).reshape(1, EPAD),
         (N + pidx % 16).reshape(1, EPAD)], axis=0)
    ei3d = jnp.concatenate([edge_index, pad], axis=1).reshape(2, NW, NCHUNK, CH)
    brow = batch.reshape(1, N)
    bcol = batch.reshape(N, 1)
    batch16 = batch.reshape(NB, 16)

    sc_degree, sc_aggregate = _sc_kernels()
    degp = sc_degree(ei3d)
    hs1, se = _tc_head(x, W1, degp, bcol)
    p1 = sc_aggregate(hs1, ei3d)
    hs2 = _tc_mid(p1, hs1, degp, W2, b1.reshape(1, H))
    p2 = sc_aggregate(hs2, ei3d)
    hs3 = _tc_mid(p2, hs2, degp, W3, b2.reshape(1, H))
    p3 = sc_aggregate(hs3, ei3d)
    return _tc_tail(p3, hs3, degp, b3.reshape(1, H), brow, bcol, batch16, se,
                    Wc1, bc1.reshape(1, H), Wc2, bc2.reshape(1, H // 2),
                    Wc3, bc3.reshape(1, 2))

# --- scband reference (transcript-rebuilt; emitter-appended) ---
"""Pipeline reference for scband-graph-fraud-detector-56745107915113 (READ-ONLY COPY).

The authoritative reference and input builder live on the scoring server;
editing this copy changes nothing except your own understanding.
"""

import jax, jax.numpy as jnp
import numpy as np

N_NODES = 10000
N_EDGES = 320000
D_IN = 128
H = 64
N_GRAPHS = 128
N_CLASSES = 2


def setup_inputs(seed: int = 0) -> dict:
    key = jax.random.key(seed)
    ks = jax.random.split(key, 16)
    x = jax.random.normal(ks[0], (N_NODES, D_IN), dtype=jnp.float32)
    edge_index = jax.random.randint(ks[1], (2, N_EDGES), 0, N_NODES, dtype=jnp.int64 if jax.config.jax_enable_x64 else jnp.int32).astype(jnp.int32)
    batch = jnp.sort(jax.random.randint(ks[2], (N_NODES,), 0, N_GRAPHS).astype(jnp.int32))
    def lin(k, fan_in, fan_out):
        s = 1.0 / np.sqrt(fan_in)
        return jax.random.uniform(k, (fan_in, fan_out), jnp.float32, -s, s)
    inp = {
        'x': x, 'edge_index': edge_index, 'batch': batch,
        'W1': lin(ks[3], D_IN, H), 'b1': jnp.zeros((H,), jnp.float32),
        'W2': lin(ks[4], H, H), 'b2': jnp.zeros((H,), jnp.float32),
        'W3': lin(ks[5], H, H), 'b3': jnp.zeros((H,), jnp.float32),
        'Wc1': lin(ks[6], 2 * H, H), 'bc1': jnp.zeros((H,), jnp.float32),
        'Wc2': lin(ks[7], H, H // 2), 'bc2': jnp.zeros((H // 2,), jnp.float32),
        'Wc3': lin(ks[8], H // 2, N_CLASSES), 'bc3': jnp.zeros((N_CLASSES,), jnp.float32),
    }
    return inp


def _gcn_layer(h, src, dst, W, b, n):
    h = h @ W
    deg = jnp.zeros((n,), h.dtype).at[dst].add(1.0)
    dis = jnp.where(deg > 0, jax.lax.rsqrt(jnp.maximum(deg, 1e-12)), 0.0)
    norm = dis[src] * dis[dst]
    msg = h[src] * norm[:, None]
    out = jax.ops.segment_sum(msg, dst, num_segments=n)
    return out + b


def reference(x, edge_index, batch, W1, b1, W2, b2, W3, b3, Wc1, bc1, Wc2, bc2, Wc3, bc3):
    n = x.shape[0]
    loops = jnp.arange(n, dtype=edge_index.dtype)
    src = jnp.concatenate([edge_index[0], loops])
    dst = jnp.concatenate([edge_index[1], loops])
    h = jax.nn.relu(_gcn_layer(x, src, dst, W1, b1, n))
    # dropout is identity in eval mode
    h = jax.nn.relu(_gcn_layer(h, src, dst, W2, b2, n))
    h = jax.nn.relu(_gcn_layer(h, src, dst, W3, b3, n))
    # global mean / max pooling over graphs
    counts = jax.ops.segment_sum(jnp.ones((n,), h.dtype), batch, num_segments=N_GRAPHS)
    x_mean = jax.ops.segment_sum(h, batch, num_segments=N_GRAPHS) / jnp.maximum(counts, 1.0)[:, None]
    x_max = jax.ops.segment_max(h, batch, num_segments=N_GRAPHS)
    x_max = jnp.where(jnp.isfinite(x_max), x_max, 0.0)
    g = jnp.concatenate([x_mean, x_max], axis=1)
    g = jax.nn.relu(g @ Wc1 + bc1)
    g = jax.nn.relu(g @ Wc2 + bc2)
    logits = g @ Wc3 + bc3
    return jax.nn.log_softmax(logits, axis=-1)

if __name__ == "__main__":
    import jax
    _d = setup_inputs()
    print(jax.jit(kernel)(*tuple(_d.values())))

</pallas_src>

<mosaic_0001>
#map = affine_map<(d0, d1) -> (0, 0)>
#map1 = affine_map<(d0, d1) -> (0, 0, 0, 0)>
module attributes {stable_mosaic.version = 14 : i64} {
  func.func @_sc_aggregate_body(%arg0: i32, %arg1: i32, %arg2: memref<10000x64xf32, #tpu.memory_space<hbm>>, %arg3: memref<2x32x79x128xi32, #tpu.memory_space<hbm>>, %arg4: memref<10000x128xf32, #tpu.memory_space<hbm>>, %arg5: memref<79x128xi32, #tpu.memory_space<vmem>>, %arg6: memref<79x128xi32, #tpu.memory_space<vmem>>, %arg7: memref<128x64xf32, #tpu.memory_space<vmem>>, %arg8: memref<128x64xf32, #tpu.memory_space<vmem>>, %arg9: memref<624x64xf32, #tpu.memory_space<vmem>>, %arg10: memref<10016x64xf32, #tpu.memory_space<vmem_shared>>, %arg11: memref<!tpu.dma_semaphore, #tpu.memory_space<semaphore_mem>>, %arg12: memref<!tpu.dma_semaphore, #tpu.memory_space<semaphore_mem>>) attributes {dimension_semantics = [#tpu.dimension_semantics<core_parallel>, #tpu.dimension_semantics<subcore_parallel>], iteration_bounds = array<i64: 2, 16>, scalar_prefetch = 0 : i64, scratch_operands = 8 : i64, tpu.core_type = #tpu.core_type<sc_vector_subcore>, window_params = [{transform_indices = #map}, {transform_indices = #map1}, {transform_indices = #map}]} {
    %mul3A = arith.constant 16 : i32
    %mul3A_0 = arith.muli %arg0, %mul3A : i32
    %add3A = arith.addi %mul3A_0, %arg1 : i32
    %run_scoped3A = arith.constant 0 : i32
    "tpu.region"() ({
      %run_scoped3A_45 = tpu.sem_alloc : memref<!tpu.dma_semaphore, #tpu.memory_space<semaphore_mem>>
      %dma_start3A_46 = arith.constant 0 : i32
      %dma_start3A_47 = arith.constant 0 : i32
      %dma_start3A_48 = arith.constant 0 : i32
      %dma_start3A_49 = tpu.memref_slice %arg3[%run_scoped3A, %dma_start3A_46, %dma_start3A_47, %dma_start3A_48] : memref<2x32x79x128xi32, #tpu.memory_space<hbm>> -> memref<1x32x79x128xi32, #tpu.memory_space<hbm>>
      %dma_start3A_50 = tpu.memref_squeeze %dma_start3A_49 : memref<1x32x79x128xi32, #tpu.memory_space<hbm>> -> memref<32x79x128xi32, #tpu.memory_space<hbm>>
      %dma_start3A_51 = arith.constant 0 : i32
      %dma_start3A_52 = arith.constant 0 : i32
      %dma_start3A_53 = tpu.memref_slice %dma_start3A_50[%add3A, %dma_start3A_51, %dma_start3A_52] : memref<32x79x128xi32, #tpu.memory_space<hbm>> -> memref<1x79x128xi32, #tpu.memory_space<hbm>>
      %dma_start3A_54 = tpu.memref_squeeze %dma_start3A_53 : memref<1x79x128xi32, #tpu.memory_space<hbm>> -> memref<79x128xi32, #tpu.memory_space<hbm>>
      %dma_start3A_55 = arith.constant 0 : i32
      %dma_start3A_56 = arith.constant 0 : i32
      %dma_start3A_57 = arith.constant 0 : i32
      %dma_start3A_58 = tpu.memref_slice %arg3[%run_scoped3A, %dma_start3A_55, %dma_start3A_56, %dma_start3A_57] : memref<2x32x79x128xi32, #tpu.memory_space<hbm>> -> memref<1x32x79x128xi32, #tpu.memory_space<hbm>>
      %dma_start3A_59 = tpu.memref_squeeze %dma_start3A_58 : memref<1x32x79x128xi32, #tpu.memory_space<hbm>> -> memref<32x79x128xi32, #tpu.memory_space<hbm>>
      %dma_start3A_60 = arith.constant 0 : i32
      %dma_start3A_61 = arith.constant 0 : i32
      %dma_start3A_62 = tpu.memref_slice %dma_start3A_59[%add3A, %dma_start3A_60, %dma_start3A_61] : memref<32x79x128xi32, #tpu.memory_space<hbm>> -> memref<1x79x128xi32, #tpu.memory_space<hbm>>
      %dma_start3A_63 = tpu.memref_squeeze %dma_start3A_62 : memref<1x79x128xi32, #tpu.memory_space<hbm>> -> memref<79x128xi32, #tpu.memory_space<hbm>>
      tpu.enqueue_dma source(%dma_start3A_63 : memref<79x128xi32, #tpu.memory_space<hbm>>) target(%arg5 : memref<79x128xi32, #tpu.memory_space<vmem>>) target_semaphore(%run_scoped3A_45 : memref<!tpu.dma_semaphore, #tpu.memory_space<semaphore_mem>>)
      %dma_wait3A_64 = arith.constant 0 : i32
      %dma_wait3A_65 = arith.constant 0 : i32
      %dma_wait3A_66 = arith.constant 0 : i32
      %dma_wait3A_67 = tpu.memref_slice %arg3[%run_scoped3A, %dma_wait3A_64, %dma_wait3A_65, %dma_wait3A_66] : memref<2x32x79x128xi32, #tpu.memory_space<hbm>> -> memref<1x32x79x128xi32, #tpu.memory_space<hbm>>
      %dma_wait3A_68 = tpu.memref_squeeze %dma_wait3A_67 : memref<1x32x79x128xi32, #tpu.memory_space<hbm>> -> memref<32x79x128xi32, #tpu.memory_space<hbm>>
      %dma_wait3A_69 = arith.constant 0 : i32
      %dma_wait3A_70 = arith.constant 0 : i32
      %dma_wait3A_71 = tpu.memref_slice %dma_wait3A_68[%add3A, %dma_wait3A_69, %dma_wait3A_70] : memref<32x79x128xi32, #tpu.memory_space<hbm>> -> memref<1x79x128xi32, #tpu.memory_space<hbm>>
      %dma_wait3A_72 = tpu.memref_squeeze %dma_wait3A_71 : memref<1x79x128xi32, #tpu.memory_space<hbm>> -> memref<79x128xi32, #tpu.memory_space<hbm>>
      %dma_wait3A_73 = arith.constant 0 : i32
      %dma_wait3A_74 = arith.constant 0 : i32
      %dma_wait3A_75 = arith.constant 0 : i32
      %dma_wait3A_76 = tpu.memref_slice %arg3[%run_scoped3A, %dma_wait3A_73, %dma_wait3A_74, %dma_wait3A_75] : memref<2x32x79x128xi32, #tpu.memory_space<hbm>> -> memref<1x32x79x128xi32, #tpu.memory_space<hbm>>
      %dma_wait3A_77 = tpu.memref_squeeze %dma_wait3A_76 : memref<1x32x79x128xi32, #tpu.memory_space<hbm>> -> memref<32x79x128xi32, #tpu.memory_space<hbm>>
      %dma_wait3A_78 = arith.constant 0 : i32
      %dma_wait3A_79 = arith.constant 0 : i32
      %dma_wait3A_80 = tpu.memref_slice %dma_wait3A_77[%add3A, %dma_wait3A_78, %dma_wait3A_79] : memref<32x79x128xi32, #tpu.memory_space<hbm>> -> memref<1x79x128xi32, #tpu.memory_space<hbm>>
      %dma_wait3A_81 = tpu.memref_squeeze %dma_wait3A_80 : memref<1x79x128xi32, #tpu.memory_space<hbm>> -> memref<79x128xi32, #tpu.memory_space<hbm>>
      tpu.wait_dma2 semaphore(%run_scoped3A_45 : memref<!tpu.dma_semaphore, #tpu.memory_space<semaphore_mem>>) src(%dma_wait3A_81 : memref<79x128xi32, #tpu.memory_space<hbm>>) dst(%arg5 : memref<79x128xi32, #tpu.memory_space<vmem>>)
      tpu.yield
    }) : () -> ()
    %run_scoped3A_1 = arith.constant 1 : i32
    "tpu.region"() ({
      %run_scoped3A_45 = tpu.sem_alloc : memref<!tpu.dma_semaphore, #tpu.memory_space<semaphore_mem>>
      %dma_start3A_46 = arith.constant 0 : i32
      %dma_start3A_47 = arith.constant 0 : i32
      %dma_start3A_48 = arith.constant 0 : i32
      %dma_start3A_49 = tpu.memref_slice %arg3[%run_scoped3A_1, %dma_start3A_46, %dma_start3A_47, %dma_start3A_48] : memref<2x32x79x128xi32, #tpu.memory_space<hbm>> -> memref<1x32x79x128xi32, #tpu.memory_space<hbm>>
      %dma_start3A_50 = tpu.memref_squeeze %dma_start3A_49 : memref<1x32x79x128xi32, #tpu.memory_space<hbm>> -> memref<32x79x128xi32, #tpu.memory_space<hbm>>
      %dma_start3A_51 = arith.constant 0 : i32
      %dma_start3A_52 = arith.constant 0 : i32
      %dma_start3A_53 = tpu.memref_slice %dma_start3A_50[%add3A, %dma_start3A_51, %dma_start3A_52] : memref<32x79x128xi32, #tpu.memory_space<hbm>> -> memref<1x79x128xi32, #tpu.memory_space<hbm>>
      %dma_start3A_54 = tpu.memref_squeeze %dma_start3A_53 : memref<1x79x128xi32, #tpu.memory_space<hbm>> -> memref<79x128xi32, #tpu.memory_space<hbm>>
      %dma_start3A_55 = arith.constant 0 : i32
      %dma_start3A_56 = arith.constant 0 : i32
      %dma_start3A_57 = arith.constant 0 : i32
      %dma_start3A_58 = tpu.memref_slice %arg3[%run_scoped3A_1, %dma_start3A_55, %dma_start3A_56, %dma_start3A_57] : memref<2x32x79x128xi32, #tpu.memory_space<hbm>> -> memref<1x32x79x128xi32, #tpu.memory_space<hbm>>
      %dma_start3A_59 = tpu.memref_squeeze %dma_start3A_58 : memref<1x32x79x128xi32, #tpu.memory_space<hbm>> -> memref<32x79x128xi32, #tpu.memory_space<hbm>>
      %dma_start3A_60 = arith.constant 0 : i32
      %dma_start3A_61 = arith.constant 0 : i32
      %dma_start3A_62 = tpu.memref_slice %dma_start3A_59[%add3A, %dma_start3A_60, %dma_start3A_61] : memref<32x79x128xi32, #tpu.memory_space<hbm>> -> memref<1x79x128xi32, #tpu.memory_space<hbm>>
      %dma_start3A_63 = tpu.memref_squeeze %dma_start3A_62 : memref<1x79x128xi32, #tpu.memory_space<hbm>> -> memref<79x128xi32, #tpu.memory_space<hbm>>
      tpu.enqueue_dma source(%dma_start3A_63 : memref<79x128xi32, #tpu.memory_space<hbm>>) target(%arg6 : memref<79x128xi32, #tpu.memory_space<vmem>>) target_semaphore(%run_scoped3A_45 : memref<!tpu.dma_semaphore, #tpu.memory_space<semaphore_mem>>)
      %dma_wait3A_64 = arith.constant 0 : i32
      %dma_wait3A_65 = arith.constant 0 : i32
      %dma_wait3A_66 = arith.constant 0 : i32
      %dma_wait3A_67 = tpu.memref_slice %arg3[%run_scoped3A_1, %dma_wait3A_64, %dma_wait3A_65, %dma_wait3A_66] : memref<2x32x79x128xi32, #tpu.memory_space<hbm>> -> memref<1x32x79x128xi32, #tpu.memory_space<hbm>>
      %dma_wait3A_68 = tpu.memref_squeeze %dma_wait3A_67 : memref<1x32x79x128xi32, #tpu.memory_space<hbm>> -> memref<32x79x128xi32, #tpu.memory_space<hbm>>
      %dma_wait3A_69 = arith.constant 0 : i32
      %dma_wait3A_70 = arith.constant 0 : i32
      %dma_wait3A_71 = tpu.memref_slice %dma_wait3A_68[%add3A, %dma_wait3A_69, %dma_wait3A_70] : memref<32x79x128xi32, #tpu.memory_space<hbm>> -> memref<1x79x128xi32, #tpu.memory_space<hbm>>
      %dma_wait3A_72 = tpu.memref_squeeze %dma_wait3A_71 : memref<1x79x128xi32, #tpu.memory_space<hbm>> -> memref<79x128xi32, #tpu.memory_space<hbm>>
      %dma_wait3A_73 = arith.constant 0 : i32
      %dma_wait3A_74 = arith.constant 0 : i32
      %dma_wait3A_75 = arith.constant 0 : i32
      %dma_wait3A_76 = tpu.memref_slice %arg3[%run_scoped3A_1, %dma_wait3A_73, %dma_wait3A_74, %dma_wait3A_75] : memref<2x32x79x128xi32, #tpu.memory_space<hbm>> -> memref<1x32x79x128xi32, #tpu.memory_space<hbm>>
      %dma_wait3A_77 = tpu.memref_squeeze %dma_wait3A_76 : memref<1x32x79x128xi32, #tpu.memory_space<hbm>> -> memref<32x79x128xi32, #tpu.memory_space<hbm>>
      %dma_wait3A_78 = arith.constant 0 : i32
      %dma_wait3A_79 = arith.constant 0 : i32
      %dma_wait3A_80 = tpu.memref_slice %dma_wait3A_77[%add3A, %dma_wait3A_78, %dma_wait3A_79] : memref<32x79x128xi32, #tpu.memory_space<hbm>> -> memref<1x79x128xi32, #tpu.memory_space<hbm>>
      %dma_wait3A_81 = tpu.memref_squeeze %dma_wait3A_80 : memref<1x79x128xi32, #tpu.memory_space<hbm>> -> memref<79x128xi32, #tpu.memory_space<hbm>>
      tpu.wait_dma2 semaphore(%run_scoped3A_45 : memref<!tpu.dma_semaphore, #tpu.memory_space<semaphore_mem>>) src(%dma_wait3A_81 : memref<79x128xi32, #tpu.memory_space<hbm>>) dst(%arg6 : memref<79x128xi32, #tpu.memory_space<vmem>>)
      tpu.yield
    }) : () -> ()
    %broadcast_in_dim3A = arith.constant 0.000000e+00 : f32
    %broadcast_in_dim3A_2 = vector.broadcast %broadcast_in_dim3A : f32 to vector<16xf32>
    %scan3A = arith.constant 0 : i32
    %scan3A_3 = arith.constant 0 : i32
    %scan3A_4 = arith.constant 624 : i32
    %scan3A_5 = arith.addi %scan3A_3, %scan3A_4 : i32
    %scan3A_6 = arith.constant 1 : i32
    %scan3A_7 = scf.for %scan3A_45 = %scan3A_3 to %scan3A_5 step %scan3A_6 iter_args(%scan3A_46 = %scan3A) -> (i32)  : i32 {
      %swap3A = arith.index_cast %scan3A_45 : i32 to index
      %swap3A_47 = arith.constant 0 : index
      %swap3A_48 = tpu.vector_load %arg9[%swap3A, %swap3A_47] {strides = array<i32>} : memref<624x64xf32, #tpu.memory_space<vmem>>, vector<1x16xf32>,
      %swap3A_49 = vector.shape_cast %swap3A_48 : vector<1x16xf32> to vector<16xf32>
      %swap3A_50 = vector.shape_cast %broadcast_in_dim3A_2 : vector<16xf32> to vector<1x16xf32>
      tpu.vector_store %arg9[%swap3A, %swap3A_47], %swap3A_50 {strides = array<i32>} : memref<624x64xf32, #tpu.memory_space<vmem>>, vector<1x16xf32>,
      %swap3A_51 = arith.index_cast %scan3A_45 : i32 to index
      %swap3A_52 = arith.constant 16 : index
      %swap3A_53 = tpu.vector_load %arg9[%swap3A_51, %swap3A_52] {strides = array<i32>} : memref<624x64xf32, #tpu.memory_space<vmem>>, vector<1x16xf32>,
      %swap3A_54 = vector.shape_cast %swap3A_53 : vector<1x16xf32> to vector<16xf32>
      %swap3A_55 = vector.shape_cast %broadcast_in_dim3A_2 : vector<16xf32> to vector<1x16xf32>
      tpu.vector_store %arg9[%swap3A_51, %swap3A_52], %swap3A_55 {strides = array<i32>} : memref<624x64xf32, #tpu.memory_space<vmem>>, vector<1x16xf32>,
      %swap3A_56 = arith.index_cast %scan3A_45 : i32 to index
      %swap3A_57 = arith.constant 32 : index
      %swap3A_58 = tpu.vector_load %arg9[%swap3A_56, %swap3A_57] {strides = array<i32>} : memref<624x64xf32, #tpu.memory_space<vmem>>, vector<1x16xf32>,
      %swap3A_59 = vector.shape_cast %swap3A_58 : vector<1x16xf32> to vector<16xf32>
      %swap3A_60 = vector.shape_cast %broadcast_in_dim3A_2 : vector<16xf32> to vector<1x16xf32>
      tpu.vector_store %arg9[%swap3A_56, %swap3A_57], %swap3A_60 {strides = array<i32>} : memref<624x64xf32, #tpu.memory_space<vmem>>, vector<1x16xf32>,
      %swap3A_61 = arith.index_cast %scan3A_45 : i32 to index
      %swap3A_62 = arith.constant 48 : index
      %swap3A_63 = tpu.vector_load %arg9[%swap3A_61, %swap3A_62] {strides = array<i32>} : memref<624x64xf32, #tpu.memory_space<vmem>>, vector<1x16xf32>,
      %swap3A_64 = vector.shape_cast %swap3A_63 : vector<1x16xf32> to vector<16xf32>
      %swap3A_65 = vector.shape_cast %broadcast_in_dim3A_2 : vector<16xf32> to vector<1x16xf32>
      tpu.vector_store %arg9[%swap3A_61, %swap3A_62], %swap3A_65 {strides = array<i32>} : memref<624x64xf32, #tpu.memory_space<vmem>>, vector<1x16xf32>,
      %scan3A_66 = arith.constant 0 : i32
      scf.yield %scan3A_66 : i32
    }
    %scan3A_8 = arith.constant 624 : i32
    %mul3A_9 = arith.constant 624 : i32
    %mul3A_10 = arith.muli %arg1, %mul3A_9 : i32
    "tpu.region"() ({
      %run_scoped3A_45 = tpu.sem_alloc : memref<!tpu.dma_semaphore, #tpu.memory_space<semaphore_mem>>
      %dma_start3A_46 = arith.constant 0 : i32
      %dma_start3A_47 = arith.constant 0 : i32
      %dma_start3A_48 = tpu.memref_slice %arg9[%dma_start3A_46, %dma_start3A_47] : memref<624x64xf32, #tpu.memory_space<vmem>> -> memref<624x64xf32, #tpu.memory_space<vmem>>
      %dma_start3A_49 = arith.constant 0 : i32
      %dma_start3A_50 = tpu.memref_slice %arg10[%mul3A_10, %dma_start3A_49] : memref<10016x64xf32, #tpu.memory_space<vmem_shared>> -> memref<624x64xf32, #tpu.memory_space<vmem_shared>>
      %dma_start3A_51 = arith.constant 0 : i32
      %dma_start3A_52 = tpu.memref_slice %arg10[%mul3A_10, %dma_start3A_51] : memref<10016x64xf32, #tpu.memory_space<vmem_shared>> -> memref<624x64xf32, #tpu.memory_space<vmem_shared>>
      %dma_start3A_53 = arith.constant 0 : i32
      %dma_start3A_54 = arith.constant 0 : i32
      %dma_start3A_55 = tpu.memref_slice %arg9[%dma_start3A_53, %dma_start3A_54] : memref<624x64xf32, #tpu.memory_space<vmem>> -> memref<624x64xf32, #tpu.memory_space<vmem>>
      tpu.enqueue_dma source(%dma_start3A_55 : memref<624x64xf32, #tpu.memory_space<vmem>>) target(%dma_start3A_52 : memref<624x64xf32, #tpu.memory_space<vmem_shared>>) target_semaphore(%run_scoped3A_45 : memref<!tpu.dma_semaphore, #tpu.memory_space<semaphore_mem>>)
      %dma_wait3A_56 = arith.constant 0 : i32
      %dma_wait3A_57 = arith.constant 0 : i32
      %dma_wait3A_58 = tpu.memref_slice %arg9[%dma_wait3A_56, %dma_wait3A_57] : memref<624x64xf32, #tpu.memory_space<vmem>> -> memref<624x64xf32, #tpu.memory_space<vmem>>
      %dma_wait3A_59 = arith.constant 0 : i32
      %dma_wait3A_60 = tpu.memref_slice %arg10[%mul3A_10, %dma_wait3A_59] : memref<10016x64xf32, #tpu.memory_space<vmem_shared>> -> memref<624x64xf32, #tpu.memory_space<vmem_shared>>
      %dma_wait3A_61 = arith.constant 0 : i32
      %dma_wait3A_62 = tpu.memref_slice %arg10[%mul3A_10, %dma_wait3A_61] : memref<10016x64xf32, #tpu.memory_space<vmem_shared>> -> memref<624x64xf32, #tpu.memory_space<vmem_shared>>
      %dma_wait3A_63 = arith.constant 0 : i32
      %dma_wait3A_64 = arith.constant 0 : i32
      %dma_wait3A_65 = tpu.memref_slice %arg9[%dma_wait3A_63, %dma_wait3A_64] : memref<624x64xf32, #tpu.memory_space<vmem>> -> memref<624x64xf32, #tpu.memory_space<vmem>>
      tpu.wait_dma2 semaphore(%run_scoped3A_45 : memref<!tpu.dma_semaphore, #tpu.memory_space<semaphore_mem>>) src(%dma_wait3A_65 : memref<624x64xf32, #tpu.memory_space<vmem>>) dst(%dma_wait3A_62 : memref<624x64xf32, #tpu.memory_space<vmem_shared>>)
      tpu.yield
    }) : () -> ()
    %eq3A = arith.constant 15 : i32
    %eq3A_11 = arith.cmpi eq, %arg1, %eq3A : i32
    %convert_element_type3A = arith.extui %eq3A_11 : i1 to i32
    %cond3A = arith.constant 0 : i32
    %cond3A_12 = arith.cmpi ne, %convert_element_type3A, %cond3A : i32
    scf.if %cond3A_12 {
      "tpu.region"() ({
        %run_scoped3A_45 = tpu.sem_alloc : memref<!tpu.dma_semaphore, #tpu.memory_space<semaphore_mem>>
        %dma_start3A_46 = arith.constant 0 : i32
        %dma_start3A_47 = arith.constant 0 : i32
        %dma_start3A_48 = tpu.memref_slice %arg9[%dma_start3A_46, %dma_start3A_47] : memref<624x64xf32, #tpu.memory_space<vmem>> -> memref<32x64xf32, #tpu.memory_space<vmem>>
        %dma_start3A_49 = arith.constant 9984 : i32
        %dma_start3A_50 = arith.constant 0 : i32
        %dma_start3A_51 = tpu.memref_slice %arg10[%dma_start3A_49, %dma_start3A_50] : memref<10016x64xf32, #tpu.memory_space<vmem_shared>> -> memref<32x64xf32, #tpu.memory_space<vmem_shared>>
        %dma_start3A_52 = arith.constant 9984 : i32
        %dma_start3A_53 = arith.constant 0 : i32
        %dma_start3A_54 = tpu.memref_slice %arg10[%dma_start3A_52, %dma_start3A_53] : memref<10016x64xf32, #tpu.memory_space<vmem_shared>> -> memref<32x64xf32, #tpu.memory_space<vmem_shared>>
        %dma_start3A_55 = arith.constant 0 : i32
        %dma_start3A_56 = arith.constant 0 : i32
        %dma_start3A_57 = tpu.memref_slice %arg9[%dma_start3A_55, %dma_start3A_56] : memref<624x64xf32, #tpu.memory_space<vmem>> -> memref<32x64xf32, #tpu.memory_space<vmem>>
        tpu.enqueue_dma source(%dma_start3A_57 : memref<32x64xf32, #tpu.memory_space<vmem>>) target(%dma_start3A_54 : memref<32x64xf32, #tpu.memory_space<vmem_shared>>) target_semaphore(%run_scoped3A_45 : memref<!tpu.dma_semaphore, #tpu.memory_space<semaphore_mem>>)
        %dma_wait3A_58 = arith.constant 0 : i32
        %dma_wait3A_59 = arith.constant 0 : i32
        %dma_wait3A_60 = tpu.memref_slice %arg9[%dma_wait3A_58, %dma_wait3A_59] : memref<624x64xf32, #tpu.memory_space<vmem>> -> memref<32x64xf32, #tpu.memory_space<vmem>>
        %dma_wait3A_61 = arith.constant 9984 : i32
        %dma_wait3A_62 = arith.constant 0 : i32
        %dma_wait3A_63 = tpu.memref_slice %arg10[%dma_wait3A_61, %dma_wait3A_62] : memref<10016x64xf32, #tpu.memory_space<vmem_shared>> -> memref<32x64xf32, #tpu.memory_space<vmem_shared>>
        %dma_wait3A_64 = arith.constant 9984 : i32
        %dma_wait3A_65 = arith.constant 0 : i32
        %dma_wait3A_66 = tpu.memref_slice %arg10[%dma_wait3A_64, %dma_wait3A_65] : memref<10016x64xf32, #tpu.memory_space<vmem_shared>> -> memref<32x64xf32, #tpu.memory_space<vmem_shared>>
        %dma_wait3A_67 = arith.constant 0 : i32
        %dma_wait3A_68 = arith.constant 0 : i32
        %dma_wait3A_69 = tpu.memref_slice %arg9[%dma_wait3A_67, %dma_wait3A_68] : memref<624x64xf32, #tpu.memory_space<vmem>> -> memref<32x64xf32, #tpu.memory_space<vmem>>
        tpu.wait_dma2 semaphore(%run_scoped3A_45 : memref<!tpu.dma_semaphore, #tpu.memory_space<semaphore_mem>>) src(%dma_wait3A_69 : memref<32x64xf32, #tpu.memory_space<vmem>>) dst(%dma_wait3A_66 : memref<32x64xf32, #tpu.memory_space<vmem_shared>>)
        tpu.yield
      }) : () -> ()
    } else {
    }
    %barrier3A = arith.constant 0 : index
    tpu.barrier barrier_id(%barrier3A)
    %dma_start3A = arith.constant 0 : i32
    %dma_start3A_13 = arith.constant 0 : i32
    %dma_start3A_14 = tpu.memref_slice %arg5[%dma_start3A, %dma_start3A_13] : memref<79x128xi32, #tpu.memory_space<vmem>> -> memref<1x128xi32, #tpu.memory_space<vmem>>
    %dma_start3A_15 = tpu.memref_squeeze %dma_start3A_14 : memref<1x128xi32, #tpu.memory_space<vmem>> -> memref<128xi32, #tpu.memory_space<vmem>>
    %dma_start3A_16 = arith.constant 0 : i32
    %dma_start3A_17 = arith.constant 0 : i32
    %dma_start3A_18 = tpu.memref_slice %arg2[%dma_start3A_16, %dma_start3A_17] : memref<10000x64xf32, #tpu.memory_space<hbm>> -> memref<10000x64xf32, #tpu.memory_space<hbm>>
    tpu.enqueue_indirect_dma source(%dma_start3A_18 : memref<10000x64xf32, #tpu.memory_space<hbm>>) target(%arg7 : memref<128x64xf32, #tpu.memory_space<vmem>>) offsets(%dma_start3A_15 : memref<128xi32, #tpu.memory_space<vmem>>) semaphore(%arg11 : memref<!tpu.dma_semaphore, #tpu.memory_space<semaphore_mem>>)
    %scan3A_19 = arith.constant 0 : i32
    %scan3A_20 = arith.constant 0 : i32
    %scan3A_21 = arith.constant 39 : i32
    %scan3A_22 = arith.addi %scan3A_20, %scan3A_21 : i32
    %scan3A_23 = arith.constant 1 : i32
    %scan3A_24 = scf.for %scan3A_45 = %scan3A_20 to %scan3A_22 step %scan3A_23 iter_args(%scan3A_46 = %scan3A_19) -> (i32)  : i32 {
      %mul3A_47 = arith.constant 2 : i32
      %mul3A_48 = arith.muli %mul3A_47, %scan3A_45 : i32
      %add3A_49 = arith.constant 1 : i32
      %add3A_50 = arith.addi %mul3A_48, %add3A_49 : i32
      %dma_start3A_51 = arith.constant 0 : i32
      %dma_start3A_52 = tpu.memref_slice %arg5[%add3A_50, %dma_start3A_51] : memref<79x128xi32, #tpu.memory_space<vmem>> -> memref<1x128xi32, #tpu.memory_space<vmem>>
      %dma_start3A_53 = tpu.memref_squeeze %dma_start3A_52 : memref<1x128xi32, #tpu.memory_space<vmem>> -> memref<128xi32, #tpu.memory_space<vmem>>
      %dma_start3A_54 = arith.constant 0 : i32
      %dma_start3A_55 = arith.constant 0 : i32
      %dma_start3A_56 = tpu.memref_slice %arg2[%dma_start3A_54, %dma_start3A_55] : memref<10000x64xf32, #tpu.memory_space<hbm>> -> memref<10000x64xf32, #tpu.memory_space<hbm>>
      tpu.enqueue_indirect_dma source(%dma_start3A_56 : memref<10000x64xf32, #tpu.memory_space<hbm>>) target(%arg8 : memref<128x64xf32, #tpu.memory_space<vmem>>) offsets(%dma_start3A_53 : memref<128xi32, #tpu.memory_space<vmem>>) semaphore(%arg12 : memref<!tpu.dma_semaphore, #tpu.memory_space<semaphore_mem>>)
      %dma_wait3A_57 = arith.constant 0 : i32
      %dma_wait3A_58 = tpu.memref_slice %arg5[%mul3A_48, %dma_wait3A_57] : memref<79x128xi32, #tpu.memory_space<vmem>> -> memref<1x128xi32, #tpu.memory_space<vmem>>
      %dma_wait3A_59 = tpu.memref_squeeze %dma_wait3A_58 : memref<1x128xi32, #tpu.memory_space<vmem>> -> memref<128xi32, #tpu.memory_space<vmem>>
      %dma_wait3A_60 = arith.constant 0 : i32
      %dma_wait3A_61 = arith.constant 0 : i32
      %dma_wait3A_62 = tpu.memref_slice %arg2[%dma_wait3A_60, %dma_wait3A_61] : memref<10000x64xf32, #tpu.memory_space<hbm>> -> memref<10000x64xf32, #tpu.memory_space<hbm>>
      tpu.wait_indirect_dma semaphore(%arg11 : memref<!tpu.dma_semaphore, #tpu.memory_space<semaphore_mem>>) src(%dma_wait3A_62 : memref<10000x64xf32, #tpu.memory_space<hbm>>) dst(%arg7 : memref<128x64xf32, #tpu.memory_space<vmem>>)
      "tpu.region"() ({
        %run_scoped3A_82 = tpu.sem_alloc : memref<!tpu.dma_semaphore, #tpu.memory_space<semaphore_mem>>
        %dma_start3A_83 = arith.constant 0 : i32
        %dma_start3A_84 = tpu.memref_slice %arg6[%mul3A_48, %dma_start3A_83] : memref<79x128xi32, #tpu.memory_space<vmem>> -> memref<1x128xi32, #tpu.memory_space<vmem>>
        %dma_start3A_85 = tpu.memref_squeeze %dma_start3A_84 : memref<1x128xi32, #tpu.memory_space<vmem>> -> memref<128xi32, #tpu.memory_space<vmem>>
        %dma_start3A_86 = arith.constant 0 : i32
        %dma_start3A_87 = arith.constant 0 : i32
        %dma_start3A_88 = tpu.memref_slice %arg10[%dma_start3A_86, %dma_start3A_87] : memref<10016x64xf32, #tpu.memory_space<vmem_shared>> -> memref<10016x64xf32, #tpu.memory_space<vmem_shared>>
        tpu.enqueue_indirect_dma source(%arg7 : memref<128x64xf32, #tpu.memory_space<vmem>>) target(%dma_start3A_88 : memref<10016x64xf32, #tpu.memory_space<vmem_shared>>) offsets(%dma_start3A_85 : memref<128xi32, #tpu.memory_space<vmem>>) semaphore(%run_scoped3A_82 : memref<!tpu.dma_semaphore, #tpu.memory_space<semaphore_mem>>) {add = true}
        %dma_wait3A_89 = arith.constant 0 : i32
        %dma_wait3A_90 = tpu.memref_slice %arg6[%mul3A_48, %dma_wait3A_89] : memref<79x128xi32, #tpu.memory_space<vmem>> -> memref<1x128xi32, #tpu.memory_space<vmem>>
        %dma_wait3A_91 = tpu.memref_squeeze %dma_wait3A_90 : memref<1x128xi32, #tpu.memory_space<vmem>> -> memref<128xi32, #tpu.memory_space<vmem>>
        %dma_wait3A_92 = arith.constant 0 : i32
        %dma_wait3A_93 = arith.constant 0 : i32
        %dma_wait3A_94 = tpu.memref_slice %arg10[%dma_wait3A_92, %dma_wait3A_93] : memref<10016x64xf32, #tpu.memory_space<vmem_shared>> -> memref<10016x64xf32, #tpu.memory_space<vmem_shared>>
        tpu.wait_indirect_dma semaphore(%run_scoped3A_82 : memref<!tpu.dma_semaphore, #tpu.memory_space<semaphore_mem>>) src(%arg7 : memref<128x64xf32, #tpu.memory_space<vmem>>) dst(%dma_wait3A_94 : memref<10016x64xf32, #tpu.memory_space<vmem_shared>>)
        tpu.yield
      }) : () -> ()
      %add3A_63 = arith.constant 2 : i32
      %add3A_64 = arith.addi %mul3A_48, %add3A_63 : i32
      %dma_start3A_65 = arith.constant 0 : i32
      %dma_start3A_66 = tpu.memref_slice %arg5[%add3A_64, %dma_start3A_65] : memref<79x128xi32, #tpu.memory_space<vmem>> -> memref<1x128xi32, #tpu.memory_space<vmem>>
      %dma_start3A_67 = tpu.memref_squeeze %dma_start3A_66 : memref<1x128xi32, #tpu.memory_space<vmem>> -> memref<128xi32, #tpu.memory_space<vmem>>
      %dma_start3A_68 = arith.constant 0 : i32
      %dma_start3A_69 = arith.constant 0 : i32
      %dma_start3A_70 = tpu.memref_slice %arg2[%dma_start3A_68, %dma_start3A_69] : memref<10000x64xf32, #tpu.memory_space<hbm>> -> memref<10000x64xf32, #tpu.memory_space<hbm>>
      tpu.enqueue_indirect_dma source(%dma_start3A_70 : memref<10000x64xf32, #tpu.memory_space<hbm>>) target(%arg7 : memref<128x64xf32, #tpu.memory_space<vmem>>) offsets(%dma_start3A_67 : memref<128xi32, #tpu.memory_space<vmem>>) semaphore(%arg11 : memref<!tpu.dma_semaphore, #tpu.memory_space<semaphore_mem>>)
      %add3A_71 = arith.constant 1 : i32
      %add3A_72 = arith.addi %mul3A_48, %add3A_71 : i32
      %dma_wait3A_73 = arith.constant 0 : i32
      %dma_wait3A_74 = tpu.memref_slice %arg5[%add3A_72, %dma_wait3A_73] : memref<79x128xi32, #tpu.memory_space<vmem>> -> memref<1x128xi32, #tpu.memory_space<vmem>>
      %dma_wait3A_75 = tpu.memref_squeeze %dma_wait3A_74 : memref<1x128xi32, #tpu.memory_space<vmem>> -> memref<128xi32, #tpu.memory_space<vmem>>
      %dma_wait3A_76 = arith.constant 0 : i32
      %dma_wait3A_77 = arith.constant 0 : i32
      %dma_wait3A_78 = tpu.memref_slice %arg2[%dma_wait3A_76, %dma_wait3A_77] : memref<10000x64xf32, #tpu.memory_space<hbm>> -> memref<10000x64xf32, #tpu.memory_space<hbm>>
      tpu.wait_indirect_dma semaphore(%arg12 : memref<!tpu.dma_semaphore, #tpu.memory_space<semaphore_mem>>) src(%dma_wait3A_78 : memref<10000x64xf32, #tpu.memory_space<hbm>>) dst(%arg8 : memref<128x64xf32, #tpu.memory_space<vmem>>)
      %add3A_79 = arith.constant 1 : i32
      %add3A_80 = arith.addi %mul3A_48, %add3A_79 : i32
      "tpu.region"() ({
        %run_scoped3A_82 = tpu.sem_alloc : memref<!tpu.dma_semaphore, #tpu.memory_space<semaphore_mem>>
        %dma_start3A_83 = arith.constant 0 : i32
        %dma_start3A_84 = tpu.memref_slice %arg6[%add3A_80, %dma_start3A_83] : memref<79x128xi32, #tpu.memory_space<vmem>> -> memref<1x128xi32, #tpu.memory_space<vmem>>
        %dma_start3A_85 = tpu.memref_squeeze %dma_start3A_84 : memref<1x128xi32, #tpu.memory_space<vmem>> -> memref<128xi32, #tpu.memory_space<vmem>>
        %dma_start3A_86 = arith.constant 0 : i32
        %dma_start3A_87 = arith.constant 0 : i32
        %dma_start3A_88 = tpu.memref_slice %arg10[%dma_start3A_86, %dma_start3A_87] : memref<10016x64xf32, #tpu.memory_space<vmem_shared>> -> memref<10016x64xf32, #tpu.memory_space<vmem_shared>>
        tpu.enqueue_indirect_dma source(%arg8 : memref<128x64xf32, #tpu.memory_space<vmem>>) target(%dma_start3A_88 : memref<10016x64xf32, #tpu.memory_space<vmem_shared>>) offsets(%dma_start3A_85 : memref<128xi32, #tpu.memory_space<vmem>>) semaphore(%run_scoped3A_82 : memref<!tpu.dma_semaphore, #tpu.memory_space<semaphore_mem>>) {add = true}
        %dma_wait3A_89 = arith.constant 0 : i32
        %dma_wait3A_90 = tpu.memref_slice %arg6[%add3A_80, %dma_wait3A_89] : memref<79x128xi32, #tpu.memory_space<vmem>> -> memref<1x128xi32, #tpu.memory_space<vmem>>
        %dma_wait3A_91 = tpu.memref_squeeze %dma_wait3A_90 : memref<1x128xi32, #tpu.memory_space<vmem>> -> memref<128xi32, #tpu.memory_space<vmem>>
        %dma_wait3A_92 = arith.constant 0 : i32
        %dma_wait3A_93 = arith.constant 0 : i32
        %dma_wait3A_94 = tpu.memref_slice %arg10[%dma_wait3A_92, %dma_wait3A_93] : memref<10016x64xf32, #tpu.memory_space<vmem_shared>> -> memref<10016x64xf32, #tpu.memory_space<vmem_shared>>
        tpu.wait_indirect_dma semaphore(%run_scoped3A_82 : memref<!tpu.dma_semaphore, #tpu.memory_space<semaphore_mem>>) src(%arg8 : memref<128x64xf32, #tpu.memory_space<vmem>>) dst(%dma_wait3A_94 : memref<10016x64xf32, #tpu.memory_space<vmem_shared>>)
        tpu.yield
      }) : () -> ()
      %scan3A_81 = arith.constant 0 : i32
      scf.yield %scan3A_81 : i32
    }
    %scan3A_25 = arith.constant 39 : i32
    %dma_wait3A = arith.constant 78 : i32
    %dma_wait3A_26 = arith.constant 0 : i32
    %dma_wait3A_27 = tpu.memref_slice %arg5[%dma_wait3A, %dma_wait3A_26] : memref<79x128xi32, #tpu.memory_space<vmem>> -> memref<1x128xi32, #tpu.memory_space<vmem>>
    %dma_wait3A_28 = tpu.memref_squeeze %dma_wait3A_27 : memref<1x128xi32, #tpu.memory_space<vmem>> -> memref<128xi32, #tpu.memory_space<vmem>>
    %dma_wait3A_29 = arith.constant 0 : i32
    %dma_wait3A_30 = arith.constant 0 : i32
    %dma_wait3A_31 = tpu.memref_slice %arg2[%dma_wait3A_29, %dma_wait3A_30] : memref<10000x64xf32, #tpu.memory_space<hbm>> -> memref<10000x64xf32, #tpu.memory_space<hbm>>
    tpu.wait_indirect_dma semaphore(%arg11 : memref<!tpu.dma_semaphore, #tpu.memory_space<semaphore_mem>>) src(%dma_wait3A_31 : memref<10000x64xf32, #tpu.memory_space<hbm>>) dst(%arg7 : memref<128x64xf32, #tpu.memory_space<vmem>>)
    %run_scoped3A_32 = arith.constant 78 : i32
    "tpu.region"() ({
      %run_scoped3A_45 = tpu.sem_alloc : memref<!tpu.dma_semaphore, #tpu.memory_space<semaphore_mem>>
      %dma_start3A_46 = arith.constant 0 : i32
      %dma_start3A_47 = tpu.memref_slice %arg6[%run_scoped3A_32, %dma_start3A_46] : memref<79x128xi32, #tpu.memory_space<vmem>> -> memref<1x128xi32, #tpu.memory_space<vmem>>
      %dma_start3A_48 = tpu.memref_squeeze %dma_start3A_47 : memref<1x128xi32, #tpu.memory_space<vmem>> -> memref<128xi32, #tpu.memory_space<vmem>>
      %dma_start3A_49 = arith.constant 0 : i32
      %dma_start3A_50 = arith.constant 0 : i32
      %dma_start3A_51 = tpu.memref_slice %arg10[%dma_start3A_49, %dma_start3A_50] : memref<10016x64xf32, #tpu.memory_space<vmem_shared>> -> memref<10016x64xf32, #tpu.memory_space<vmem_shared>>
      tpu.enqueue_indirect_dma source(%arg7 : memref<128x64xf32, #tpu.memory_space<vmem>>) target(%dma_start3A_51 : memref<10016x64xf32, #tpu.memory_space<vmem_shared>>) offsets(%dma_start3A_48 : memref<128xi32, #tpu.memory_space<vmem>>) semaphore(%run_scoped3A_45 : memref<!tpu.dma_semaphore, #tpu.memory_space<semaphore_mem>>) {add = true}
      %dma_wait3A_52 = arith.constant 0 : i32
      %dma_wait3A_53 = tpu.memref_slice %arg6[%run_scoped3A_32, %dma_wait3A_52] : memref<79x128xi32, #tpu.memory_space<vmem>> -> memref<1x128xi32, #tpu.memory_space<vmem>>
      %dma_wait3A_54 = tpu.memref_squeeze %dma_wait3A_53 : memref<1x128xi32, #tpu.memory_space<vmem>> -> memref<128xi32, #tpu.memory_space<vmem>>
      %dma_wait3A_55 = arith.constant 0 : i32
      %dma_wait3A_56 = arith.constant 0 : i32
      %dma_wait3A_57 = tpu.memref_slice %arg10[%dma_wait3A_55, %dma_wait3A_56] : memref<10016x64xf32, #tpu.memory_space<vmem_shared>> -> memref<10016x64xf32, #tpu.memory_space<vmem_shared>>
      tpu.wait_indirect_dma semaphore(%run_scoped3A_45 : memref<!tpu.dma_semaphore, #tpu.memory_space<semaphore_mem>>) src(%arg7 : memref<128x64xf32, #tpu.memory_space<vmem>>) dst(%dma_wait3A_57 : memref<10016x64xf32, #tpu.memory_space<vmem_shared>>)
      tpu.yield
    }) : () -> ()
    %barrier3A_33 = arith.constant 0 : index
    tpu.barrier barrier_id(%barrier3A_33)
    %mul3A_34 = arith.constant 624 : i32
    %mul3A_35 = arith.muli %arg1, %mul3A_34 : i32
    %mul3A_36 = arith.constant 624 : i32
    %mul3A_37 = arith.muli %arg1, %mul3A_36 : i32
    %mul3A_38 = arith.constant 64 : i32
    %mul3A_39 = arith.muli %arg0, %mul3A_38 : i32
    "tpu.region"() ({
      %run_scoped3A_45 = tpu.sem_alloc : memref<!tpu.dma_semaphore, #tpu.memory_space<semaphore_mem>>
      %dma_start3A_46 = tpu.memref_slice %arg4[%mul3A_37, %mul3A_39] : memref<10000x128xf32, #tpu.memory_space<hbm>> -> memref<624x64xf32, #tpu.memory_space<hbm>>
      %dma_start3A_47 = arith.constant 0 : i32
      %dma_start3A_48 = tpu.memref_slice %arg10[%mul3A_35, %dma_start3A_47] : memref<10016x64xf32, #tpu.memory_space<vmem_shared>> -> memref<624x64xf32, #tpu.memory_space<vmem_shared>>
      tpu.enqueue_dma source(%dma_start3A_48 : memref<624x64xf32, #tpu.memory_space<vmem_shared>>) target(%dma_start3A_46 : memref<624x64xf32, #tpu.memory_space<hbm>>) target_semaphore(%run_scoped3A_45 : memref<!tpu.dma_semaphore, #tpu.memory_space<semaphore_mem>>)
      %dma_wait3A_49 = tpu.memref_slice %arg4[%mul3A_37, %mul3A_39] : memref<10000x128xf32, #tpu.memory_space<hbm>> -> memref<624x64xf32, #tpu.memory_space<hbm>>
      %dma_wait3A_50 = arith.constant 0 : i32
      %dma_wait3A_51 = tpu.memref_slice %arg10[%mul3A_35, %dma_wait3A_50] : memref<10016x64xf32, #tpu.memory_space<vmem_shared>> -> memref<624x64xf32, #tpu.memory_space<vmem_shared>>
      tpu.wait_dma2 semaphore(%run_scoped3A_45 : memref<!tpu.dma_semaphore, #tpu.memory_space<semaphore_mem>>) src(%dma_wait3A_51 : memref<624x64xf32, #tpu.memory_space<vmem_shared>>) dst(%dma_wait3A_49 : memref<624x64xf32, #tpu.memory_space<hbm>>)
      tpu.yield
    }) : () -> ()
    %eq3A_40 = arith.constant 15 : i32
    %eq3A_41 = arith.cmpi eq, %arg1, %eq3A_40 : i32
    %convert_element_type3A_42 = arith.extui %eq3A_41 : i1 to i32
    %cond3A_43 = arith.constant 0 : i32
    %cond3A_44 = arith.cmpi ne, %convert_element_type3A_42, %cond3A_43 : i32
    scf.if %cond3A_44 {
      %mul3A_45 = arith.constant 64 : i32
      %mul3A_46 = arith.muli %arg0, %mul3A_45 : i32
      "tpu.region"() ({
        %run_scoped3A_47 = tpu.sem_alloc : memref<!tpu.dma_semaphore, #tpu.memory_space<semaphore_mem>>
        %dma_start3A_48 = arith.constant 9984 : i32
        %dma_start3A_49 = tpu.memref_slice %arg4[%dma_start3A_48, %mul3A_46] : memref<10000x128xf32, #tpu.memory_space<hbm>> -> memref<16x64xf32, #tpu.memory_space<hbm>>
        %dma_start3A_50 = arith.constant 9984 : i32
        %dma_start3A_51 = arith.constant 0 : i32
        %dma_start3A_52 = tpu.memref_slice %arg10[%dma_start3A_50, %dma_start3A_51] : memref<10016x64xf32, #tpu.memory_space<vmem_shared>> -> memref<16x64xf32, #tpu.memory_space<vmem_shared>>
        tpu.enqueue_dma source(%dma_start3A_52 : memref<16x64xf32, #tpu.memory_space<vmem_shared>>) target(%dma_start3A_49 : memref<16x64xf32, #tpu.memory_space<hbm>>) target_semaphore(%run_scoped3A_47 : memref<!tpu.dma_semaphore, #tpu.memory_space<semaphore_mem>>)
        %dma_wait3A_53 = arith.constant 9984 : i32
        %dma_wait3A_54 = tpu.memref_slice %arg4[%dma_wait3A_53, %mul3A_46] : memref<10000x128xf32, #tpu.memory_space<hbm>> -> memref<16x64xf32, #tpu.memory_space<hbm>>
        %dma_wait3A_55 = arith.constant 9984 : i32
        %dma_wait3A_56 = arith.constant 0 : i32
        %dma_wait3A_57 = tpu.memref_slice %arg10[%dma_wait3A_55, %dma_wait3A_56] : memref<10016x64xf32, #tpu.memory_space<vmem_shared>> -> memref<16x64xf32, #tpu.memory_space<vmem_shared>>
        tpu.wait_dma2 semaphore(%run_scoped3A_47 : memref<!tpu.dma_semaphore, #tpu.memory_space<semaphore_mem>>) src(%dma_wait3A_57 : memref<16x64xf32, #tpu.memory_space<vmem_shared>>) dst(%dma_wait3A_54 : memref<16x64xf32, #tpu.memory_space<hbm>>)
        tpu.yield
      }) : () -> ()
    } else {
    }
    return
  }
}

#map = affine_map<(d0, d1) -> (0, 0, 0, 0)>
#map1 = affine_map<(d0, d1) -> (0, 0)>
module attributes {stable_mosaic.version = 14 : i64} {
  func.func @_sc_degree_body(%arg0: i32, %arg1: i32, %arg2: memref<2x32x79x128xi32, #tpu.memory_space<hbm>>, %arg3: memref<10000x128xf32, #tpu.memory_space<hbm>>, %arg4: memref<79x128xi32, #tpu.memory_space<vmem>>, %arg5: memref<128x16xf32, #tpu.memory_space<vmem>>, %arg6: memref<624x16xf32, #tpu.memory_space<vmem>>, %arg7: memref<10016x16xf32, #tpu.memory_space<vmem_shared>>) attributes {dimension_semantics = [#tpu.dimension_semantics<core_parallel>, #tpu.dimension_semantics<subcore_parallel>], iteration_bounds = array<i64: 2, 16>, scalar_prefetch = 0 : i64, scratch_operands = 4 : i64, tpu.core_type = #tpu.core_type<sc_vector_subcore>, window_params = [{transform_indices = #map}, {transform_indices = #map1}]} {
    %mul3A = arith.constant 16 : i32
    %mul3A_0 = arith.muli %arg0, %mul3A : i32
    %add3A = arith.addi %mul3A_0, %arg1 : i32
    %run_scoped3A = arith.constant 1 : i32
    "tpu.region"() ({
      %run_scoped3A_40 = tpu.sem_alloc : memref<!tpu.dma_semaphore, #tpu.memory_space<semaphore_mem>>
      %dma_start3A = arith.constant 0 : i32
      %dma_start3A_41 = arith.constant 0 : i32
      %dma_start3A_42 = arith.constant 0 : i32
      %dma_start3A_43 = tpu.memref_slice %arg2[%run_scoped3A, %dma_start3A, %dma_start3A_41, %dma_start3A_42] : memref<2x32x79x128xi32, #tpu.memory_space<hbm>> -> memref<1x32x79x128xi32, #tpu.memory_space<hbm>>
      %dma_start3A_44 = tpu.memref_squeeze %dma_start3A_43 : memref<1x32x79x128xi32, #tpu.memory_space<hbm>> -> memref<32x79x128xi32, #tpu.memory_space<hbm>>
      %dma_start3A_45 = arith.constant 0 : i32
      %dma_start3A_46 = arith.constant 0 : i32
      %dma_start3A_47 = tpu.memref_slice %dma_start3A_44[%add3A, %dma_start3A_45, %dma_start3A_46] : memref<32x79x128xi32, #tpu.memory_space<hbm>> -> memref<1x79x128xi32, #tpu.memory_space<hbm>>
      %dma_start3A_48 = tpu.memref_squeeze %dma_start3A_47 : memref<1x79x128xi32, #tpu.memory_space<hbm>> -> memref<79x128xi32, #tpu.memory_space<hbm>>
      %dma_start3A_49 = arith.constant 0 : i32
      %dma_start3A_50 = arith.constant 0 : i32
      %dma_start3A_51 = arith.constant 0 : i32
      %dma_start3A_52 = tpu.memref_slice %arg2[%run_scoped3A, %dma_start3A_49, %dma_start3A_50, %dma_start3A_51] : memref<2x32x79x128xi32, #tpu.memory_space<hbm>> -> memref<1x32x79x128xi32, #tpu.memory_space<hbm>>
      %dma_start3A_53 = tpu.memref_squeeze %dma_start3A_52 : memref<1x32x79x128xi32, #tpu.memory_space<hbm>> -> memref<32x79x128xi32, #tpu.memory_space<hbm>>
      %dma_start3A_54 = arith.constant 0 : i32
      %dma_start3A_55 = arith.constant 0 : i32
      %dma_start3A_56 = tpu.memref_slice %dma_start3A_53[%add3A, %dma_start3A_54, %dma_start3A_55] : memref<32x79x128xi32, #tpu.memory_space<hbm>> -> memref<1x79x128xi32, #tpu.memory_space<hbm>>
      %dma_start3A_57 = tpu.memref_squeeze %dma_start3A_56 : memref<1x79x128xi32, #tpu.memory_space<hbm>> -> memref<79x128xi32, #tpu.memory_space<hbm>>
      tpu.enqueue_dma source(%dma_start3A_57 : memref<79x128xi32, #tpu.memory_space<hbm>>) target(%arg4 : memref<79x128xi32, #tpu.memory_space<vmem>>) target_semaphore(%run_scoped3A_40 : memref<!tpu.dma_semaphore, #tpu.memory_space<semaphore_mem>>)
      %dma_wait3A = arith.constant 0 : i32
      %dma_wait3A_58 = arith.constant 0 : i32
      %dma_wait3A_59 = arith.constant 0 : i32
      %dma_wait3A_60 = tpu.memref_slice %arg2[%run_scoped3A, %dma_wait3A, %dma_wait3A_58, %dma_wait3A_59] : memref<2x32x79x128xi32, #tpu.memory_space<hbm>> -> memref<1x32x79x128xi32, #tpu.memory_space<hbm>>
      %dma_wait3A_61 = tpu.memref_squeeze %dma_wait3A_60 : memref<1x32x79x128xi32, #tpu.memory_space<hbm>> -> memref<32x79x128xi32, #tpu.memory_space<hbm>>
      %dma_wait3A_62 = arith.constant 0 : i32
      %dma_wait3A_63 = arith.constant 0 : i32
      %dma_wait3A_64 = tpu.memref_slice %dma_wait3A_61[%add3A, %dma_wait3A_62, %dma_wait3A_63] : memref<32x79x128xi32, #tpu.memory_space<hbm>> -> memref<1x79x128xi32, #tpu.memory_space<hbm>>
      %dma_wait3A_65 = tpu.memref_squeeze %dma_wait3A_64 : memref<1x79x128xi32, #tpu.memory_space<hbm>> -> memref<79x128xi32, #tpu.memory_space<hbm>>
      %dma_wait3A_66 = arith.constant 0 : i32
      %dma_wait3A_67 = arith.constant 0 : i32
      %dma_wait3A_68 = arith.constant 0 : i32
      %dma_wait3A_69 = tpu.memref_slice %arg2[%run_scoped3A, %dma_wait3A_66, %dma_wait3A_67, %dma_wait3A_68] : memref<2x32x79x128xi32, #tpu.memory_space<hbm>> -> memref<1x32x79x128xi32, #tpu.memory_space<hbm>>
      %dma_wait3A_70 = tpu.memref_squeeze %dma_wait3A_69 : memref<1x32x79x128xi32, #tpu.memory_space<hbm>> -> memref<32x79x128xi32, #tpu.memory_space<hbm>>
      %dma_wait3A_71 = arith.constant 0 : i32
      %dma_wait3A_72 = arith.constant 0 : i32
      %dma_wait3A_73 = tpu.memref_slice %dma_wait3A_70[%add3A, %dma_wait3A_71, %dma_wait3A_72] : memref<32x79x128xi32, #tpu.memory_space<hbm>> -> memref<1x79x128xi32, #tpu.memory_space<hbm>>
      %dma_wait3A_74 = tpu.memref_squeeze %dma_wait3A_73 : memref<1x79x128xi32, #tpu.memory_space<hbm>> -> memref<79x128xi32, #tpu.memory_space<hbm>>
      tpu.wait_dma2 semaphore(%run_scoped3A_40 : memref<!tpu.dma_semaphore, #tpu.memory_space<semaphore_mem>>) src(%dma_wait3A_74 : memref<79x128xi32, #tpu.memory_space<hbm>>) dst(%arg4 : memref<79x128xi32, #tpu.memory_space<vmem>>)
      tpu.yield
    }) : () -> ()
    %broadcast_in_dim3A = arith.constant 1.000000e+00 : f32
    %broadcast_in_dim3A_1 = vector.broadcast %broadcast_in_dim3A : f32 to vector<16xf32>
    %scan3A = arith.constant 0 : i32
    %scan3A_2 = arith.constant 0 : i32
    %scan3A_3 = arith.constant 128 : i32
    %scan3A_4 = arith.addi %scan3A_2, %scan3A_3 : i32
    %scan3A_5 = arith.constant 1 : i32
    %scan3A_6 = scf.for %scan3A_40 = %scan3A_2 to %scan3A_4 step %scan3A_5 iter_args(%scan3A_41 = %scan3A) -> (i32)  : i32 {
      %swap3A = arith.index_cast %scan3A_40 : i32 to index
      %swap3A_42 = arith.constant 0 : index
      %swap3A_43 = tpu.vector_load %arg5[%swap3A, %swap3A_42] {strides = array<i32>} : memref<128x16xf32, #tpu.memory_space<vmem>>, vector<1x16xf32>,
      %swap3A_44 = vector.shape_cast %swap3A_43 : vector<1x16xf32> to vector<16xf32>
      %swap3A_45 = vector.shape_cast %broadcast_in_dim3A_1 : vector<16xf32> to vector<1x16xf32>
      tpu.vector_store %arg5[%swap3A, %swap3A_42], %swap3A_45 {strides = array<i32>} : memref<128x16xf32, #tpu.memory_space<vmem>>, vector<1x16xf32>,
      %scan3A_46 = arith.constant 0 : i32
      scf.yield %scan3A_46 : i32
    }
    %scan3A_7 = arith.constant 128 : i32
    %broadcast_in_dim3A_8 = arith.constant 0.000000e+00 : f32
    %broadcast_in_dim3A_9 = vector.broadcast %broadcast_in_dim3A_8 : f32 to vector<16xf32>
    %scan3A_10 = arith.constant 0 : i32
    %scan3A_11 = arith.constant 0 : i32
    %scan3A_12 = arith.constant 624 : i32
    %scan3A_13 = arith.addi %scan3A_11, %scan3A_12 : i32
    %scan3A_14 = arith.constant 1 : i32
    %scan3A_15 = scf.for %scan3A_40 = %scan3A_11 to %scan3A_13 step %scan3A_14 iter_args(%scan3A_41 = %scan3A_10) -> (i32)  : i32 {
      %swap3A = arith.index_cast %scan3A_40 : i32 to index
      %swap3A_42 = arith.constant 0 : index
      %swap3A_43 = tpu.vector_load %arg6[%swap3A, %swap3A_42] {strides = array<i32>} : memref<624x16xf32, #tpu.memory_space<vmem>>, vector<1x16xf32>,
      %swap3A_44 = vector.shape_cast %swap3A_43 : vector<1x16xf32> to vector<16xf32>
      %swap3A_45 = vector.shape_cast %broadcast_in_dim3A_9 : vector<16xf32> to vector<1x16xf32>
      tpu.vector_store %arg6[%swap3A, %swap3A_42], %swap3A_45 {strides = array<i32>} : memref<624x16xf32, #tpu.memory_space<vmem>>, vector<1x16xf32>,
      %scan3A_46 = arith.constant 0 : i32
      scf.yield %scan3A_46 : i32
    }
    %scan3A_16 = arith.constant 624 : i32
    %mul3A_17 = arith.constant 624 : i32
    %mul3A_18 = arith.muli %arg1, %mul3A_17 : i32
    "tpu.region"() ({
      %run_scoped3A_40 = tpu.sem_alloc : memref<!tpu.dma_semaphore, #tpu.memory_space<semaphore_mem>>
      %dma_start3A = arith.constant 0 : i32
      %dma_start3A_41 = arith.constant 0 : i32
      %dma_start3A_42 = tpu.memref_slice %arg6[%dma_start3A, %dma_start3A_41] : memref<624x16xf32, #tpu.memory_space<vmem>> -> memref<624x16xf32, #tpu.memory_space<vmem>>
      %dma_start3A_43 = arith.constant 0 : i32
      %dma_start3A_44 = tpu.memref_slice %arg7[%mul3A_18, %dma_start3A_43] : memref<10016x16xf32, #tpu.memory_space<vmem_shared>> -> memref<624x16xf32, #tpu.memory_space<vmem_shared>>
      %dma_start3A_45 = arith.constant 0 : i32
      %dma_start3A_46 = tpu.memref_slice %arg7[%mul3A_18, %dma_start3A_45] : memref<10016x16xf32, #tpu.memory_space<vmem_shared>> -> memref<624x16xf32, #tpu.memory_space<vmem_shared>>
      %dma_start3A_47 = arith.constant 0 : i32
      %dma_start3A_48 = arith.constant 0 : i32
      %dma_start3A_49 = tpu.memref_slice %arg6[%dma_start3A_47, %dma_start3A_48] : memref<624x16xf32, #tpu.memory_space<vmem>> -> memref<624x16xf32, #tpu.memory_space<vmem>>
      tpu.enqueue_dma source(%dma_start3A_49 : memref<624x16xf32, #tpu.memory_space<vmem>>) target(%dma_start3A_46 : memref<624x16xf32, #tpu.memory_space<vmem_shared>>) target_semaphore(%run_scoped3A_40 : memref<!tpu.dma_semaphore, #tpu.memory_space<semaphore_mem>>)
      %dma_wait3A = arith.constant 0 : i32
      %dma_wait3A_50 = arith.constant 0 : i32
      %dma_wait3A_51 = tpu.memref_slice %arg6[%dma_wait3A, %dma_wait3A_50] : memref<624x16xf32, #tpu.memory_space<vmem>> -> memref<624x16xf32, #tpu.memory_space<vmem>>
      %dma_wait3A_52 = arith.constant 0 : i32
      %dma_wait3A_53 = tpu.memref_slice %arg7[%mul3A_18, %dma_wait3A_52] : memref<10016x16xf32, #tpu.memory_space<vmem_shared>> -> memref<624x16xf32, #tpu.memory_space<vmem_shared>>
      %dma_wait3A_54 = arith.constant 0 : i32
      %dma_wait3A_55 = tpu.memref_slice %arg7[%mul3A_18, %dma_wait3A_54] : memref<10016x16xf32, #tpu.memory_space<vmem_shared>> -> memref<624x16xf32, #tpu.memory_space<vmem_shared>>
      %dma_wait3A_56 = arith.constant 0 : i32
      %dma_wait3A_57 = arith.constant 0 : i32
      %dma_wait3A_58 = tpu.memref_slice %arg6[%dma_wait3A_56, %dma_wait3A_57] : memref<624x16xf32, #tpu.memory_space<vmem>> -> memref<624x16xf32, #tpu.memory_space<vmem>>
      tpu.wait_dma2 semaphore(%run_scoped3A_40 : memref<!tpu.dma_semaphore, #tpu.memory_space<semaphore_mem>>) src(%dma_wait3A_58 : memref<624x16xf32, #tpu.memory_space<vmem>>) dst(%dma_wait3A_55 : memref<624x16xf32, #tpu.memory_space<vmem_shared>>)
      tpu.yield
    }) : () -> ()
    %eq3A = arith.constant 15 : i32
    %eq3A_19 = arith.cmpi eq, %arg1, %eq3A : i32
    %convert_element_type3A = arith.extui %eq3A_19 : i1 to i32
    %cond3A = arith.constant 0 : i32
    %cond3A_20 = arith.cmpi ne, %convert_element_type3A, %cond3A : i32
    scf.if %cond3A_20 {
      "tpu.region"() ({
        %run_scoped3A_40 = tpu.sem_alloc : memref<!tpu.dma_semaphore, #tpu.memory_space<semaphore_mem>>
        %dma_start3A = arith.constant 0 : i32
        %dma_start3A_41 = arith.constant 0 : i32
        %dma_start3A_42 = tpu.memref_slice %arg6[%dma_start3A, %dma_start3A_41] : memref<624x16xf32, #tpu.memory_space<vmem>> -> memref<32x16xf32, #tpu.memory_space<vmem>>
        %dma_start3A_43 = arith.constant 9984 : i32
        %dma_start3A_44 = arith.constant 0 : i32
        %dma_start3A_45 = tpu.memref_slice %arg7[%dma_start3A_43, %dma_start3A_44] : memref<10016x16xf32, #tpu.memory_space<vmem_shared>> -> memref<32x16xf32, #tpu.memory_space<vmem_shared>>
        %dma_start3A_46 = arith.constant 9984 : i32
        %dma_start3A_47 = arith.constant 0 : i32
        %dma_start3A_48 = tpu.memref_slice %arg7[%dma_start3A_46, %dma_start3A_47] : memref<10016x16xf32, #tpu.memory_space<vmem_shared>> -> memref<32x16xf32, #tpu.memory_space<vmem_shared>>
        %dma_start3A_49 = arith.constant 0 : i32
        %dma_start3A_50 = arith.constant 0 : i32
        %dma_start3A_51 = tpu.memref_slice %arg6[%dma_start3A_49, %dma_start3A_50] : memref<624x16xf32, #tpu.memory_space<vmem>> -> memref<32x16xf32, #tpu.memory_space<vmem>>
        tpu.enqueue_dma source(%dma_start3A_51 : memref<32x16xf32, #tpu.memory_space<vmem>>) target(%dma_start3A_48 : memref<32x16xf32, #tpu.memory_space<vmem_shared>>) target_semaphore(%run_scoped3A_40 : memref<!tpu.dma_semaphore, #tpu.memory_space<semaphore_mem>>)
        %dma_wait3A = arith.constant 0 : i32
        %dma_wait3A_52 = arith.constant 0 : i32
        %dma_wait3A_53 = tpu.memref_slice %arg6[%dma_wait3A, %dma_wait3A_52] : memref<624x16xf32, #tpu.memory_space<vmem>> -> memref<32x16xf32, #tpu.memory_space<vmem>>
        %dma_wait3A_54 = arith.constant 9984 : i32
        %dma_wait3A_55 = arith.constant 0 : i32
        %dma_wait3A_56 = tpu.memref_slice %arg7[%dma_wait3A_54, %dma_wait3A_55] : memref<10016x16xf32, #tpu.memory_space<vmem_shared>> -> memref<32x16xf32, #tpu.memory_space<vmem_shared>>
        %dma_wait3A_57 = arith.constant 9984 : i32
        %dma_wait3A_58 = arith.constant 0 : i32
        %dma_wait3A_59 = tpu.memref_slice %arg7[%dma_wait3A_57, %dma_wait3A_58] : memref<10016x16xf32, #tpu.memory_space<vmem_shared>> -> memref<32x16xf32, #tpu.memory_space<vmem_shared>>
        %dma_wait3A_60 = arith.constant 0 : i32
        %dma_wait3A_61 = arith.constant 0 : i32
        %dma_wait3A_62 = tpu.memref_slice %arg6[%dma_wait3A_60, %dma_wait3A_61] : memref<624x16xf32, #tpu.memory_space<vmem>> -> memref<32x16xf32, #tpu.memory_space<vmem>>
        tpu.wait_dma2 semaphore(%run_scoped3A_40 : memref<!tpu.dma_semaphore, #tpu.memory_space<semaphore_mem>>) src(%dma_wait3A_62 : memref<32x16xf32, #tpu.memory_space<vmem>>) dst(%dma_wait3A_59 : memref<32x16xf32, #tpu.memory_space<vmem_shared>>)
        tpu.yield
      }) : () -> ()
    } else {
    }
    %barrier3A = arith.constant 0 : index
    tpu.barrier barrier_id(%barrier3A)
    %scan3A_21 = arith.constant 0 : i32
    %scan3A_22 = arith.constant 0 : i32
    %scan3A_23 = arith.constant 79 : i32
    %scan3A_24 = arith.addi %scan3A_22, %scan3A_23 : i32
    %scan3A_25 = arith.constant 1 : i32
    %scan3A_26 = scf.for %scan3A_40 = %scan3A_22 to %scan3A_24 step %scan3A_25 iter_args(%scan3A_41 = %scan3A_21) -> (i32)  : i32 {
      "tpu.region"() ({
        %run_scoped3A_43 = tpu.sem_alloc : memref<!tpu.dma_semaphore, #tpu.memory_space<semaphore_mem>>
        %dma_start3A = arith.constant 0 : i32
        %dma_start3A_44 = tpu.memref_slice %arg4[%scan3A_40, %dma_start3A] : memref<79x128xi32, #tpu.memory_space<vmem>> -> memref<1x128xi32, #tpu.memory_space<vmem>>
        %dma_start3A_45 = tpu.memref_squeeze %dma_start3A_44 : memref<1x128xi32, #tpu.memory_space<vmem>> -> memref<128xi32, #tpu.memory_space<vmem>>
        %dma_start3A_46 = arith.constant 0 : i32
        %dma_start3A_47 = arith.constant 0 : i32
        %dma_start3A_48 = tpu.memref_slice %arg7[%dma_start3A_46, %dma_start3A_47] : memref<10016x16xf32, #tpu.memory_space<vmem_shared>> -> memref<10016x16xf32, #tpu.memory_space<vmem_shared>>
        tpu.enqueue_indirect_dma source(%arg5 : memref<128x16xf32, #tpu.memory_space<vmem>>) target(%dma_start3A_48 : memref<10016x16xf32, #tpu.memory_space<vmem_shared>>) offsets(%dma_start3A_45 : memref<128xi32, #tpu.memory_space<vmem>>) semaphore(%run_scoped3A_43 : memref<!tpu.dma_semaphore, #tpu.memory_space<semaphore_mem>>) {add = true}
        %dma_wait3A = arith.constant 0 : i32
        %dma_wait3A_49 = tpu.memref_slice %arg4[%scan3A_40, %dma_wait3A] : memref<79x128xi32, #tpu.memory_space<vmem>> -> memref<1x128xi32, #tpu.memory_space<vmem>>
        %dma_wait3A_50 = tpu.memref_squeeze %dma_wait3A_49 : memref<1x128xi32, #tpu.memory_space<vmem>> -> memref<128xi32, #tpu.memory_space<vmem>>
        %dma_wait3A_51 = arith.constant 0 : i32
        %dma_wait3A_52 = arith.constant 0 : i32
        %dma_wait3A_53 = tpu.memref_slice %arg7[%dma_wait3A_51, %dma_wait3A_52] : memref<10016x16xf32, #tpu.memory_space<vmem_shared>> -> memref<10016x16xf32, #tpu.memory_space<vmem_shared>>
        tpu.wait_indirect_dma semaphore(%run_scoped3A_43 : memref<!tpu.dma_semaphore, #tpu.memory_space<semaphore_mem>>) src(%arg5 : memref<128x16xf32, #tpu.memory_space<vmem>>) dst(%dma_wait3A_53 : memref<10016x16xf32, #tpu.memory_space<vmem_shared>>)
        tpu.yield
      }) : () -> ()
      %scan3A_42 = arith.constant 0 : i32
      scf.yield %scan3A_42 : i32
    }
    %scan3A_27 = arith.constant 79 : i32
    %barrier3A_28 = arith.constant 0 : index
    tpu.barrier barrier_id(%barrier3A_28)
    %mul3A_29 = arith.constant 624 : i32
    %mul3A_30 = arith.muli %arg1, %mul3A_29 : i32
    %mul3A_31 = arith.constant 624 : i32
    %mul3A_32 = arith.muli %arg1, %mul3A_31 : i32
    %mul3A_33 = arith.constant 16 : i32
    %mul3A_34 = arith.muli %arg0, %mul3A_33 : i32
    "tpu.region"() ({
      %run_scoped3A_40 = tpu.sem_alloc : memref<!tpu.dma_semaphore, #tpu.memory_space<semaphore_mem>>
      %dma_start3A = tpu.memref_slice %arg3[%mul3A_32, %mul3A_34] : memref<10000x128xf32, #tpu.memory_space<hbm>> -> memref<624x16xf32, #tpu.memory_space<hbm>>
      %dma_start3A_41 = arith.constant 0 : i32
      %dma_start3A_42 = tpu.memref_slice %arg7[%mul3A_30, %dma_start3A_41] : memref<10016x16xf32, #tpu.memory_space<vmem_shared>> -> memref<624x16xf32, #tpu.memory_space<vmem_shared>>
      tpu.enqueue_dma source(%dma_start3A_42 : memref<624x16xf32, #tpu.memory_space<vmem_shared>>) target(%dma_start3A : memref<624x16xf32, #tpu.memory_space<hbm>>) target_semaphore(%run_scoped3A_40 : memref<!tpu.dma_semaphore, #tpu.memory_space<semaphore_mem>>)
      %dma_wait3A = tpu.memref_slice %arg3[%mul3A_32, %mul3A_34] : memref<10000x128xf32, #tpu.memory_space<hbm>> -> memref<624x16xf32, #tpu.memory_space<hbm>>
      %dma_wait3A_43 = arith.constant 0 : i32
      %dma_wait3A_44 = tpu.memref_slice %arg7[%mul3A_30, %dma_wait3A_43] : memref<10016x16xf32, #tpu.memory_space<vmem_shared>> -> memref<624x16xf32, #tpu.memory_space<vmem_shared>>
      tpu.wait_dma2 semaphore(%run_scoped3A_40 : memref<!tpu.dma_semaphore, #tpu.memory_space<semaphore_mem>>) src(%dma_wait3A_44 : memref<624x16xf32, #tpu.memory_space<vmem_shared>>) dst(%dma_wait3A : memref<624x16xf32, #tpu.memory_space<hbm>>)
      tpu.yield
    }) : () -> ()
    %eq3A_35 = arith.constant 15 : i32
    %eq3A_36 = arith.cmpi eq, %arg1, %eq3A_35 : i32
    %convert_element_type3A_37 = arith.extui %eq3A_36 : i1 to i32
    %cond3A_38 = arith.constant 0 : i32
    %cond3A_39 = arith.cmpi ne, %convert_element_type3A_37, %cond3A_38 : i32
    scf.if %cond3A_39 {
      %mul3A_40 = arith.constant 16 : i32
      %mul3A_41 = arith.muli %arg0, %mul3A_40 : i32
      "tpu.region"() ({
        %run_scoped3A_42 = tpu.sem_alloc : memref<!tpu.dma_semaphore, #tpu.memory_space<semaphore_mem>>
        %dma_start3A = arith.constant 9984 : i32
        %dma_start3A_43 = tpu.memref_slice %arg3[%dma_start3A, %mul3A_41] : memref<10000x128xf32, #tpu.memory_space<hbm>> -> memref<16x16xf32, #tpu.memory_space<hbm>>
        %dma_start3A_44 = arith.constant 9984 : i32
        %dma_start3A_45 = arith.constant 0 : i32
        %dma_start3A_46 = tpu.memref_slice %arg7[%dma_start3A_44, %dma_start3A_45] : memref<10016x16xf32, #tpu.memory_space<vmem_shared>> -> memref<16x16xf32, #tpu.memory_space<vmem_shared>>
        tpu.enqueue_dma source(%dma_start3A_46 : memref<16x16xf32, #tpu.memory_space<vmem_shared>>) target(%dma_start3A_43 : memref<16x16xf32, #tpu.memory_space<hbm>>) target_semaphore(%run_scoped3A_42 : memref<!tpu.dma_semaphore, #tpu.memory_space<semaphore_mem>>)
        %dma_wait3A = arith.constant 9984 : i32
        %dma_wait3A_47 = tpu.memref_slice %arg3[%dma_wait3A, %mul3A_41] : memref<10000x128xf32, #tpu.memory_space<hbm>> -> memref<16x16xf32, #tpu.memory_space<hbm>>
        %dma_wait3A_48 = arith.constant 9984 : i32
        %dma_wait3A_49 = arith.constant 0 : i32
        %dma_wait3A_50 = tpu.memref_slice %arg7[%dma_wait3A_48, %dma_wait3A_49] : memref<10016x16xf32, #tpu.memory_space<vmem_shared>> -> memref<16x16xf32, #tpu.memory_space<vmem_shared>>
        tpu.wait_dma2 semaphore(%run_scoped3A_42 : memref<!tpu.dma_semaphore, #tpu.memory_space<semaphore_mem>>) src(%dma_wait3A_50 : memref<16x16xf32, #tpu.memory_space<vmem_shared>>) dst(%dma_wait3A_47 : memref<16x16xf32, #tpu.memory_space<hbm>>)
        tpu.yield
      }) : () -> ()
    } else {
    }
    return
  }
}

#map = affine_map<(d0, d1) -> (0, 0)>
#map1 = affine_map<(d0, d1) -> (0, 0, 0, 0)>
module attributes {stable_mosaic.version = 14 : i64} {
  func.func @_sc_aggregate_body(%arg0: i32, %arg1: i32, %arg2: memref<10000x64xf32, #tpu.memory_space<hbm>>, %arg3: memref<2x32x79x128xi32, #tpu.memory_space<hbm>>, %arg4: memref<10000x128xf32, #tpu.memory_space<hbm>>, %arg5: memref<79x128xi32, #tpu.memory_space<vmem>>, %arg6: memref<79x128xi32, #tpu.memory_space<vmem>>, %arg7: memref<128x64xf32, #tpu.memory_space<vmem>>, %arg8: memref<128x64xf32, #tpu.memory_space<vmem>>, %arg9: memref<624x64xf32, #tpu.memory_space<vmem>>, %arg10: memref<10016x64xf32, #tpu.memory_space<vmem_shared>>, %arg11: memref<!tpu.dma_semaphore, #tpu.memory_space<semaphore_mem>>, %arg12: memref<!tpu.dma_semaphore, #tpu.memory_space<semaphore_mem>>) attributes {dimension_semantics = [#tpu.dimension_semantics<core_parallel>, #tpu.dimension_semantics<subcore_parallel>], iteration_bounds = array<i64: 2, 16>, scalar_prefetch = 0 : i64, scratch_operands = 8 : i64, tpu.core_type = #tpu.core_type<sc_vector_subcore>, window_params = [{transform_indices = #map}, {transform_indices = #map1}, {transform_indices = #map}]} {
    %mul3A = arith.constant 16 : i32
    %mul3A_0 = arith.muli %arg0, %mul3A : i32
    %add3A = arith.addi %mul3A_0, %arg1 : i32
    %run_scoped3A = arith.constant 0 : i32
    "tpu.region"() ({
      %run_scoped3A_45 = tpu.sem_alloc : memref<!tpu.dma_semaphore, #tpu.memory_space<semaphore_mem>>
      %dma_start3A_46 = arith.constant 0 : i32
      %dma_start3A_47 = arith.constant 0 : i32
      %dma_start3A_48 = arith.constant 0 : i32
      %dma_start3A_49 = tpu.memref_slice %arg3[%run_scoped3A, %dma_start3A_46, %dma_start3A_47, %dma_start3A_48] : memref<2x32x79x128xi32, #tpu.memory_space<hbm>> -> memref<1x32x79x128xi32, #tpu.memory_space<hbm>>
      %dma_start3A_50 = tpu.memref_squeeze %dma_start3A_49 : memref<1x32x79x128xi32, #tpu.memory_space<hbm>> -> memref<32x79x128xi32, #tpu.memory_space<hbm>>
      %dma_start3A_51 = arith.constant 0 : i32
      %dma_start3A_52 = arith.constant 0 : i32
      %dma_start3A_53 = tpu.memref_slice %dma_start3A_50[%add3A, %dma_start3A_51, %dma_start3A_52] : memref<32x79x128xi32, #tpu.memory_space<hbm>> -> memref<1x79x128xi32, #tpu.memory_space<hbm>>
      %dma_start3A_54 = tpu.memref_squeeze %dma_start3A_53 : memref<1x79x128xi32, #tpu.memory_space<hbm>> -> memref<79x128xi32, #tpu.memory_space<hbm>>
      %dma_start3A_55 = arith.constant 0 : i32
      %dma_start3A_56 = arith.constant 0 : i32
      %dma_start3A_57 = arith.constant 0 : i32
      %dma_start3A_58 = tpu.memref_slice %arg3[%run_scoped3A, %dma_start3A_55, %dma_start3A_56, %dma_start3A_57] : memref<2x32x79x128xi32, #tpu.memory_space<hbm>> -> memref<1x32x79x128xi32, #tpu.memory_space<hbm>>
      %dma_start3A_59 = tpu.memref_squeeze %dma_start3A_58 : memref<1x32x79x128xi32, #tpu.memory_space<hbm>> -> memref<32x79x128xi32, #tpu.memory_space<hbm>>
      %dma_start3A_60 = arith.constant 0 : i32
      %dma_start3A_61 = arith.constant 0 : i32
      %dma_start3A_62 = tpu.memref_slice %dma_start3A_59[%add3A, %dma_start3A_60, %dma_start3A_61] : memref<32x79x128xi32, #tpu.memory_space<hbm>> -> memref<1x79x128xi32, #tpu.memory_space<hbm>>
      %dma_start3A_63 = tpu.memref_squeeze %dma_start3A_62 : memref<1x79x128xi32, #tpu.memory_space<hbm>> -> memref<79x128xi32, #tpu.memory_space<hbm>>
      tpu.enqueue_dma source(%dma_start3A_63 : memref<79x128xi32, #tpu.memory_space<hbm>>) target(%arg5 : memref<79x128xi32, #tpu.memory_space<vmem>>) target_semaphore(%run_scoped3A_45 : memref<!tpu.dma_semaphore, #tpu.memory_space<semaphore_mem>>)
      %dma_wait3A_64 = arith.constant 0 : i32
      %dma_wait3A_65 = arith.constant 0 : i32
      %dma_wait3A_66 = arith.constant 0 : i32
      %dma_wait3A_67 = tpu.memref_slice %arg3[%run_scoped3A, %dma_wait3A_64, %dma_wait3A_65, %dma_wait3A_66] : memref<2x32x79x128xi32, #tpu.memory_space<hbm>> -> memref<1x32x79x128xi32, #tpu.memory_space<hbm>>
      %dma_wait3A_68 = tpu.memref_squeeze %dma_wait3A_67 : memref<1x32x79x128xi32, #tpu.memory_space<hbm>> -> memref<32x79x128xi32, #tpu.memory_space<hbm>>
      %dma_wait3A_69 = arith.constant 0 : i32
      %dma_wait3A_70 = arith.constant 0 : i32
      %dma_wait3A_71 = tpu.memref_slice %dma_wait3A_68[%add3A, %dma_wait3A_69, %dma_wait3A_70] : memref<32x79x128xi32, #tpu.memory_space<hbm>> -> memref<1x79x128xi32, #tpu.memory_space<hbm>>
      %dma_wait3A_72 = tpu.memref_squeeze %dma_wait3A_71 : memref<1x79x128xi32, #tpu.memory_space<hbm>> -> memref<79x128xi32, #tpu.memory_space<hbm>>
      %dma_wait3A_73 = arith.constant 0 : i32
      %dma_wait3A_74 = arith.constant 0 : i32
      %dma_wait3A_75 = arith.constant 0 : i32
      %dma_wait3A_76 = tpu.memref_slice %arg3[%run_scoped3A, %dma_wait3A_73, %dma_wait3A_74, %dma_wait3A_75] : memref<2x32x79x128xi32, #tpu.memory_space<hbm>> -> memref<1x32x79x128xi32, #tpu.memory_space<hbm>>
      %dma_wait3A_77 = tpu.memref_squeeze %dma_wait3A_76 : memref<1x32x79x128xi32, #tpu.memory_space<hbm>> -> memref<32x79x128xi32, #tpu.memory_space<hbm>>
      %dma_wait3A_78 = arith.constant 0 : i32
      %dma_wait3A_79 = arith.constant 0 : i32
      %dma_wait3A_80 = tpu.memref_slice %dma_wait3A_77[%add3A, %dma_wait3A_78, %dma_wait3A_79] : memref<32x79x128xi32, #tpu.memory_space<hbm>> -> memref<1x79x128xi32, #tpu.memory_space<hbm>>
      %dma_wait3A_81 = tpu.memref_squeeze %dma_wait3A_80 : memref<1x79x128xi32, #tpu.memory_space<hbm>> -> memref<79x128xi32, #tpu.memory_space<hbm>>
      tpu.wait_dma2 semaphore(%run_scoped3A_45 : memref<!tpu.dma_semaphore, #tpu.memory_space<semaphore_mem>>) src(%dma_wait3A_81 : memref<79x128xi32, #tpu.memory_space<hbm>>) dst(%arg5 : memref<79x128xi32, #tpu.memory_space<vmem>>)
      tpu.yield
    }) : () -> ()
    %run_scoped3A_1 = arith.constant 1 : i32
    "tpu.region"() ({
      %run_scoped3A_45 = tpu.sem_alloc : memref<!tpu.dma_semaphore, #tpu.memory_space<semaphore_mem>>
      %dma_start3A_46 = arith.constant 0 : i32
      %dma_start3A_47 = arith.constant 0 : i32
      %dma_start3A_48 = arith.constant 0 : i32
      %dma_start3A_49 = tpu.memref_slice %arg3[%run_scoped3A_1, %dma_start3A_46, %dma_start3A_47, %dma_start3A_48] : memref<2x32x79x128xi32, #tpu.memory_space<hbm>> -> memref<1x32x79x128xi32, #tpu.memory_space<hbm>>
      %dma_start3A_50 = tpu.memref_squeeze %dma_start3A_49 : memref<1x32x79x128xi32, #tpu.memory_space<hbm>> -> memref<32x79x128xi32, #tpu.memory_space<hbm>>
      %dma_start3A_51 = arith.constant 0 : i32
      %dma_start3A_52 = arith.constant 0 : i32
      %dma_start3A_53 = tpu.memref_slice %dma_start3A_50[%add3A, %dma_start3A_51, %dma_start3A_52] : memref<32x79x128xi32, #tpu.memory_space<hbm>> -> memref<1x79x128xi32, #tpu.memory_space<hbm>>
      %dma_start3A_54 = tpu.memref_squeeze %dma_start3A_53 : memref<1x79x128xi32, #tpu.memory_space<hbm>> -> memref<79x128xi32, #tpu.memory_space<hbm>>
      %dma_start3A_55 = arith.constant 0 : i32
      %dma_start3A_56 = arith.constant 0 : i32
      %dma_start3A_57 = arith.constant 0 : i32
      %dma_start3A_58 = tpu.memref_slice %arg3[%run_scoped3A_1, %dma_start3A_55, %dma_start3A_56, %dma_start3A_57] : memref<2x32x79x128xi32, #tpu.memory_space<hbm>> -> memref<1x32x79x128xi32, #tpu.memory_space<hbm>>
      %dma_start3A_59 = tpu.memref_squeeze %dma_start3A_58 : memref<1x32x79x128xi32, #tpu.memory_space<hbm>> -> memref<32x79x128xi32, #tpu.memory_space<hbm>>
      %dma_start3A_60 = arith.constant 0 : i32
      %dma_start3A_61 = arith.constant 0 : i32
      %dma_start3A_62 = tpu.memref_slice %dma_start3A_59[%add3A, %dma_start3A_60, %dma_start3A_61] : memref<32x79x128xi32, #tpu.memory_space<hbm>> -> memref<1x79x128xi32, #tpu.memory_space<hbm>>
      %dma_start3A_63 = tpu.memref_squeeze %dma_start3A_62 : memref<1x79x128xi32, #tpu.memory_space<hbm>> -> memref<79x128xi32, #tpu.memory_space<hbm>>
      tpu.enqueue_dma source(%dma_start3A_63 : memref<79x128xi32, #tpu.memory_space<hbm>>) target(%arg6 : memref<79x128xi32, #tpu.memory_space<vmem>>) target_semaphore(%run_scoped3A_45 : memref<!tpu.dma_semaphore, #tpu.memory_space<semaphore_mem>>)
      %dma_wait3A_64 = arith.constant 0 : i32
      %dma_wait3A_65 = arith.constant 0 : i32
      %dma_wait3A_66 = arith.constant 0 : i32
      %dma_wait3A_67 = tpu.memref_slice %arg3[%run_scoped3A_1, %dma_wait3A_64, %dma_wait3A_65, %dma_wait3A_66] : memref<2x32x79x128xi32, #tpu.memory_space<hbm>> -> memref<1x32x79x128xi32, #tpu.memory_space<hbm>>
      %dma_wait3A_68 = tpu.memref_squeeze %dma_wait3A_67 : memref<1x32x79x128xi32, #tpu.memory_space<hbm>> -> memref<32x79x128xi32, #tpu.memory_space<hbm>>
      %dma_wait3A_69 = arith.constant 0 : i32
      %dma_wait3A_70 = arith.constant 0 : i32
      %dma_wait3A_71 = tpu.memref_slice %dma_wait3A_68[%add3A, %dma_wait3A_69, %dma_wait3A_70] : memref<32x79x128xi32, #tpu.memory_space<hbm>> -> memref<1x79x128xi32, #tpu.memory_space<hbm>>
      %dma_wait3A_72 = tpu.memref_squeeze %dma_wait3A_71 : memref<1x79x128xi32, #tpu.memory_space<hbm>> -> memref<79x128xi32, #tpu.memory_space<hbm>>
      %dma_wait3A_73 = arith.constant 0 : i32
      %dma_wait3A_74 = arith.constant 0 : i32
      %dma_wait3A_75 = arith.constant 0 : i32
      %dma_wait3A_76 = tpu.memref_slice %arg3[%run_scoped3A_1, %dma_wait3A_73, %dma_wait3A_74, %dma_wait3A_75] : memref<2x32x79x128xi32, #tpu.memory_space<hbm>> -> memref<1x32x79x128xi32, #tpu.memory_space<hbm>>
      %dma_wait3A_77 = tpu.memref_squeeze %dma_wait3A_76 : memref<1x32x79x128xi32, #tpu.memory_space<hbm>> -> memref<32x79x128xi32, #tpu.memory_space<hbm>>
      %dma_wait3A_78 = arith.constant 0 : i32
      %dma_wait3A_79 = arith.constant 0 : i32
      %dma_wait3A_80 = tpu.memref_slice %dma_wait3A_77[%add3A, %dma_wait3A_78, %dma_wait3A_79] : memref<32x79x128xi32, #tpu.memory_space<hbm>> -> memref<1x79x128xi32, #tpu.memory_space<hbm>>
      %dma_wait3A_81 = tpu.memref_squeeze %dma_wait3A_80 : memref<1x79x128xi32, #tpu.memory_space<hbm>> -> memref<79x128xi32, #tpu.memory_space<hbm>>
      tpu.wait_dma2 semaphore(%run_scoped3A_45 : memref<!tpu.dma_semaphore, #tpu.memory_space<semaphore_mem>>) src(%dma_wait3A_81 : memref<79x128xi32, #tpu.memory_space<hbm>>) dst(%arg6 : memref<79x128xi32, #tpu.memory_space<vmem>>)
      tpu.yield
    }) : () -> ()
    %broadcast_in_dim3A = arith.constant 0.000000e+00 : f32
    %broadcast_in_dim3A_2 = vector.broadcast %broadcast_in_dim3A : f32 to vector<16xf32>
    %scan3A = arith.constant 0 : i32
    %scan3A_3 = arith.constant 0 : i32
    %scan3A_4 = arith.constant 624 : i32
    %scan3A_5 = arith.addi %scan3A_3, %scan3A_4 : i32
    %scan3A_6 = arith.constant 1 : i32
    %scan3A_7 = scf.for %scan3A_45 = %scan3A_3 to %scan3A_5 step %scan3A_6 iter_args(%scan3A_46 = %scan3A) -> (i32)  : i32 {
      %swap3A = arith.index_cast %scan3A_45 : i32 to index
      %swap3A_47 = arith.constant 0 : index
      %swap3A_48 = tpu.vector_load %arg9[%swap3A, %swap3A_47] {strides = array<i32>} : memref<624x64xf32, #tpu.memory_space<vmem>>, vector<1x16xf32>,
      %swap3A_49 = vector.shape_cast %swap3A_48 : vector<1x16xf32> to vector<16xf32>
      %swap3A_50 = vector.shape_cast %broadcast_in_dim3A_2 : vector<16xf32> to vector<1x16xf32>
      tpu.vector_store %arg9[%swap3A, %swap3A_47], %swap3A_50 {strides = array<i32>} : memref<624x64xf32, #tpu.memory_space<vmem>>, vector<1x16xf32>,
      %swap3A_51 = arith.index_cast %scan3A_45 : i32 to index
      %swap3A_52 = arith.constant 16 : index
      %swap3A_53 = tpu.vector_load %arg9[%swap3A_51, %swap3A_52] {strides = array<i32>} : memref<624x64xf32, #tpu.memory_space<vmem>>, vector<1x16xf32>,
      %swap3A_54 = vector.shape_cast %swap3A_53 : vector<1x16xf32> to vector<16xf32>
      %swap3A_55 = vector.shape_cast %broadcast_in_dim3A_2 : vector<16xf32> to vector<1x16xf32>
      tpu.vector_store %arg9[%swap3A_51, %swap3A_52], %swap3A_55 {strides = array<i32>} : memref<624x64xf32, #tpu.memory_space<vmem>>, vector<1x16xf32>,
      %swap3A_56 = arith.index_cast %scan3A_45 : i32 to index
      %swap3A_57 = arith.constant 32 : index
      %swap3A_58 = tpu.vector_load %arg9[%swap3A_56, %swap3A_57] {strides = array<i32>} : memref<624x64xf32, #tpu.memory_space<vmem>>, vector<1x16xf32>,
      %swap3A_59 = vector.shape_cast %swap3A_58 : vector<1x16xf32> to vector<16xf32>
      %swap3A_60 = vector.shape_cast %broadcast_in_dim3A_2 : vector<16xf32> to vector<1x16xf32>
      tpu.vector_store %arg9[%swap3A_56, %swap3A_57], %swap3A_60 {strides = array<i32>} : memref<624x64xf32, #tpu.memory_space<vmem>>, vector<1x16xf32>,
      %swap3A_61 = arith.index_cast %scan3A_45 : i32 to index
      %swap3A_62 = arith.constant 48 : index
      %swap3A_63 = tpu.vector_load %arg9[%swap3A_61, %swap3A_62] {strides = array<i32>} : memref<624x64xf32, #tpu.memory_space<vmem>>, vector<1x16xf32>,
      %swap3A_64 = vector.shape_cast %swap3A_63 : vector<1x16xf32> to vector<16xf32>
      %swap3A_65 = vector.shape_cast %broadcast_in_dim3A_2 : vector<16xf32> to vector<1x16xf32>
      tpu.vector_store %arg9[%swap3A_61, %swap3A_62], %swap3A_65 {strides = array<i32>} : memref<624x64xf32, #tpu.memory_space<vmem>>, vector<1x16xf32>,
      %scan3A_66 = arith.constant 0 : i32
      scf.yield %scan3A_66 : i32
    }
    %scan3A_8 = arith.constant 624 : i32
    %mul3A_9 = arith.constant 624 : i32
    %mul3A_10 = arith.muli %arg1, %mul3A_9 : i32
    "tpu.region"() ({
      %run_scoped3A_45 = tpu.sem_alloc : memref<!tpu.dma_semaphore, #tpu.memory_space<semaphore_mem>>
      %dma_start3A_46 = arith.constant 0 : i32
      %dma_start3A_47 = arith.constant 0 : i32
      %dma_start3A_48 = tpu.memref_slice %arg9[%dma_start3A_46, %dma_start3A_47] : memref<624x64xf32, #tpu.memory_space<vmem>> -> memref<624x64xf32, #tpu.memory_space<vmem>>
      %dma_start3A_49 = arith.constant 0 : i32
      %dma_start3A_50 = tpu.memref_slice %arg10[%mul3A_10, %dma_start3A_49] : memref<10016x64xf32, #tpu.memory_space<vmem_shared>> -> memref<624x64xf32, #tpu.memory_space<vmem_shared>>
      %dma_start3A_51 = arith.constant 0 : i32
      %dma_start3A_52 = tpu.memref_slice %arg10[%mul3A_10, %dma_start3A_51] : memref<10016x64xf32, #tpu.memory_space<vmem_shared>> -> memref<624x64xf32, #tpu.memory_space<vmem_shared>>
      %dma_start3A_53 = arith.constant 0 : i32
      %dma_start3A_54 = arith.constant 0 : i32
      %dma_start3A_55 = tpu.memref_slice %arg9[%dma_start3A_53, %dma_start3A_54] : memref<624x64xf32, #tpu.memory_space<vmem>> -> memref<624x64xf32, #tpu.memory_space<vmem>>
      tpu.enqueue_dma source(%dma_start3A_55 : memref<624x64xf32, #tpu.memory_space<vmem>>) target(%dma_start3A_52 : memref<624x64xf32, #tpu.memory_space<vmem_shared>>) target_semaphore(%run_scoped3A_45 : memref<!tpu.dma_semaphore, #tpu.memory_space<semaphore_mem>>)
      %dma_wait3A_56 = arith.constant 0 : i32
      %dma_wait3A_57 = arith.constant 0 : i32
      %dma_wait3A_58 = tpu.memref_slice %arg9[%dma_wait3A_56, %dma_wait3A_57] : memref<624x64xf32, #tpu.memory_space<vmem>> -> memref<624x64xf32, #tpu.memory_space<vmem>>
      %dma_wait3A_59 = arith.constant 0 : i32
      %dma_wait3A_60 = tpu.memref_slice %arg10[%mul3A_10, %dma_wait3A_59] : memref<10016x64xf32, #tpu.memory_space<vmem_shared>> -> memref<624x64xf32, #tpu.memory_space<vmem_shared>>
      %dma_wait3A_61 = arith.constant 0 : i32
      %dma_wait3A_62 = tpu.memref_slice %arg10[%mul3A_10, %dma_wait3A_61] : memref<10016x64xf32, #tpu.memory_space<vmem_shared>> -> memref<624x64xf32, #tpu.memory_space<vmem_shared>>
      %dma_wait3A_63 = arith.constant 0 : i32
      %dma_wait3A_64 = arith.constant 0 : i32
      %dma_wait3A_65 = tpu.memref_slice %arg9[%dma_wait3A_63, %dma_wait3A_64] : memref<624x64xf32, #tpu.memory_space<vmem>> -> memref<624x64xf32, #tpu.memory_space<vmem>>
      tpu.wait_dma2 semaphore(%run_scoped3A_45 : memref<!tpu.dma_semaphore, #tpu.memory_space<semaphore_mem>>) src(%dma_wait3A_65 : memref<624x64xf32, #tpu.memory_space<vmem>>) dst(%dma_wait3A_62 : memref<624x64xf32, #tpu.memory_space<vmem_shared>>)
      tpu.yield
    }) : () -> ()
    %eq3A = arith.constant 15 : i32
    %eq3A_11 = arith.cmpi eq, %arg1, %eq3A : i32
    %convert_element_type3A = arith.extui %eq3A_11 : i1 to i32
    %cond3A = arith.constant 0 : i32
    %cond3A_12 = arith.cmpi ne, %convert_element_type3A, %cond3A : i32
    scf.if %cond3A_12 {
      "tpu.region"() ({
        %run_scoped3A_45 = tpu.sem_alloc : memref<!tpu.dma_semaphore, #tpu.memory_space<semaphore_mem>>
        %dma_start3A_46 = arith.constant 0 : i32
        %dma_start3A_47 = arith.constant 0 : i32
        %dma_start3A_48 = tpu.memref_slice %arg9[%dma_start3A_46, %dma_start3A_47] : memref<624x64xf32, #tpu.memory_space<vmem>> -> memref<32x64xf32, #tpu.memory_space<vmem>>
        %dma_start3A_49 = arith.constant 9984 : i32
        %dma_start3A_50 = arith.constant 0 : i32
        %dma_start3A_51 = tpu.memref_slice %arg10[%dma_start3A_49, %dma_start3A_50] : memref<10016x64xf32, #tpu.memory_space<vmem_shared>> -> memref<32x64xf32, #tpu.memory_space<vmem_shared>>
        %dma_start3A_52 = arith.constant 9984 : i32
        %dma_start3A_53 = arith.constant 0 : i32
        %dma_start3A_54 = tpu.memref_slice %arg10[%dma_start3A_52, %dma_start3A_53] : memref<10016x64xf32, #tpu.memory_space<vmem_shared>> -> memref<32x64xf32, #tpu.memory_space<vmem_shared>>
        %dma_start3A_55 = arith.constant 0 : i32
        %dma_start3A_56 = arith.constant 0 : i32
        %dma_start3A_57 = tpu.memref_slice %arg9[%dma_start3A_55, %dma_start3A_56] : memref<624x64xf32, #tpu.memory_space<vmem>> -> memref<32x64xf32, #tpu.memory_space<vmem>>
        tpu.enqueue_dma source(%dma_start3A_57 : memref<32x64xf32, #tpu.memory_space<vmem>>) target(%dma_start3A_54 : memref<32x64xf32, #tpu.memory_space<vmem_shared>>) target_semaphore(%run_scoped3A_45 : memref<!tpu.dma_semaphore, #tpu.memory_space<semaphore_mem>>)
        %dma_wait3A_58 = arith.constant 0 : i32
        %dma_wait3A_59 = arith.constant 0 : i32
        %dma_wait3A_60 = tpu.memref_slice %arg9[%dma_wait3A_58, %dma_wait3A_59] : memref<624x64xf32, #tpu.memory_space<vmem>> -> memref<32x64xf32, #tpu.memory_space<vmem>>
        %dma_wait3A_61 = arith.constant 9984 : i32
        %dma_wait3A_62 = arith.constant 0 : i32
        %dma_wait3A_63 = tpu.memref_slice %arg10[%dma_wait3A_61, %dma_wait3A_62] : memref<10016x64xf32, #tpu.memory_space<vmem_shared>> -> memref<32x64xf32, #tpu.memory_space<vmem_shared>>
        %dma_wait3A_64 = arith.constant 9984 : i32
        %dma_wait3A_65 = arith.constant 0 : i32
        %dma_wait3A_66 = tpu.memref_slice %arg10[%dma_wait3A_64, %dma_wait3A_65] : memref<10016x64xf32, #tpu.memory_space<vmem_shared>> -> memref<32x64xf32, #tpu.memory_space<vmem_shared>>
        %dma_wait3A_67 = arith.constant 0 : i32
        %dma_wait3A_68 = arith.constant 0 : i32
        %dma_wait3A_69 = tpu.memref_slice %arg9[%dma_wait3A_67, %dma_wait3A_68] : memref<624x64xf32, #tpu.memory_space<vmem>> -> memref<32x64xf32, #tpu.memory_space<vmem>>
        tpu.wait_dma2 semaphore(%run_scoped3A_45 : memref<!tpu.dma_semaphore, #tpu.memory_space<semaphore_mem>>) src(%dma_wait3A_69 : memref<32x64xf32, #tpu.memory_space<vmem>>) dst(%dma_wait3A_66 : memref<32x64xf32, #tpu.memory_space<vmem_shared>>)
        tpu.yield
      }) : () -> ()
    } else {
    }
    %barrier3A = arith.constant 0 : index
    tpu.barrier barrier_id(%barrier3A)
    %dma_start3A = arith.constant 0 : i32
    %dma_start3A_13 = arith.constant 0 : i32
    %dma_start3A_14 = tpu.memref_slice %arg5[%dma_start3A, %dma_start3A_13] : memref<79x128xi32, #tpu.memory_space<vmem>> -> memref<1x128xi32, #tpu.memory_space<vmem>>
    %dma_start3A_15 = tpu.memref_squeeze %dma_start3A_14 : memref<1x128xi32, #tpu.memory_space<vmem>> -> memref<128xi32, #tpu.memory_space<vmem>>
    %dma_start3A_16 = arith.constant 0 : i32
    %dma_start3A_17 = arith.constant 0 : i32
    %dma_start3A_18 = tpu.memref_slice %arg2[%dma_start3A_16, %dma_start3A_17] : memref<10000x64xf32, #tpu.memory_space<hbm>> -> memref<10000x64xf32, #tpu.memory_space<hbm>>
    tpu.enqueue_indirect_dma source(%dma_start3A_18 : memref<10000x64xf32, #tpu.memory_space<hbm>>) target(%arg7 : memref<128x64xf32, #tpu.memory_space<vmem>>) offsets(%dma_start3A_15 : memref<128xi32, #tpu.memory_space<vmem>>) semaphore(%arg11 : memref<!tpu.dma_semaphore, #tpu.memory_space<semaphore_mem>>)
    %scan3A_19 = arith.constant 0 : i32
    %scan3A_20 = arith.constant 0 : i32
    %scan3A_21 = arith.constant 39 : i32
    %scan3A_22 = arith.addi %scan3A_20, %scan3A_21 : i32
    %scan3A_23 = arith.constant 1 : i32
    %scan3A_24 = scf.for %scan3A_45 = %scan3A_20 to %scan3A_22 step %scan3A_23 iter_args(%scan3A_46 = %scan3A_19) -> (i32)  : i32 {
      %mul3A_47 = arith.constant 2 : i32
      %mul3A_48 = arith.muli %mul3A_47, %scan3A_45 : i32
      %add3A_49 = arith.constant 1 : i32
      %add3A_50 = arith.addi %mul3A_48, %add3A_49 : i32
      %dma_start3A_51 = arith.constant 0 : i32
      %dma_start3A_52 = tpu.memref_slice %arg5[%add3A_50, %dma_start3A_51] : memref<79x128xi32, #tpu.memory_space<vmem>> -> memref<1x128xi32, #tpu.memory_space<vmem>>
      %dma_start3A_53 = tpu.memref_squeeze %dma_start3A_52 : memref<1x128xi32, #tpu.memory_space<vmem>> -> memref<128xi32, #tpu.memory_space<vmem>>
      %dma_start3A_54 = arith.constant 0 : i32
      %dma_start3A_55 = arith.constant 0 : i32
      %dma_start3A_56 = tpu.memref_slice %arg2[%dma_start3A_54, %dma_start3A_55] : memref<10000x64xf32, #tpu.memory_space<hbm>> -> memref<10000x64xf32, #tpu.memory_space<hbm>>
      tpu.enqueue_indirect_dma source(%dma_start3A_56 : memref<10000x64xf32, #tpu.memory_space<hbm>>) target(%arg8 : memref<128x64xf32, #tpu.memory_space<vmem>>) offsets(%dma_start3A_53 : memref<128xi32, #tpu.memory_space<vmem>>) semaphore(%arg12 : memref<!tpu.dma_semaphore, #tpu.memory_space<semaphore_mem>>)
      %dma_wait3A_57 = arith.constant 0 : i32
      %dma_wait3A_58 = tpu.memref_slice %arg5[%mul3A_48, %dma_wait3A_57] : memref<79x128xi32, #tpu.memory_space<vmem>> -> memref<1x128xi32, #tpu.memory_space<vmem>>
      %dma_wait3A_59 = tpu.memref_squeeze %dma_wait3A_58 : memref<1x128xi32, #tpu.memory_space<vmem>> -> memref<128xi32, #tpu.memory_space<vmem>>
      %dma_wait3A_60 = arith.constant 0 : i32
      %dma_wait3A_61 = arith.constant 0 : i32
      %dma_wait3A_62 = tpu.memref_slice %arg2[%dma_wait3A_60, %dma_wait3A_61] : memref<10000x64xf32, #tpu.memory_space<hbm>> -> memref<10000x64xf32, #tpu.memory_space<hbm>>
      tpu.wait_indirect_dma semaphore(%arg11 : memref<!tpu.dma_semaphore, #tpu.memory_space<semaphore_mem>>) src(%dma_wait3A_62 : memref<10000x64xf32, #tpu.memory_space<hbm>>) dst(%arg7 : memref<128x64xf32, #tpu.memory_space<vmem>>)
      "tpu.region"() ({
        %run_scoped3A_82 = tpu.sem_alloc : memref<!tpu.dma_semaphore, #tpu.memory_space<semaphore_mem>>
        %dma_start3A_83 = arith.constant 0 : i32
        %dma_start3A_84 = tpu.memref_slice %arg6[%mul3A_48, %dma_start3A_83] : memref<79x128xi32, #tpu.memory_space<vmem>> -> memref<1x128xi32, #tpu.memory_space<vmem>>
        %dma_start3A_85 = tpu.memref_squeeze %dma_start3A_84 : memref<1x128xi32, #tpu.memory_space<vmem>> -> memref<128xi32, #tpu.memory_space<vmem>>
        %dma_start3A_86 = arith.constant 0 : i32
        %dma_start3A_87 = arith.constant 0 : i32
        %dma_start3A_88 = tpu.memref_slice %arg10[%dma_start3A_86, %dma_start3A_87] : memref<10016x64xf32, #tpu.memory_space<vmem_shared>> -> memref<10016x64xf32, #tpu.memory_space<vmem_shared>>
        tpu.enqueue_indirect_dma source(%arg7 : memref<128x64xf32, #tpu.memory_space<vmem>>) target(%dma_start3A_88 : memref<10016x64xf32, #tpu.memory_space<vmem_shared>>) offsets(%dma_start3A_85 : memref<128xi32, #tpu.memory_space<vmem>>) semaphore(%run_scoped3A_82 : memref<!tpu.dma_semaphore, #tpu.memory_space<semaphore_mem>>) {add = true}
        %dma_wait3A_89 = arith.constant 0 : i32
        %dma_wait3A_90 = tpu.memref_slice %arg6[%mul3A_48, %dma_wait3A_89] : memref<79x128xi32, #tpu.memory_space<vmem>> -> memref<1x128xi32, #tpu.memory_space<vmem>>
        %dma_wait3A_91 = tpu.memref_squeeze %dma_wait3A_90 : memref<1x128xi32, #tpu.memory_space<vmem>> -> memref<128xi32, #tpu.memory_space<vmem>>
        %dma_wait3A_92 = arith.constant 0 : i32
        %dma_wait3A_93 = arith.constant 0 : i32
        %dma_wait3A_94 = tpu.memref_slice %arg10[%dma_wait3A_92, %dma_wait3A_93] : memref<10016x64xf32, #tpu.memory_space<vmem_shared>> -> memref<10016x64xf32, #tpu.memory_space<vmem_shared>>
        tpu.wait_indirect_dma semaphore(%run_scoped3A_82 : memref<!tpu.dma_semaphore, #tpu.memory_space<semaphore_mem>>) src(%arg7 : memref<128x64xf32, #tpu.memory_space<vmem>>) dst(%dma_wait3A_94 : memref<10016x64xf32, #tpu.memory_space<vmem_shared>>)
        tpu.yield
      }) : () -> ()
      %add3A_63 = arith.constant 2 : i32
      %add3A_64 = arith.addi %mul3A_48, %add3A_63 : i32
      %dma_start3A_65 = arith.constant 0 : i32
      %dma_start3A_66 = tpu.memref_slice %arg5[%add3A_64, %dma_start3A_65] : memref<79x128xi32, #tpu.memory_space<vmem>> -> memref<1x128xi32, #tpu.memory_space<vmem>>
      %dma_start3A_67 = tpu.memref_squeeze %dma_start3A_66 : memref<1x128xi32, #tpu.memory_space<vmem>> -> memref<128xi32, #tpu.memory_space<vmem>>
      %dma_start3A_68 = arith.constant 0 : i32
      %dma_start3A_69 = arith.constant 0 : i32
      %dma_start3A_70 = tpu.memref_slice %arg2[%dma_start3A_68, %dma_start3A_69] : memref<10000x64xf32, #tpu.memory_space<hbm>> -> memref<10000x64xf32, #tpu.memory_space<hbm>>
      tpu.enqueue_indirect_dma source(%dma_start3A_70 : memref<10000x64xf32, #tpu.memory_space<hbm>>) target(%arg7 : memref<128x64xf32, #tpu.memory_space<vmem>>) offsets(%dma_start3A_67 : memref<128xi32, #tpu.memory_space<vmem>>) semaphore(%arg11 : memref<!tpu.dma_semaphore, #tpu.memory_space<semaphore_mem>>)
      %add3A_71 = arith.constant 1 : i32
      %add3A_72 = arith.addi %mul3A_48, %add3A_71 : i32
      %dma_wait3A_73 = arith.constant 0 : i32
      %dma_wait3A_74 = tpu.memref_slice %arg5[%add3A_72, %dma_wait3A_73] : memref<79x128xi32, #tpu.memory_space<vmem>> -> memref<1x128xi32, #tpu.memory_space<vmem>>
      %dma_wait3A_75 = tpu.memref_squeeze %dma_wait3A_74 : memref<1x128xi32, #tpu.memory_space<vmem>> -> memref<128xi32, #tpu.memory_space<vmem>>
      %dma_wait3A_76 = arith.constant 0 : i32
      %dma_wait3A_77 = arith.constant 0 : i32
      %dma_wait3A_78 = tpu.memref_slice %arg2[%dma_wait3A_76, %dma_wait3A_77] : memref<10000x64xf32, #tpu.memory_space<hbm>> -> memref<10000x64xf32, #tpu.memory_space<hbm>>
      tpu.wait_indirect_dma semaphore(%arg12 : memref<!tpu.dma_semaphore, #tpu.memory_space<semaphore_mem>>) src(%dma_wait3A_78 : memref<10000x64xf32, #tpu.memory_space<hbm>>) dst(%arg8 : memref<128x64xf32, #tpu.memory_space<vmem>>)
      %add3A_79 = arith.constant 1 : i32
      %add3A_80 = arith.addi %mul3A_48, %add3A_79 : i32
      "tpu.region"() ({
        %run_scoped3A_82 = tpu.sem_alloc : memref<!tpu.dma_semaphore, #tpu.memory_space<semaphore_mem>>
        %dma_start3A_83 = arith.constant 0 : i32
        %dma_start3A_84 = tpu.memref_slice %arg6[%add3A_80, %dma_start3A_83] : memref<79x128xi32, #tpu.memory_space<vmem>> -> memref<1x128xi32, #tpu.memory_space<vmem>>
        %dma_start3A_85 = tpu.memref_squeeze %dma_start3A_84 : memref<1x128xi32, #tpu.memory_space<vmem>> -> memref<128xi32, #tpu.memory_space<vmem>>
        %dma_start3A_86 = arith.constant 0 : i32
        %dma_start3A_87 = arith.constant 0 : i32
        %dma_start3A_88 = tpu.memref_slice %arg10[%dma_start3A_86, %dma_start3A_87] : memref<10016x64xf32, #tpu.memory_space<vmem_shared>> -> memref<10016x64xf32, #tpu.memory_space<vmem_shared>>
        tpu.enqueue_indirect_dma source(%arg8 : memref<128x64xf32, #tpu.memory_space<vmem>>) target(%dma_start3A_88 : memref<10016x64xf32, #tpu.memory_space<vmem_shared>>) offsets(%dma_start3A_85 : memref<128xi32, #tpu.memory_space<vmem>>) semaphore(%run_scoped3A_82 : memref<!tpu.dma_semaphore, #tpu.memory_space<semaphore_mem>>) {add = true}
        %dma_wait3A_89 = arith.constant 0 : i32
        %dma_wait3A_90 = tpu.memref_slice %arg6[%add3A_80, %dma_wait3A_89] : memref<79x128xi32, #tpu.memory_space<vmem>> -> memref<1x128xi32, #tpu.memory_space<vmem>>
        %dma_wait3A_91 = tpu.memref_squeeze %dma_wait3A_90 : memref<1x128xi32, #tpu.memory_space<vmem>> -> memref<128xi32, #tpu.memory_space<vmem>>
        %dma_wait3A_92 = arith.constant 0 : i32
        %dma_wait3A_93 = arith.constant 0 : i32
        %dma_wait3A_94 = tpu.memref_slice %arg10[%dma_wait3A_92, %dma_wait3A_93] : memref<10016x64xf32, #tpu.memory_space<vmem_shared>> -> memref<10016x64xf32, #tpu.memory_space<vmem_shared>>
        tpu.wait_indirect_dma semaphore(%run_scoped3A_82 : memref<!tpu.dma_semaphore, #tpu.memory_space<semaphore_mem>>) src(%arg8 : memref<128x64xf32, #tpu.memory_space<vmem>>) dst(%dma_wait3A_94 : memref<10016x64xf32, #tpu.memory_space<vmem_shared>>)
        tpu.yield
      }) : () -> ()
      %scan3A_81 = arith.constant 0 : i32
      scf.yield %scan3A_81 : i32
    }
    %scan3A_25 = arith.constant 39 : i32
    %dma_wait3A = arith.constant 78 : i32
    %dma_wait3A_26 = arith.constant 0 : i32
    %dma_wait3A_27 = tpu.memref_slice %arg5[%dma_wait3A, %dma_wait3A_26] : memref<79x128xi32, #tpu.memory_space<vmem>> -> memref<1x128xi32, #tpu.memory_space<vmem>>
    %dma_wait3A_28 = tpu.memref_squeeze %dma_wait3A_27 : memref<1x128xi32, #tpu.memory_space<vmem>> -> memref<128xi32, #tpu.memory_space<vmem>>
    %dma_wait3A_29 = arith.constant 0 : i32
    %dma_wait3A_30 = arith.constant 0 : i32
    %dma_wait3A_31 = tpu.memref_slice %arg2[%dma_wait3A_29, %dma_wait3A_30] : memref<10000x64xf32, #tpu.memory_space<hbm>> -> memref<10000x64xf32, #tpu.memory_space<hbm>>
    tpu.wait_indirect_dma semaphore(%arg11 : memref<!tpu.dma_semaphore, #tpu.memory_space<semaphore_mem>>) src(%dma_wait3A_31 : memref<10000x64xf32, #tpu.memory_space<hbm>>) dst(%arg7 : memref<128x64xf32, #tpu.memory_space<vmem>>)
    %run_scoped3A_32 = arith.constant 78 : i32
    "tpu.region"() ({
      %run_scoped3A_45 = tpu.sem_alloc : memref<!tpu.dma_semaphore, #tpu.memory_space<semaphore_mem>>
      %dma_start3A_46 = arith.constant 0 : i32
      %dma_start3A_47 = tpu.memref_slice %arg6[%run_scoped3A_32, %dma_start3A_46] : memref<79x128xi32, #tpu.memory_space<vmem>> -> memref<1x128xi32, #tpu.memory_space<vmem>>
      %dma_start3A_48 = tpu.memref_squeeze %dma_start3A_47 : memref<1x128xi32, #tpu.memory_space<vmem>> -> memref<128xi32, #tpu.memory_space<vmem>>
      %dma_start3A_49 = arith.constant 0 : i32
      %dma_start3A_50 = arith.constant 0 : i32
      %dma_start3A_51 = tpu.memref_slice %arg10[%dma_start3A_49, %dma_start3A_50] : memref<10016x64xf32, #tpu.memory_space<vmem_shared>> -> memref<10016x64xf32, #tpu.memory_space<vmem_shared>>
      tpu.enqueue_indirect_dma source(%arg7 : memref<128x64xf32, #tpu.memory_space<vmem>>) target(%dma_start3A_51 : memref<10016x64xf32, #tpu.memory_space<vmem_shared>>) offsets(%dma_start3A_48 : memref<128xi32, #tpu.memory_space<vmem>>) semaphore(%run_scoped3A_45 : memref<!tpu.dma_semaphore, #tpu.memory_space<semaphore_mem>>) {add = true}
      %dma_wait3A_52 = arith.constant 0 : i32
      %dma_wait3A_53 = tpu.memref_slice %arg6[%run_scoped3A_32, %dma_wait3A_52] : memref<79x128xi32, #tpu.memory_space<vmem>> -> memref<1x128xi32, #tpu.memory_space<vmem>>
      %dma_wait3A_54 = tpu.memref_squeeze %dma_wait3A_53 : memref<1x128xi32, #tpu.memory_space<vmem>> -> memref<128xi32, #tpu.memory_space<vmem>>
      %dma_wait3A_55 = arith.constant 0 : i32
      %dma_wait3A_56 = arith.constant 0 : i32
      %dma_wait3A_57 = tpu.memref_slice %arg10[%dma_wait3A_55, %dma_wait3A_56] : memref<10016x64xf32, #tpu.memory_space<vmem_shared>> -> memref<10016x64xf32, #tpu.memory_space<vmem_shared>>
      tpu.wait_indirect_dma semaphore(%run_scoped3A_45 : memref<!tpu.dma_semaphore, #tpu.memory_space<semaphore_mem>>) src(%arg7 : memref<128x64xf32, #tpu.memory_space<vmem>>) dst(%dma_wait3A_57 : memref<10016x64xf32, #tpu.memory_space<vmem_shared>>)
      tpu.yield
    }) : () -> ()
    %barrier3A_33 = arith.constant 0 : index
    tpu.barrier barrier_id(%barrier3A_33)
    %mul3A_34 = arith.constant 624 : i32
    %mul3A_35 = arith.muli %arg1, %mul3A_34 : i32
    %mul3A_36 = arith.constant 624 : i32
    %mul3A_37 = arith.muli %arg1, %mul3A_36 : i32
    %mul3A_38 = arith.constant 64 : i32
    %mul3A_39 = arith.muli %arg0, %mul3A_38 : i32
    "tpu.region"() ({
      %run_scoped3A_45 = tpu.sem_alloc : memref<!tpu.dma_semaphore, #tpu.memory_space<semaphore_mem>>
      %dma_start3A_46 = tpu.memref_slice %arg4[%mul3A_37, %mul3A_39] : memref<10000x128xf32, #tpu.memory_space<hbm>> -> memref<624x64xf32, #tpu.memory_space<hbm>>
      %dma_start3A_47 = arith.constant 0 : i32
      %dma_start3A_48 = tpu.memref_slice %arg10[%mul3A_35, %dma_start3A_47] : memref<10016x64xf32, #tpu.memory_space<vmem_shared>> -> memref<624x64xf32, #tpu.memory_space<vmem_shared>>
      tpu.enqueue_dma source(%dma_start3A_48 : memref<624x64xf32, #tpu.memory_space<vmem_shared>>) target(%dma_start3A_46 : memref<624x64xf32, #tpu.memory_space<hbm>>) target_semaphore(%run_scoped3A_45 : memref<!tpu.dma_semaphore, #tpu.memory_space<semaphore_mem>>)
      %dma_wait3A_49 = tpu.memref_slice %arg4[%mul3A_37, %mul3A_39] : memref<10000x128xf32, #tpu.memory_space<hbm>> -> memref<624x64xf32, #tpu.memory_space<hbm>>
      %dma_wait3A_50 = arith.constant 0 : i32
      %dma_wait3A_51 = tpu.memref_slice %arg10[%mul3A_35, %dma_wait3A_50] : memref<10016x64xf32, #tpu.memory_space<vmem_shared>> -> memref<624x64xf32, #tpu.memory_space<vmem_shared>>
      tpu.wait_dma2 semaphore(%run_scoped3A_45 : memref<!tpu.dma_semaphore, #tpu.memory_space<semaphore_mem>>) src(%dma_wait3A_51 : memref<624x64xf32, #tpu.memory_space<vmem_shared>>) dst(%dma_wait3A_49 : memref<624x64xf32, #tpu.memory_space<hbm>>)
      tpu.yield
    }) : () -> ()
    %eq3A_40 = arith.constant 15 : i32
    %eq3A_41 = arith.cmpi eq, %arg1, %eq3A_40 : i32
    %convert_element_type3A_42 = arith.extui %eq3A_41 : i1 to i32
    %cond3A_43 = arith.constant 0 : i32
    %cond3A_44 = arith.cmpi ne, %convert_element_type3A_42, %cond3A_43 : i32
    scf.if %cond3A_44 {
      %mul3A_45 = arith.constant 64 : i32
      %mul3A_46 = arith.muli %arg0, %mul3A_45 : i32
      "tpu.region"() ({
        %run_scoped3A_47 = tpu.sem_alloc : memref<!tpu.dma_semaphore, #tpu.memory_space<semaphore_mem>>
        %dma_start3A_48 = arith.constant 9984 : i32
        %dma_start3A_49 = tpu.memref_slice %arg4[%dma_start3A_48, %mul3A_46] : memref<10000x128xf32, #tpu.memory_space<hbm>> -> memref<16x64xf32, #tpu.memory_space<hbm>>
        %dma_start3A_50 = arith.constant 9984 : i32
        %dma_start3A_51 = arith.constant 0 : i32
        %dma_start3A_52 = tpu.memref_slice %arg10[%dma_start3A_50, %dma_start3A_51] : memref<10016x64xf32, #tpu.memory_space<vmem_shared>> -> memref<16x64xf32, #tpu.memory_space<vmem_shared>>
        tpu.enqueue_dma source(%dma_start3A_52 : memref<16x64xf32, #tpu.memory_space<vmem_shared>>) target(%dma_start3A_49 : memref<16x64xf32, #tpu.memory_space<hbm>>) target_semaphore(%run_scoped3A_47 : memref<!tpu.dma_semaphore, #tpu.memory_space<semaphore_mem>>)
        %dma_wait3A_53 = arith.constant 9984 : i32
        %dma_wait3A_54 = tpu.memref_slice %arg4[%dma_wait3A_53, %mul3A_46] : memref<10000x128xf32, #tpu.memory_space<hbm>> -> memref<16x64xf32, #tpu.memory_space<hbm>>
        %dma_wait3A_55 = arith.constant 9984 : i32
        %dma_wait3A_56 = arith.constant 0 : i32
        %dma_wait3A_57 = tpu.memref_slice %arg10[%dma_wait3A_55, %dma_wait3A_56] : memref<10016x64xf32, #tpu.memory_space<vmem_shared>> -> memref<16x64xf32, #tpu.memory_space<vmem_shared>>
        tpu.wait_dma2 semaphore(%run_scoped3A_47 : memref<!tpu.dma_semaphore, #tpu.memory_space<semaphore_mem>>) src(%dma_wait3A_57 : memref<16x64xf32, #tpu.memory_space<vmem_shared>>) dst(%dma_wait3A_54 : memref<16x64xf32, #tpu.memory_space<hbm>>)
        tpu.yield
      }) : () -> ()
    } else {
    }
    return
  }
}

#map = affine_map<(d0, d1) -> (0, 0)>
#map1 = affine_map<(d0, d1) -> (0, 0, 0, 0)>
module attributes {stable_mosaic.version = 14 : i64} {
  func.func @_sc_aggregate_body(%arg0: i32, %arg1: i32, %arg2: memref<10000x64xf32, #tpu.memory_space<hbm>>, %arg3: memref<2x32x79x128xi32, #tpu.memory_space<hbm>>, %arg4: memref<10000x128xf32, #tpu.memory_space<hbm>>, %arg5: memref<79x128xi32, #tpu.memory_space<vmem>>, %arg6: memref<79x128xi32, #tpu.memory_space<vmem>>, %arg7: memref<128x64xf32, #tpu.memory_space<vmem>>, %arg8: memref<128x64xf32, #tpu.memory_space<vmem>>, %arg9: memref<624x64xf32, #tpu.memory_space<vmem>>, %arg10: memref<10016x64xf32, #tpu.memory_space<vmem_shared>>, %arg11: memref<!tpu.dma_semaphore, #tpu.memory_space<semaphore_mem>>, %arg12: memref<!tpu.dma_semaphore, #tpu.memory_space<semaphore_mem>>) attributes {dimension_semantics = [#tpu.dimension_semantics<core_parallel>, #tpu.dimension_semantics<subcore_parallel>], iteration_bounds = array<i64: 2, 16>, scalar_prefetch = 0 : i64, scratch_operands = 8 : i64, tpu.core_type = #tpu.core_type<sc_vector_subcore>, window_params = [{transform_indices = #map}, {transform_indices = #map1}, {transform_indices = #map}]} {
    %mul3A = arith.constant 16 : i32
    %mul3A_0 = arith.muli %arg0, %mul3A : i32
    %add3A = arith.addi %mul3A_0, %arg1 : i32
    %run_scoped3A = arith.constant 0 : i32
    "tpu.region"() ({
      %run_scoped3A_45 = tpu.sem_alloc : memref<!tpu.dma_semaphore, #tpu.memory_space<semaphore_mem>>
      %dma_start3A_46 = arith.constant 0 : i32
      %dma_start3A_47 = arith.constant 0 : i32
      %dma_start3A_48 = arith.constant 0 : i32
      %dma_start3A_49 = tpu.memref_slice %arg3[%run_scoped3A, %dma_start3A_46, %dma_start3A_47, %dma_start3A_48] : memref<2x32x79x128xi32, #tpu.memory_space<hbm>> -> memref<1x32x79x128xi32, #tpu.memory_space<hbm>>
      %dma_start3A_50 = tpu.memref_squeeze %dma_start3A_49 : memref<1x32x79x128xi32, #tpu.memory_space<hbm>> -> memref<32x79x128xi32, #tpu.memory_space<hbm>>
      %dma_start3A_51 = arith.constant 0 : i32
      %dma_start3A_52 = arith.constant 0 : i32
      %dma_start3A_53 = tpu.memref_slice %dma_start3A_50[%add3A, %dma_start3A_51, %dma_start3A_52] : memref<32x79x128xi32, #tpu.memory_space<hbm>> -> memref<1x79x128xi32, #tpu.memory_space<hbm>>
      %dma_start3A_54 = tpu.memref_squeeze %dma_start3A_53 : memref<1x79x128xi32, #tpu.memory_space<hbm>> -> memref<79x128xi32, #tpu.memory_space<hbm>>
      %dma_start3A_55 = arith.constant 0 : i32
      %dma_start3A_56 = arith.constant 0 : i32
      %dma_start3A_57 = arith.constant 0 : i32
      %dma_start3A_58 = tpu.memref_slice %arg3[%run_scoped3A, %dma_start3A_55, %dma_start3A_56, %dma_start3A_57] : memref<2x32x79x128xi32, #tpu.memory_space<hbm>> -> memref<1x32x79x128xi32, #tpu.memory_space<hbm>>
      %dma_start3A_59 = tpu.memref_squeeze %dma_start3A_58 : memref<1x32x79x128xi32, #tpu.memory_space<hbm>> -> memref<32x79x128xi32, #tpu.memory_space<hbm>>
      %dma_start3A_60 = arith.constant 0 : i32
      %dma_start3A_61 = arith.constant 0 : i32
      %dma_start3A_62 = tpu.memref_slice %dma_start3A_59[%add3A, %dma_start3A_60, %dma_start3A_61] : memref<32x79x128xi32, #tpu.memory_space<hbm>> -> memref<1x79x128xi32, #tpu.memory_space<hbm>>
      %dma_start3A_63 = tpu.memref_squeeze %dma_start3A_62 : memref<1x79x128xi32, #tpu.memory_space<hbm>> -> memref<79x128xi32, #tpu.memory_space<hbm>>
      tpu.enqueue_dma source(%dma_start3A_63 : memref<79x128xi32, #tpu.memory_space<hbm>>) target(%arg5 : memref<79x128xi32, #tpu.memory_space<vmem>>) target_semaphore(%run_scoped3A_45 : memref<!tpu.dma_semaphore, #tpu.memory_space<semaphore_mem>>)
      %dma_wait3A_64 = arith.constant 0 : i32
      %dma_wait3A_65 = arith.constant 0 : i32
      %dma_wait3A_66 = arith.constant 0 : i32
      %dma_wait3A_67 = tpu.memref_slice %arg3[%run_scoped3A, %dma_wait3A_64, %dma_wait3A_65, %dma_wait3A_66] : memref<2x32x79x128xi32, #tpu.memory_space<hbm>> -> memref<1x32x79x128xi32, #tpu.memory_space<hbm>>
      %dma_wait3A_68 = tpu.memref_squeeze %dma_wait3A_67 : memref<1x32x79x128xi32, #tpu.memory_space<hbm>> -> memref<32x79x128xi32, #tpu.memory_space<hbm>>
      %dma_wait3A_69 = arith.constant 0 : i32
      %dma_wait3A_70 = arith.constant 0 : i32
      %dma_wait3A_71 = tpu.memref_slice %dma_wait3A_68[%add3A, %dma_wait3A_69, %dma_wait3A_70] : memref<32x79x128xi32, #tpu.memory_space<hbm>> -> memref<1x79x128xi32, #tpu.memory_space<hbm>>
      %dma_wait3A_72 = tpu.memref_squeeze %dma_wait3A_71 : memref<1x79x128xi32, #tpu.memory_space<hbm>> -> memref<79x128xi32, #tpu.memory_space<hbm>>
      %dma_wait3A_73 = arith.constant 0 : i32
      %dma_wait3A_74 = arith.constant 0 : i32
      %dma_wait3A_75 = arith.constant 0 : i32
      %dma_wait3A_76 = tpu.memref_slice %arg3[%run_scoped3A, %dma_wait3A_73, %dma_wait3A_74, %dma_wait3A_75] : memref<2x32x79x128xi32, #tpu.memory_space<hbm>> -> memref<1x32x79x128xi32, #tpu.memory_space<hbm>>
      %dma_wait3A_77 = tpu.memref_squeeze %dma_wait3A_76 : memref<1x32x79x128xi32, #tpu.memory_space<hbm>> -> memref<32x79x128xi32, #tpu.memory_space<hbm>>
      %dma_wait3A_78 = arith.constant 0 : i32
      %dma_wait3A_79 = arith.constant 0 : i32
      %dma_wait3A_80 = tpu.memref_slice %dma_wait3A_77[%add3A, %dma_wait3A_78, %dma_wait3A_79] : memref<32x79x128xi32, #tpu.memory_space<hbm>> -> memref<1x79x128xi32, #tpu.memory_space<hbm>>
      %dma_wait3A_81 = tpu.memref_squeeze %dma_wait3A_80 : memref<1x79x128xi32, #tpu.memory_space<hbm>> -> memref<79x128xi32, #tpu.memory_space<hbm>>
      tpu.wait_dma2 semaphore(%run_scoped3A_45 : memref<!tpu.dma_semaphore, #tpu.memory_space<semaphore_mem>>) src(%dma_wait3A_81 : memref<79x128xi32, #tpu.memory_space<hbm>>) dst(%arg5 : memref<79x128xi32, #tpu.memory_space<vmem>>)
      tpu.yield
    }) : () -> ()
    %run_scoped3A_1 = arith.constant 1 : i32
    "tpu.region"() ({
      %run_scoped3A_45 = tpu.sem_alloc : memref<!tpu.dma_semaphore, #tpu.memory_space<semaphore_mem>>
      %dma_start3A_46 = arith.constant 0 : i32
      %dma_start3A_47 = arith.constant 0 : i32
      %dma_start3A_48 = arith.constant 0 : i32
      %dma_start3A_49 = tpu.memref_slice %arg3[%run_scoped3A_1, %dma_start3A_46, %dma_start3A_47, %dma_start3A_48] : memref<2x32x79x128xi32, #tpu.memory_space<hbm>> -> memref<1x32x79x128xi32, #tpu.memory_space<hbm>>
      %dma_start3A_50 = tpu.memref_squeeze %dma_start3A_49 : memref<1x32x79x128xi32, #tpu.memory_space<hbm>> -> memref<32x79x128xi32, #tpu.memory_space<hbm>>
      %dma_start3A_51 = arith.constant 0 : i32
      %dma_start3A_52 = arith.constant 0 : i32
      %dma_start3A_53 = tpu.memref_slice %dma_start3A_50[%add3A, %dma_start3A_51, %dma_start3A_52] : memref<32x79x128xi32, #tpu.memory_space<hbm>> -> memref<1x79x128xi32, #tpu.memory_space<hbm>>
      %dma_start3A_54 = tpu.memref_squeeze %dma_start3A_53 : memref<1x79x128xi32, #tpu.memory_space<hbm>> -> memref<79x128xi32, #tpu.memory_space<hbm>>
      %dma_start3A_55 = arith.constant 0 : i32
      %dma_start3A_56 = arith.constant 0 : i32
      %dma_start3A_57 = arith.constant 0 : i32
      %dma_start3A_58 = tpu.memref_slice %arg3[%run_scoped3A_1, %dma_start3A_55, %dma_start3A_56, %dma_start3A_57] : memref<2x32x79x128xi32, #tpu.memory_space<hbm>> -> memref<1x32x79x128xi32, #tpu.memory_space<hbm>>
      %dma_start3A_59 = tpu.memref_squeeze %dma_start3A_58 : memref<1x32x79x128xi32, #tpu.memory_space<hbm>> -> memref<32x79x128xi32, #tpu.memory_space<hbm>>
      %dma_start3A_60 = arith.constant 0 : i32
      %dma_start3A_61 = arith.constant 0 : i32
      %dma_start3A_62 = tpu.memref_slice %dma_start3A_59[%add3A, %dma_start3A_60, %dma_start3A_61] : memref<32x79x128xi32, #tpu.memory_space<hbm>> -> memref<1x79x128xi32, #tpu.memory_space<hbm>>
      %dma_start3A_63 = tpu.memref_squeeze %dma_start3A_62 : memref<1x79x128xi32, #tpu.memory_space<hbm>> -> memref<79x128xi32, #tpu.memory_space<hbm>>
      tpu.enqueue_dma source(%dma_start3A_63 : memref<79x128xi32, #tpu.memory_space<hbm>>) target(%arg6 : memref<79x128xi32, #tpu.memory_space<vmem>>) target_semaphore(%run_scoped3A_45 : memref<!tpu.dma_semaphore, #tpu.memory_space<semaphore_mem>>)
      %dma_wait3A_64 = arith.constant 0 : i32
      %dma_wait3A_65 = arith.constant 0 : i32
      %dma_wait3A_66 = arith.constant 0 : i32
      %dma_wait3A_67 = tpu.memref_slice %arg3[%run_scoped3A_1, %dma_wait3A_64, %dma_wait3A_65, %dma_wait3A_66] : memref<2x32x79x128xi32, #tpu.memory_space<hbm>> -> memref<1x32x79x128xi32, #tpu.memory_space<hbm>>
      %dma_wait3A_68 = tpu.memref_squeeze %dma_wait3A_67 : memref<1x32x79x128xi32, #tpu.memory_space<hbm>> -> memref<32x79x128xi32, #tpu.memory_space<hbm>>
      %dma_wait3A_69 = arith.constant 0 : i32
      %dma_wait3A_70 = arith.constant 0 : i32
      %dma_wait3A_71 = tpu.memref_slice %dma_wait3A_68[%add3A, %dma_wait3A_69, %dma_wait3A_70] : memref<32x79x128xi32, #tpu.memory_space<hbm>> -> memref<1x79x128xi32, #tpu.memory_space<hbm>>
      %dma_wait3A_72 = tpu.memref_squeeze %dma_wait3A_71 : memref<1x79x128xi32, #tpu.memory_space<hbm>> -> memref<79x128xi32, #tpu.memory_space<hbm>>
      %dma_wait3A_73 = arith.constant 0 : i32
      %dma_wait3A_74 = arith.constant 0 : i32
      %dma_wait3A_75 = arith.constant 0 : i32
      %dma_wait3A_76 = tpu.memref_slice %arg3[%run_scoped3A_1, %dma_wait3A_73, %dma_wait3A_74, %dma_wait3A_75] : memref<2x32x79x128xi32, #tpu.memory_space<hbm>> -> memref<1x32x79x128xi32, #tpu.memory_space<hbm>>
      %dma_wait3A_77 = tpu.memref_squeeze %dma_wait3A_76 : memref<1x32x79x128xi32, #tpu.memory_space<hbm>> -> memref<32x79x128xi32, #tpu.memory_space<hbm>>
      %dma_wait3A_78 = arith.constant 0 : i32
      %dma_wait3A_79 = arith.constant 0 : i32
      %dma_wait3A_80 = tpu.memref_slice %dma_wait3A_77[%add3A, %dma_wait3A_78, %dma_wait3A_79] : memref<32x79x128xi32, #tpu.memory_space<hbm>> -> memref<1x79x128xi32, #tpu.memory_space<hbm>>
      %dma_wait3A_81 = tpu.memref_squeeze %dma_wait3A_80 : memref<1x79x128xi32, #tpu.memory_space<hbm>> -> memref<79x128xi32, #tpu.memory_space<hbm>>
      tpu.wait_dma2 semaphore(%run_scoped3A_45 : memref<!tpu.dma_semaphore, #tpu.memory_space<semaphore_mem>>) src(%dma_wait3A_81 : memref<79x128xi32, #tpu.memory_space<hbm>>) dst(%arg6 : memref<79x128xi32, #tpu.memory_space<vmem>>)
      tpu.yield
    }) : () -> ()
    %broadcast_in_dim3A = arith.constant 0.000000e+00 : f32
    %broadcast_in_dim3A_2 = vector.broadcast %broadcast_in_dim3A : f32 to vector<16xf32>
    %scan3A = arith.constant 0 : i32
    %scan3A_3 = arith.constant 0 : i32
    %scan3A_4 = arith.constant 624 : i32
    %scan3A_5 = arith.addi %scan3A_3, %scan3A_4 : i32
    %scan3A_6 = arith.constant 1 : i32
    %scan3A_7 = scf.for %scan3A_45 = %scan3A_3 to %scan3A_5 step %scan3A_6 iter_args(%scan3A_46 = %scan3A) -> (i32)  : i32 {
      %swap3A = arith.index_cast %scan3A_45 : i32 to index
      %swap3A_47 = arith.constant 0 : index
      %swap3A_48 = tpu.vector_load %arg9[%swap3A, %swap3A_47] {strides = array<i32>} : memref<624x64xf32, #tpu.memory_space<vmem>>, vector<1x16xf32>,
      %swap3A_49 = vector.shape_cast %swap3A_48 : vector<1x16xf32> to vector<16xf32>
      %swap3A_50 = vector.shape_cast %broadcast_in_dim3A_2 : vector<16xf32> to vector<1x16xf32>
      tpu.vector_store %arg9[%swap3A, %swap3A_47], %swap3A_50 {strides = array<i32>} : memref<624x64xf32, #tpu.memory_space<vmem>>, vector<1x16xf32>,
      %swap3A_51 = arith.index_cast %scan3A_45 : i32 to index
      %swap3A_52 = arith.constant 16 : index
      %swap3A_53 = tpu.vector_load %arg9[%swap3A_51, %swap3A_52] {strides = array<i32>} : memref<624x64xf32, #tpu.memory_space<vmem>>, vector<1x16xf32>,
      %swap3A_54 = vector.shape_cast %swap3A_53 : vector<1x16xf32> to vector<16xf32>
      %swap3A_55 = vector.shape_cast %broadcast_in_dim3A_2 : vector<16xf32> to vector<1x16xf32>
      tpu.vector_store %arg9[%swap3A_51, %swap3A_52], %swap3A_55 {strides = array<i32>} : memref<624x64xf32, #tpu.memory_space<vmem>>, vector<1x16xf32>,
      %swap3A_56 = arith.index_cast %scan3A_45 : i32 to index
      %swap3A_57 = arith.constant 32 : index
      %swap3A_58 = tpu.vector_load %arg9[%swap3A_56, %swap3A_57] {strides = array<i32>} : memref<624x64xf32, #tpu.memory_space<vmem>>, vector<1x16xf32>,
      %swap3A_59 = vector.shape_cast %swap3A_58 : vector<1x16xf32> to vector<16xf32>
      %swap3A_60 = vector.shape_cast %broadcast_in_dim3A_2 : vector<16xf32> to vector<1x16xf32>
      tpu.vector_store %arg9[%swap3A_56, %swap3A_57], %swap3A_60 {strides = array<i32>} : memref<624x64xf32, #tpu.memory_space<vmem>>, vector<1x16xf32>,
      %swap3A_61 = arith.index_cast %scan3A_45 : i32 to index
      %swap3A_62 = arith.constant 48 : index
      %swap3A_63 = tpu.vector_load %arg9[%swap3A_61, %swap3A_62] {strides = array<i32>} : memref<624x64xf32, #tpu.memory_space<vmem>>, vector<1x16xf32>,
      %swap3A_64 = vector.shape_cast %swap3A_63 : vector<1x16xf32> to vector<16xf32>
      %swap3A_65 = vector.shape_cast %broadcast_in_dim3A_2 : vector<16xf32> to vector<1x16xf32>
      tpu.vector_store %arg9[%swap3A_61, %swap3A_62], %swap3A_65 {strides = array<i32>} : memref<624x64xf32, #tpu.memory_space<vmem>>, vector<1x16xf32>,
      %scan3A_66 = arith.constant 0 : i32
      scf.yield %scan3A_66 : i32
    }
    %scan3A_8 = arith.constant 624 : i32
    %mul3A_9 = arith.constant 624 : i32
    %mul3A_10 = arith.muli %arg1, %mul3A_9 : i32
    "tpu.region"() ({
      %run_scoped3A_45 = tpu.sem_alloc : memref<!tpu.dma_semaphore, #tpu.memory_space<semaphore_mem>>
      %dma_start3A_46 = arith.constant 0 : i32
      %dma_start3A_47 = arith.constant 0 : i32
      %dma_start3A_48 = tpu.memref_slice %arg9[%dma_start3A_46, %dma_start3A_47] : memref<624x64xf32, #tpu.memory_space<vmem>> -> memref<624x64xf32, #tpu.memory_space<vmem>>
      %dma_start3A_49 = arith.constant 0 : i32
      %dma_start3A_50 = tpu.memref_slice %arg10[%mul3A_10, %dma_start3A_49] : memref<10016x64xf32, #tpu.memory_space<vmem_shared>> -> memref<624x64xf32, #tpu.memory_space<vmem_shared>>
      %dma_start3A_51 = arith.constant 0 : i32
      %dma_start3A_52 = tpu.memref_slice %arg10[%mul3A_10, %dma_start3A_51] : memref<10016x64xf32, #tpu.memory_space<vmem_shared>> -> memref<624x64xf32, #tpu.memory_space<vmem_shared>>
      %dma_start3A_53 = arith.constant 0 : i32
      %dma_start3A_54 = arith.constant 0 : i32
      %dma_start3A_55 = tpu.memref_slice %arg9[%dma_start3A_53, %dma_start3A_54] : memref<624x64xf32, #tpu.memory_space<vmem>> -> memref<624x64xf32, #tpu.memory_space<vmem>>
      tpu.enqueue_dma source(%dma_start3A_55 : memref<624x64xf32, #tpu.memory_space<vmem>>) target(%dma_start3A_52 : memref<624x64xf32, #tpu.memory_space<vmem_shared>>) target_semaphore(%run_scoped3A_45 : memref<!tpu.dma_semaphore, #tpu.memory_space<semaphore_mem>>)
      %dma_wait3A_56 = arith.constant 0 : i32
      %dma_wait3A_57 = arith.constant 0 : i32
      %dma_wait3A_58 = tpu.memref_slice %arg9[%dma_wait3A_56, %dma_wait3A_57] : memref<624x64xf32, #tpu.memory_space<vmem>> -> memref<624x64xf32, #tpu.memory_space<vmem>>
      %dma_wait3A_59 = arith.constant 0 : i32
      %dma_wait3A_60 = tpu.memref_slice %arg10[%mul3A_10, %dma_wait3A_59] : memref<10016x64xf32, #tpu.memory_space<vmem_shared>> -> memref<624x64xf32, #tpu.memory_space<vmem_shared>>
      %dma_wait3A_61 = arith.constant 0 : i32
      %dma_wait3A_62 = tpu.memref_slice %arg10[%mul3A_10, %dma_wait3A_61] : memref<10016x64xf32, #tpu.memory_space<vmem_shared>> -> memref<624x64xf32, #tpu.memory_space<vmem_shared>>
      %dma_wait3A_63 = arith.constant 0 : i32
      %dma_wait3A_64 = arith.constant 0 : i32
      %dma_wait3A_65 = tpu.memref_slice %arg9[%dma_wait3A_63, %dma_wait3A_64] : memref<624x64xf32, #tpu.memory_space<vmem>> -> memref<624x64xf32, #tpu.memory_space<vmem>>
      tpu.wait_dma2 semaphore(%run_scoped3A_45 : memref<!tpu.dma_semaphore, #tpu.memory_space<semaphore_mem>>) src(%dma_wait3A_65 : memref<624x64xf32, #tpu.memory_space<vmem>>) dst(%dma_wait3A_62 : memref<624x64xf32, #tpu.memory_space<vmem_shared>>)
      tpu.yield
    }) : () -> ()
    %eq3A = arith.constant 15 : i32
    %eq3A_11 = arith.cmpi eq, %arg1, %eq3A : i32
    %convert_element_type3A = arith.extui %eq3A_11 : i1 to i32
    %cond3A = arith.constant 0 : i32
    %cond3A_12 = arith.cmpi ne, %convert_element_type3A, %cond3A : i32
    scf.if %cond3A_12 {
      "tpu.region"() ({
        %run_scoped3A_45 = tpu.sem_alloc : memref<!tpu.dma_semaphore, #tpu.memory_space<semaphore_mem>>
        %dma_start3A_46 = arith.constant 0 : i32
        %dma_start3A_47 = arith.constant 0 : i32
        %dma_start3A_48 = tpu.memref_slice %arg9[%dma_start3A_46, %dma_start3A_47] : memref<624x64xf32, #tpu.memory_space<vmem>> -> memref<32x64xf32, #tpu.memory_space<vmem>>
        %dma_start3A_49 = arith.constant 9984 : i32
        %dma_start3A_50 = arith.constant 0 : i32
        %dma_start3A_51 = tpu.memref_slice %arg10[%dma_start3A_49, %dma_start3A_50] : memref<10016x64xf32, #tpu.memory_space<vmem_shared>> -> memref<32x64xf32, #tpu.memory_space<vmem_shared>>
        %dma_start3A_52 = arith.constant 9984 : i32
        %dma_start3A_53 = arith.constant 0 : i32
        %dma_start3A_54 = tpu.memref_slice %arg10[%dma_start3A_52, %dma_start3A_53] : memref<10016x64xf32, #tpu.memory_space<vmem_shared>> -> memref<32x64xf32, #tpu.memory_space<vmem_shared>>
        %dma_start3A_55 = arith.constant 0 : i32
        %dma_start3A_56 = arith.constant 0 : i32
        %dma_start3A_57 = tpu.memref_slice %arg9[%dma_start3A_55, %dma_start3A_56] : memref<624x64xf32, #tpu.memory_space<vmem>> -> memref<32x64xf32, #tpu.memory_space<vmem>>
        tpu.enqueue_dma source(%dma_start3A_57 : memref<32x64xf32, #tpu.memory_space<vmem>>) target(%dma_start3A_54 : memref<32x64xf32, #tpu.memory_space<vmem_shared>>) target_semaphore(%run_scoped3A_45 : memref<!tpu.dma_semaphore, #tpu.memory_space<semaphore_mem>>)
        %dma_wait3A_58 = arith.constant 0 : i32
        %dma_wait3A_59 = arith.constant 0 : i32
        %dma_wait3A_60 = tpu.memref_slice %arg9[%dma_wait3A_58, %dma_wait3A_59] : memref<624x64xf32, #tpu.memory_space<vmem>> -> memref<32x64xf32, #tpu.memory_space<vmem>>
        %dma_wait3A_61 = arith.constant 9984 : i32
        %dma_wait3A_62 = arith.constant 0 : i32
        %dma_wait3A_63 = tpu.memref_slice %arg10[%dma_wait3A_61, %dma_wait3A_62] : memref<10016x64xf32, #tpu.memory_space<vmem_shared>> -> memref<32x64xf32, #tpu.memory_space<vmem_shared>>
        %dma_wait3A_64 = arith.constant 9984 : i32
        %dma_wait3A_65 = arith.constant 0 : i32
        %dma_wait3A_66 = tpu.memref_slice %arg10[%dma_wait3A_64, %dma_wait3A_65] : memref<10016x64xf32, #tpu.memory_space<vmem_shared>> -> memref<32x64xf32, #tpu.memory_space<vmem_shared>>
        %dma_wait3A_67 = arith.constant 0 : i32
        %dma_wait3A_68 = arith.constant 0 : i32
        %dma_wait3A_69 = tpu.memref_slice %arg9[%dma_wait3A_67, %dma_wait3A_68] : memref<624x64xf32, #tpu.memory_space<vmem>> -> memref<32x64xf32, #tpu.memory_space<vmem>>
        tpu.wait_dma2 semaphore(%run_scoped3A_45 : memref<!tpu.dma_semaphore, #tpu.memory_space<semaphore_mem>>) src(%dma_wait3A_69 : memref<32x64xf32, #tpu.memory_space<vmem>>) dst(%dma_wait3A_66 : memref<32x64xf32, #tpu.memory_space<vmem_shared>>)
        tpu.yield
      }) : () -> ()
    } else {
    }
    %barrier3A = arith.constant 0 : index
    tpu.barrier barrier_id(%barrier3A)
    %dma_start3A = arith.constant 0 : i32
    %dma_start3A_13 = arith.constant 0 : i32
    %dma_start3A_14 = tpu.memref_slice %arg5[%dma_start3A, %dma_start3A_13] : memref<79x128xi32, #tpu.memory_space<vmem>> -> memref<1x128xi32, #tpu.memory_space<vmem>>
    %dma_start3A_15 = tpu.memref_squeeze %dma_start3A_14 : memref<1x128xi32, #tpu.memory_space<vmem>> -> memref<128xi32, #tpu.memory_space<vmem>>
    %dma_start3A_16 = arith.constant 0 : i32
    %dma_start3A_17 = arith.constant 0 : i32
    %dma_start3A_18 = tpu.memref_slice %arg2[%dma_start3A_16, %dma_start3A_17] : memref<10000x64xf32, #tpu.memory_space<hbm>> -> memref<10000x64xf32, #tpu.memory_space<hbm>>
    tpu.enqueue_indirect_dma source(%dma_start3A_18 : memref<10000x64xf32, #tpu.memory_space<hbm>>) target(%arg7 : memref<128x64xf32, #tpu.memory_space<vmem>>) offsets(%dma_start3A_15 : memref<128xi32, #tpu.memory_space<vmem>>) semaphore(%arg11 : memref<!tpu.dma_semaphore, #tpu.memory_space<semaphore_mem>>)
    %scan3A_19 = arith.constant 0 : i32
    %scan3A_20 = arith.constant 0 : i32
    %scan3A_21 = arith.constant 39 : i32
    %scan3A_22 = arith.addi %scan3A_20, %scan3A_21 : i32
    %scan3A_23 = arith.constant 1 : i32
    %scan3A_24 = scf.for %scan3A_45 = %scan3A_20 to %scan3A_22 step %scan3A_23 iter_args(%scan3A_46 = %scan3A_19) -> (i32)  : i32 {
      %mul3A_47 = arith.constant 2 : i32
      %mul3A_48 = arith.muli %mul3A_47, %scan3A_45 : i32
      %add3A_49 = arith.constant 1 : i32
      %add3A_50 = arith.addi %mul3A_48, %add3A_49 : i32
      %dma_start3A_51 = arith.constant 0 : i32
      %dma_start3A_52 = tpu.memref_slice %arg5[%add3A_50, %dma_start3A_51] : memref<79x128xi32, #tpu.memory_space<vmem>> -> memref<1x128xi32, #tpu.memory_space<vmem>>
      %dma_start3A_53 = tpu.memref_squeeze %dma_start3A_52 : memref<1x128xi32, #tpu.memory_space<vmem>> -> memref<128xi32, #tpu.memory_space<vmem>>
      %dma_start3A_54 = arith.constant 0 : i32
      %dma_start3A_55 = arith.constant 0 : i32
      %dma_start3A_56 = tpu.memref_slice %arg2[%dma_start3A_54, %dma_start3A_55] : memref<10000x64xf32, #tpu.memory_space<hbm>> -> memref<10000x64xf32, #tpu.memory_space<hbm>>
      tpu.enqueue_indirect_dma source(%dma_start3A_56 : memref<10000x64xf32, #tpu.memory_space<hbm>>) target(%arg8 : memref<128x64xf32, #tpu.memory_space<vmem>>) offsets(%dma_start3A_53 : memref<128xi32, #tpu.memory_space<vmem>>) semaphore(%arg12 : memref<!tpu.dma_semaphore, #tpu.memory_space<semaphore_mem>>)
      %dma_wait3A_57 = arith.constant 0 : i32
      %dma_wait3A_58 = tpu.memref_slice %arg5[%mul3A_48, %dma_wait3A_57] : memref<79x128xi32, #tpu.memory_space<vmem>> -> memref<1x128xi32, #tpu.memory_space<vmem>>
      %dma_wait3A_59 = tpu.memref_squeeze %dma_wait3A_58 : memref<1x128xi32, #tpu.memory_space<vmem>> -> memref<128xi32, #tpu.memory_space<vmem>>
      %dma_wait3A_60 = arith.constant 0 : i32
      %dma_wait3A_61 = arith.constant 0 : i32
      %dma_wait3A_62 = tpu.memref_slice %arg2[%dma_wait3A_60, %dma_wait3A_61] : memref<10000x64xf32, #tpu.memory_space<hbm>> -> memref<10000x64xf32, #tpu.memory_space<hbm>>
      tpu.wait_indirect_dma semaphore(%arg11 : memref<!tpu.dma_semaphore, #tpu.memory_space<semaphore_mem>>) src(%dma_wait3A_62 : memref<10000x64xf32, #tpu.memory_space<hbm>>) dst(%arg7 : memref<128x64xf32, #tpu.memory_space<vmem>>)
      "tpu.region"() ({
        %run_scoped3A_82 = tpu.sem_alloc : memref<!tpu.dma_semaphore, #tpu.memory_space<semaphore_mem>>
        %dma_start3A_83 = arith.constant 0 : i32
        %dma_start3A_84 = tpu.memref_slice %arg6[%mul3A_48, %dma_start3A_83] : memref<79x128xi32, #tpu.memory_space<vmem>> -> memref<1x128xi32, #tpu.memory_space<vmem>>
        %dma_start3A_85 = tpu.memref_squeeze %dma_start3A_84 : memref<1x128xi32, #tpu.memory_space<vmem>> -> memref<128xi32, #tpu.memory_space<vmem>>
        %dma_start3A_86 = arith.constant 0 : i32
        %dma_start3A_87 = arith.constant 0 : i32
        %dma_start3A_88 = tpu.memref_slice %arg10[%dma_start3A_86, %dma_start3A_87] : memref<10016x64xf32, #tpu.memory_space<vmem_shared>> -> memref<10016x64xf32, #tpu.memory_space<vmem_shared>>
        tpu.enqueue_indirect_dma source(%arg7 : memref<128x64xf32, #tpu.memory_space<vmem>>) target(%dma_start3A_88 : memref<10016x64xf32, #tpu.memory_space<vmem_shared>>) offsets(%dma_start3A_85 : memref<128xi32, #tpu.memory_space<vmem>>) semaphore(%run_scoped3A_82 : memref<!tpu.dma_semaphore, #tpu.memory_space<semaphore_mem>>) {add = true}
        %dma_wait3A_89 = arith.constant 0 : i32
        %dma_wait3A_90 = tpu.memref_slice %arg6[%mul3A_48, %dma_wait3A_89] : memref<79x128xi32, #tpu.memory_space<vmem>> -> memref<1x128xi32, #tpu.memory_space<vmem>>
        %dma_wait3A_91 = tpu.memref_squeeze %dma_wait3A_90 : memref<1x128xi32, #tpu.memory_space<vmem>> -> memref<128xi32, #tpu.memory_space<vmem>>
        %dma_wait3A_92 = arith.constant 0 : i32
        %dma_wait3A_93 = arith.constant 0 : i32
        %dma_wait3A_94 = tpu.memref_slice %arg10[%dma_wait3A_92, %dma_wait3A_93] : memref<10016x64xf32, #tpu.memory_space<vmem_shared>> -> memref<10016x64xf32, #tpu.memory_space<vmem_shared>>
        tpu.wait_indirect_dma semaphore(%run_scoped3A_82 : memref<!tpu.dma_semaphore, #tpu.memory_space<semaphore_mem>>) src(%arg7 : memref<128x64xf32, #tpu.memory_space<vmem>>) dst(%dma_wait3A_94 : memref<10016x64xf32, #tpu.memory_space<vmem_shared>>)
        tpu.yield
      }) : () -> ()
      %add3A_63 = arith.constant 2 : i32
      %add3A_64 = arith.addi %mul3A_48, %add3A_63 : i32
      %dma_start3A_65 = arith.constant 0 : i32
      %dma_start3A_66 = tpu.memref_slice %arg5[%add3A_64, %dma_start3A_65] : memref<79x128xi32, #tpu.memory_space<vmem>> -> memref<1x128xi32, #tpu.memory_space<vmem>>
      %dma_start3A_67 = tpu.memref_squeeze %dma_start3A_66 : memref<1x128xi32, #tpu.memory_space<vmem>> -> memref<128xi32, #tpu.memory_space<vmem>>
      %dma_start3A_68 = arith.constant 0 : i32
      %dma_start3A_69 = arith.constant 0 : i32
      %dma_start3A_70 = tpu.memref_slice %arg2[%dma_start3A_68, %dma_start3A_69] : memref<10000x64xf32, #tpu.memory_space<hbm>> -> memref<10000x64xf32, #tpu.memory_space<hbm>>
      tpu.enqueue_indirect_dma source(%dma_start3A_70 : memref<10000x64xf32, #tpu.memory_space<hbm>>) target(%arg7 : memref<128x64xf32, #tpu.memory_space<vmem>>) offsets(%dma_start3A_67 : memref<128xi32, #tpu.memory_space<vmem>>) semaphore(%arg11 : memref<!tpu.dma_semaphore, #tpu.memory_space<semaphore_mem>>)
      %add3A_71 = arith.constant 1 : i32
      %add3A_72 = arith.addi %mul3A_48, %add3A_71 : i32
      %dma_wait3A_73 = arith.constant 0 : i32
      %dma_wait3A_74 = tpu.memref_slice %arg5[%add3A_72, %dma_wait3A_73] : memref<79x128xi32, #tpu.memory_space<vmem>> -> memref<1x128xi32, #tpu.memory_space<vmem>>
      %dma_wait3A_75 = tpu.memref_squeeze %dma_wait3A_74 : memref<1x128xi32, #tpu.memory_space<vmem>> -> memref<128xi32, #tpu.memory_space<vmem>>
      %dma_wait3A_76 = arith.constant 0 : i32
      %dma_wait3A_77 = arith.constant 0 : i32
      %dma_wait3A_78 = tpu.memref_slice %arg2[%dma_wait3A_76, %dma_wait3A_77] : memref<10000x64xf32, #tpu.memory_space<hbm>> -> memref<10000x64xf32, #tpu.memory_space<hbm>>
      tpu.wait_indirect_dma semaphore(%arg12 : memref<!tpu.dma_semaphore, #tpu.memory_space<semaphore_mem>>) src(%dma_wait3A_78 : memref<10000x64xf32, #tpu.memory_space<hbm>>) dst(%arg8 : memref<128x64xf32, #tpu.memory_space<vmem>>)
      %add3A_79 = arith.constant 1 : i32
      %add3A_80 = arith.addi %mul3A_48, %add3A_79 : i32
      "tpu.region"() ({
        %run_scoped3A_82 = tpu.sem_alloc : memref<!tpu.dma_semaphore, #tpu.memory_space<semaphore_mem>>
        %dma_start3A_83 = arith.constant 0 : i32
        %dma_start3A_84 = tpu.memref_slice %arg6[%add3A_80, %dma_start3A_83] : memref<79x128xi32, #tpu.memory_space<vmem>> -> memref<1x128xi32, #tpu.memory_space<vmem>>
        %dma_start3A_85 = tpu.memref_squeeze %dma_start3A_84 : memref<1x128xi32, #tpu.memory_space<vmem>> -> memref<128xi32, #tpu.memory_space<vmem>>
        %dma_start3A_86 = arith.constant 0 : i32
        %dma_start3A_87 = arith.constant 0 : i32
        %dma_start3A_88 = tpu.memref_slice %arg10[%dma_start3A_86, %dma_start3A_87] : memref<10016x64xf32, #tpu.memory_space<vmem_shared>> -> memref<10016x64xf32, #tpu.memory_space<vmem_shared>>
        tpu.enqueue_indirect_dma source(%arg8 : memref<128x64xf32, #tpu.memory_space<vmem>>) target(%dma_start3A_88 : memref<10016x64xf32, #tpu.memory_space<vmem_shared>>) offsets(%dma_start3A_85 : memref<128xi32, #tpu.memory_space<vmem>>) semaphore(%run_scoped3A_82 : memref<!tpu.dma_semaphore, #tpu.memory_space<semaphore_mem>>) {add = true}
        %dma_wait3A_89 = arith.constant 0 : i32
        %dma_wait3A_90 = tpu.memref_slice %arg6[%add3A_80, %dma_wait3A_89] : memref<79x128xi32, #tpu.memory_space<vmem>> -> memref<1x128xi32, #tpu.memory_space<vmem>>
        %dma_wait3A_91 = tpu.memref_squeeze %dma_wait3A_90 : memref<1x128xi32, #tpu.memory_space<vmem>> -> memref<128xi32, #tpu.memory_space<vmem>>
        %dma_wait3A_92 = arith.constant 0 : i32
        %dma_wait3A_93 = arith.constant 0 : i32
        %dma_wait3A_94 = tpu.memref_slice %arg10[%dma_wait3A_92, %dma_wait3A_93] : memref<10016x64xf32, #tpu.memory_space<vmem_shared>> -> memref<10016x64xf32, #tpu.memory_space<vmem_shared>>
        tpu.wait_indirect_dma semaphore(%run_scoped3A_82 : memref<!tpu.dma_semaphore, #tpu.memory_space<semaphore_mem>>) src(%arg8 : memref<128x64xf32, #tpu.memory_space<vmem>>) dst(%dma_wait3A_94 : memref<10016x64xf32, #tpu.memory_space<vmem_shared>>)
        tpu.yield
      }) : () -> ()
      %scan3A_81 = arith.constant 0 : i32
      scf.yield %scan3A_81 : i32
    }
    %scan3A_25 = arith.constant 39 : i32
    %dma_wait3A = arith.constant 78 : i32
    %dma_wait3A_26 = arith.constant 0 : i32
    %dma_wait3A_27 = tpu.memref_slice %arg5[%dma_wait3A, %dma_wait3A_26] : memref<79x128xi32, #tpu.memory_space<vmem>> -> memref<1x128xi32, #tpu.memory_space<vmem>>
    %dma_wait3A_28 = tpu.memref_squeeze %dma_wait3A_27 : memref<1x128xi32, #tpu.memory_space<vmem>> -> memref<128xi32, #tpu.memory_space<vmem>>
    %dma_wait3A_29 = arith.constant 0 : i32
    %dma_wait3A_30 = arith.constant 0 : i32
    %dma_wait3A_31 = tpu.memref_slice %arg2[%dma_wait3A_29, %dma_wait3A_30] : memref<10000x64xf32, #tpu.memory_space<hbm>> -> memref<10000x64xf32, #tpu.memory_space<hbm>>
    tpu.wait_indirect_dma semaphore(%arg11 : memref<!tpu.dma_semaphore, #tpu.memory_space<semaphore_mem>>) src(%dma_wait3A_31 : memref<10000x64xf32, #tpu.memory_space<hbm>>) dst(%arg7 : memref<128x64xf32, #tpu.memory_space<vmem>>)
    %run_scoped3A_32 = arith.constant 78 : i32
    "tpu.region"() ({
      %run_scoped3A_45 = tpu.sem_alloc : memref<!tpu.dma_semaphore, #tpu.memory_space<semaphore_mem>>
      %dma_start3A_46 = arith.constant 0 : i32
      %dma_start3A_47 = tpu.memref_slice %arg6[%run_scoped3A_32, %dma_start3A_46] : memref<79x128xi32, #tpu.memory_space<vmem>> -> memref<1x128xi32, #tpu.memory_space<vmem>>
      %dma_start3A_48 = tpu.memref_squeeze %dma_start3A_47 : memref<1x128xi32, #tpu.memory_space<vmem>> -> memref<128xi32, #tpu.memory_space<vmem>>
      %dma_start3A_49 = arith.constant 0 : i32
      %dma_start3A_50 = arith.constant 0 : i32
      %dma_start3A_51 = tpu.memref_slice %arg10[%dma_start3A_49, %dma_start3A_50] : memref<10016x64xf32, #tpu.memory_space<vmem_shared>> -> memref<10016x64xf32, #tpu.memory_space<vmem_shared>>
      tpu.enqueue_indirect_dma source(%arg7 : memref<128x64xf32, #tpu.memory_space<vmem>>) target(%dma_start3A_51 : memref<10016x64xf32, #tpu.memory_space<vmem_shared>>) offsets(%dma_start3A_48 : memref<128xi32, #tpu.memory_space<vmem>>) semaphore(%run_scoped3A_45 : memref<!tpu.dma_semaphore, #tpu.memory_space<semaphore_mem>>) {add = true}
      %dma_wait3A_52 = arith.constant 0 : i32
      %dma_wait3A_53 = tpu.memref_slice %arg6[%run_scoped3A_32, %dma_wait3A_52] : memref<79x128xi32, #tpu.memory_space<vmem>> -> memref<1x128xi32, #tpu.memory_space<vmem>>
      %dma_wait3A_54 = tpu.memref_squeeze %dma_wait3A_53 : memref<1x128xi32, #tpu.memory_space<vmem>> -> memref<128xi32, #tpu.memory_space<vmem>>
      %dma_wait3A_55 = arith.constant 0 : i32
      %dma_wait3A_56 = arith.constant 0 : i32
      %dma_wait3A_57 = tpu.memref_slice %arg10[%dma_wait3A_55, %dma_wait3A_56] : memref<10016x64xf32, #tpu.memory_space<vmem_shared>> -> memref<10016x64xf32, #tpu.memory_space<vmem_shared>>
      tpu.wait_indirect_dma semaphore(%run_scoped3A_45 : memref<!tpu.dma_semaphore, #tpu.memory_space<semaphore_mem>>) src(%arg7 : memref<128x64xf32, #tpu.memory_space<vmem>>) dst(%dma_wait3A_57 : memref<10016x64xf32, #tpu.memory_space<vmem_shared>>)
      tpu.yield
    }) : () -> ()
    %barrier3A_33 = arith.constant 0 : index
    tpu.barrier barrier_id(%barrier3A_33)
    %mul3A_34 = arith.constant 624 : i32
    %mul3A_35 = arith.muli %arg1, %mul3A_34 : i32
    %mul3A_36 = arith.constant 624 : i32
    %mul3A_37 = arith.muli %arg1, %mul3A_36 : i32
    %mul3A_38 = arith.constant 64 : i32
    %mul3A_39 = arith.muli %arg0, %mul3A_38 : i32
    "tpu.region"() ({
      %run_scoped3A_45 = tpu.sem_alloc : memref<!tpu.dma_semaphore, #tpu.memory_space<semaphore_mem>>
      %dma_start3A_46 = tpu.memref_slice %arg4[%mul3A_37, %mul3A_39] : memref<10000x128xf32, #tpu.memory_space<hbm>> -> memref<624x64xf32, #tpu.memory_space<hbm>>
      %dma_start3A_47 = arith.constant 0 : i32
      %dma_start3A_48 = tpu.memref_slice %arg10[%mul3A_35, %dma_start3A_47] : memref<10016x64xf32, #tpu.memory_space<vmem_shared>> -> memref<624x64xf32, #tpu.memory_space<vmem_shared>>
      tpu.enqueue_dma source(%dma_start3A_48 : memref<624x64xf32, #tpu.memory_space<vmem_shared>>) target(%dma_start3A_46 : memref<624x64xf32, #tpu.memory_space<hbm>>) target_semaphore(%run_scoped3A_45 : memref<!tpu.dma_semaphore, #tpu.memory_space<semaphore_mem>>)
      %dma_wait3A_49 = tpu.memref_slice %arg4[%mul3A_37, %mul3A_39] : memref<10000x128xf32, #tpu.memory_space<hbm>> -> memref<624x64xf32, #tpu.memory_space<hbm>>
      %dma_wait3A_50 = arith.constant 0 : i32
      %dma_wait3A_51 = tpu.memref_slice %arg10[%mul3A_35, %dma_wait3A_50] : memref<10016x64xf32, #tpu.memory_space<vmem_shared>> -> memref<624x64xf32, #tpu.memory_space<vmem_shared>>
      tpu.wait_dma2 semaphore(%run_scoped3A_45 : memref<!tpu.dma_semaphore, #tpu.memory_space<semaphore_mem>>) src(%dma_wait3A_51 : memref<624x64xf32, #tpu.memory_space<vmem_shared>>) dst(%dma_wait3A_49 : memref<624x64xf32, #tpu.memory_space<hbm>>)
      tpu.yield
    }) : () -> ()
    %eq3A_40 = arith.constant 15 : i32
    %eq3A_41 = arith.cmpi eq, %arg1, %eq3A_40 : i32
    %convert_element_type3A_42 = arith.extui %eq3A_41 : i1 to i32
    %cond3A_43 = arith.constant 0 : i32
    %cond3A_44 = arith.cmpi ne, %convert_element_type3A_42, %cond3A_43 : i32
    scf.if %cond3A_44 {
      %mul3A_45 = arith.constant 64 : i32
      %mul3A_46 = arith.muli %arg0, %mul3A_45 : i32
      "tpu.region"() ({
        %run_scoped3A_47 = tpu.sem_alloc : memref<!tpu.dma_semaphore, #tpu.memory_space<semaphore_mem>>
        %dma_start3A_48 = arith.constant 9984 : i32
        %dma_start3A_49 = tpu.memref_slice %arg4[%dma_start3A_48, %mul3A_46] : memref<10000x128xf32, #tpu.memory_space<hbm>> -> memref<16x64xf32, #tpu.memory_space<hbm>>
        %dma_start3A_50 = arith.constant 9984 : i32
        %dma_start3A_51 = arith.constant 0 : i32
        %dma_start3A_52 = tpu.memref_slice %arg10[%dma_start3A_50, %dma_start3A_51] : memref<10016x64xf32, #tpu.memory_space<vmem_shared>> -> memref<16x64xf32, #tpu.memory_space<vmem_shared>>
        tpu.enqueue_dma source(%dma_start3A_52 : memref<16x64xf32, #tpu.memory_space<vmem_shared>>) target(%dma_start3A_49 : memref<16x64xf32, #tpu.memory_space<hbm>>) target_semaphore(%run_scoped3A_47 : memref<!tpu.dma_semaphore, #tpu.memory_space<semaphore_mem>>)
        %dma_wait3A_53 = arith.constant 9984 : i32
        %dma_wait3A_54 = tpu.memref_slice %arg4[%dma_wait3A_53, %mul3A_46] : memref<10000x128xf32, #tpu.memory_space<hbm>> -> memref<16x64xf32, #tpu.memory_space<hbm>>
        %dma_wait3A_55 = arith.constant 9984 : i32
        %dma_wait3A_56 = arith.constant 0 : i32
        %dma_wait3A_57 = tpu.memref_slice %arg10[%dma_wait3A_55, %dma_wait3A_56] : memref<10016x64xf32, #tpu.memory_space<vmem_shared>> -> memref<16x64xf32, #tpu.memory_space<vmem_shared>>
        tpu.wait_dma2 semaphore(%run_scoped3A_47 : memref<!tpu.dma_semaphore, #tpu.memory_space<semaphore_mem>>) src(%dma_wait3A_57 : memref<16x64xf32, #tpu.memory_space<vmem_shared>>) dst(%dma_wait3A_54 : memref<16x64xf32, #tpu.memory_space<hbm>>)
        tpu.yield
      }) : () -> ()
    } else {
    }
    return
  }
}

module attributes {stable_mosaic.version = 14 : i64} {
  func.func @_tc_head_body(%arg0: memref<10000x128xf32, #tpu.memory_space<vmem>>, %arg1: memref<128x64xf32, #tpu.memory_space<vmem>>, %arg2: memref<10000x128xf32, #tpu.memory_space<vmem>>, %arg3: memref<10000x1xi32, #tpu.memory_space<vmem>>, %arg4: memref<10000x64xf32, #tpu.memory_space<vmem>>, %arg5: memref<2x128xi32, #tpu.memory_space<vmem>>) attributes {dimension_semantics = [], scalar_prefetch = 0 : i64, scratch_operands = 0 : i64, tpu.core_type = #tpu.core_type<tc>} {
    %get3A = arith.constant 0 : index
    %get3A_0 = arith.constant 0 : index
    %get3A_1 = vector.load %arg2[%get3A, %get3A_0] : memref<10000x128xf32, #tpu.memory_space<vmem>>, vector<10000x1xf32>
    %add3A = arith.constant 1.000000e+00 : f32
    %add3A_2 = vector.broadcast %add3A : f32 to vector<10000x1xf32>
    %add3A_3 = arith.addf %add3A_2, %get3A_1 : vector<10000x1xf32>
    %get3A_4 = arith.constant 0 : index
    %get3A_5 = arith.constant 16 : index
    %get3A_6 = vector.load %arg2[%get3A_4, %get3A_5] : memref<10000x128xf32, #tpu.memory_space<vmem>>, vector<10000x1xf32>
    %add3A_7 = arith.addf %add3A_3, %get3A_6 : vector<10000x1xf32>
    %rsqrt3A = math.rsqrt %add3A_7 : vector<10000x1xf32>
    %get3A_8 = arith.constant 0 : index
    %get3A_9 = arith.constant 0 : index
    %get3A_10 = vector.load %arg0[%get3A_8, %get3A_9] : memref<10000x128xf32, #tpu.memory_space<vmem>>, vector<10000x128xf32>
    %get3A_11 = arith.constant 0 : index
    %get3A_12 = arith.constant 0 : index
    %get3A_13 = vector.load %arg1[%get3A_11, %get3A_12] : memref<128x64xf32, #tpu.memory_space<vmem>>, vector<128x64xf32>
    %dot_general3A = arith.constant dense<0.000000e+00> : vector<10000x64xf32>
    %dot_general3A_14 = tpu.matmul %get3A_10, %get3A_13, %dot_general3A {dimension_numbers = #tpu.dot_dimension_numbers<[1], [0], [0], [1], [0, 0, 1, 1], [], []>, transpose_lhs_hint = false} : vector<10000x128xf32>, vector<128x64xf32>, vector<10000x64xf32> -> vector<10000x64xf32>
    %mul3A = vector.broadcast %rsqrt3A : vector<10000x1xf32> to vector<10000x64xf32>
    %mul3A_15 = arith.mulf %dot_general3A_14, %mul3A : vector<10000x64xf32>
    %swap3A = arith.constant 0 : index
    %swap3A_16 = arith.constant 0 : index
    %swap3A_17 = vector.load %arg4[%swap3A, %swap3A_16] : memref<10000x64xf32, #tpu.memory_space<vmem>>, vector<10000x64xf32>
    tpu.vector_store %arg4[%swap3A, %swap3A_16], %mul3A_15 {strides = array<i32>} : memref<10000x64xf32, #tpu.memory_space<vmem>>, vector<10000x64xf32>,
    %get3A_18 = arith.constant 0 : index
    %get3A_19 = arith.constant 0 : index
    %get3A_20 = vector.load %arg3[%get3A_18, %get3A_19] : memref<10000x1xi32, #tpu.memory_space<vmem>>, vector<10000x1xi32>
    %iota3A = tpu.iota {dimensions = array<i32: 1>} : vector<10000x128xi32>
    %lt3A = vector.broadcast %get3A_20 : vector<10000x1xi32> to vector<10000x128xi32>
    %lt3A_21 = arith.cmpi slt, %lt3A, %iota3A : vector<10000x128xi32>
    %convert_element_type3A = arith.extui %lt3A_21 : vector<10000x128xi1> to vector<10000x128xi32>
    %convert_element_type3A_22 = arith.sitofp %convert_element_type3A : vector<10000x128xi32> to vector<10000x128xf32>
    %reduce_sum3A = arith.constant dense<0.000000e+00> : vector<128xf32>
    %reduce_sum3A_23 = vector.multi_reduction <add>, %convert_element_type3A_22, %reduce_sum3A [0] : vector<10000x128xf32> to vector<128xf32>
    %broadcast_in_dim3A = vector.shape_cast %reduce_sum3A_23 : vector<128xf32> to vector<1x128xf32>
    %le3A = vector.broadcast %get3A_20 : vector<10000x1xi32> to vector<10000x128xi32>
    %le3A_24 = arith.cmpi sle, %le3A, %iota3A : vector<10000x128xi32>
    %convert_element_type3A_25 = arith.extui %le3A_24 : vector<10000x128xi1> to vector<10000x128xi32>
    %convert_element_type3A_26 = arith.sitofp %convert_element_type3A_25 : vector<10000x128xi32> to vector<10000x128xf32>
    %reduce_sum3A_27 = arith.constant dense<0.000000e+00> : vector<128xf32>
    %reduce_sum3A_28 = vector.multi_reduction <add>, %convert_element_type3A_26, %reduce_sum3A_27 [0] : vector<10000x128xf32> to vector<128xf32>
    %broadcast_in_dim3A_29 = vector.shape_cast %reduce_sum3A_28 : vector<128xf32> to vector<1x128xf32>
    %concatenate3A = tpu.concatenate %broadcast_in_dim3A, %broadcast_in_dim3A_29 in 0 : vector<1x128xf32>, vector<1x128xf32> -> vector<2x128xf32>
    %convert_element_type3A_30 = arith.fptosi %concatenate3A : vector<2x128xf32> to vector<2x128xi32>
    %swap3A_31 = arith.constant 0 : index
    %swap3A_32 = arith.constant 0 : index
    %swap3A_33 = vector.load %arg5[%swap3A_31, %swap3A_32] : memref<2x128xi32, #tpu.memory_space<vmem>>, vector<2x128xi32>
    tpu.vector_store %arg5[%swap3A_31, %swap3A_32], %convert_element_type3A_30 {strides = array<i32>} : memref<2x128xi32, #tpu.memory_space<vmem>>, vector<2x128xi32>,
    return
  }
}

module attributes {stable_mosaic.version = 14 : i64} {
  func.func @_tc_mid_body(%arg0: memref<10000x128xf32, #tpu.memory_space<vmem>>, %arg1: memref<10000x64xf32, #tpu.memory_space<vmem>>, %arg2: memref<10000x128xf32, #tpu.memory_space<vmem>>, %arg3: memref<64x64xf32, #tpu.memory_space<vmem>>, %arg4: memref<1x64xf32, #tpu.memory_space<vmem>>, %arg5: memref<10000x64xf32, #tpu.memory_space<vmem>>) attributes {dimension_semantics = [], scalar_prefetch = 0 : i64, scratch_operands = 0 : i64, tpu.core_type = #tpu.core_type<tc>} {
    %get3A = arith.constant 0 : index
    %get3A_0 = arith.constant 0 : index
    %get3A_1 = vector.load %arg2[%get3A, %get3A_0] : memref<10000x128xf32, #tpu.memory_space<vmem>>, vector<10000x1xf32>
    %add3A = arith.constant 1.000000e+00 : f32
    %add3A_2 = vector.broadcast %add3A : f32 to vector<10000x1xf32>
    %add3A_3 = arith.addf %add3A_2, %get3A_1 : vector<10000x1xf32>
    %get3A_4 = arith.constant 0 : index
    %get3A_5 = arith.constant 16 : index
    %get3A_6 = vector.load %arg2[%get3A_4, %get3A_5] : memref<10000x128xf32, #tpu.memory_space<vmem>>, vector<10000x1xf32>
    %add3A_7 = arith.addf %add3A_3, %get3A_6 : vector<10000x1xf32>
    %rsqrt3A = math.rsqrt %add3A_7 : vector<10000x1xf32>
    %get3A_8 = arith.constant 0 : index
    %get3A_9 = arith.constant 0 : index
    %get3A_10 = vector.load %arg0[%get3A_8, %get3A_9] : memref<10000x128xf32, #tpu.memory_space<vmem>>, vector<10000x64xf32>
    %get3A_11 = arith.constant 0 : index
    %get3A_12 = arith.constant 64 : index
    %get3A_13 = vector.load %arg0[%get3A_11, %get3A_12] : memref<10000x128xf32, #tpu.memory_space<vmem>>, vector<10000x64xf32>
    %add3A_14 = arith.addf %get3A_10, %get3A_13 : vector<10000x64xf32>
    %get3A_15 = arith.constant 0 : index
    %get3A_16 = arith.constant 0 : index
    %get3A_17 = vector.load %arg1[%get3A_15, %get3A_16] : memref<10000x64xf32, #tpu.memory_space<vmem>>, vector<10000x64xf32>
    %add3A_18 = arith.addf %add3A_14, %get3A_17 : vector<10000x64xf32>
    %mul3A = vector.broadcast %rsqrt3A : vector<10000x1xf32> to vector<10000x64xf32>
    %mul3A_19 = arith.mulf %add3A_18, %mul3A : vector<10000x64xf32>
    %get3A_20 = arith.constant 0 : index
    %get3A_21 = arith.constant 0 : index
    %get3A_22 = vector.load %arg4[%get3A_20, %get3A_21] : memref<1x64xf32, #tpu.memory_space<vmem>>, vector<1x64xf32>
    %add3A_23 = vector.broadcast %get3A_22 : vector<1x64xf32> to vector<10000x64xf32>
    %add3A_24 = arith.addf %mul3A_19, %add3A_23 : vector<10000x64xf32>
    %max3A = arith.constant 0.000000e+00 : f32
    %max3A_25 = vector.broadcast %max3A : f32 to vector<10000x64xf32>
    %max3A_26 = arith.maximumf %add3A_24, %max3A_25 : vector<10000x64xf32>
    %get3A_27 = arith.constant 0 : index
    %get3A_28 = arith.constant 0 : index
    %get3A_29 = vector.load %arg3[%get3A_27, %get3A_28] : memref<64x64xf32, #tpu.memory_space<vmem>>, vector<64x64xf32>
    %dot_general3A = arith.constant dense<0.000000e+00> : vector<10000x64xf32>
    %dot_general3A_30 = tpu.matmul %max3A_26, %get3A_29, %dot_general3A {dimension_numbers = #tpu.dot_dimension_numbers<[1], [0], [0], [1], [0, 0, 1, 1], [], []>, transpose_lhs_hint = false} : vector<10000x64xf32>, vector<64x64xf32>, vector<10000x64xf32> -> vector<10000x64xf32>
    %mul3A_31 = vector.broadcast %rsqrt3A : vector<10000x1xf32> to vector<10000x64xf32>
    %mul3A_32 = arith.mulf %dot_general3A_30, %mul3A_31 : vector<10000x64xf32>
    %swap3A = arith.constant 0 : index
    %swap3A_33 = arith.constant 0 : index
    %swap3A_34 = vector.load %arg5[%swap3A, %swap3A_33] : memref<10000x64xf32, #tpu.memory_space<vmem>>, vector<10000x64xf32>
    tpu.vector_store %arg5[%swap3A, %swap3A_33], %mul3A_32 {strides = array<i32>} : memref<10000x64xf32, #tpu.memory_space<vmem>>, vector<10000x64xf32>,
    return
  }
}

module attributes {stable_mosaic.version = 14 : i64} {
  func.func @_tc_tail_body(%arg0: memref<10000x128xf32, #tpu.memory_space<vmem>>, %arg1: memref<10000x64xf32, #tpu.memory_space<vmem>>, %arg2: memref<10000x128xf32, #tpu.memory_space<vmem>>, %arg3: memref<1x64xf32, #tpu.memory_space<vmem>>, %arg4: memref<1x10000xi32, #tpu.memory_space<vmem>>, %arg5: memref<10000x1xi32, #tpu.memory_space<vmem>>, %arg6: memref<625x16xi32, #tpu.memory_space<vmem>>, %arg7: memref<2x128xi32, #tpu.memory_space<smem>>, %arg8: memref<128x64xf32, #tpu.memory_space<vmem>>, %arg9: memref<1x64xf32, #tpu.memory_space<vmem>>, %arg10: memref<64x32xf32, #tpu.memory_space<vmem>>, %arg11: memref<1x32xf32, #tpu.memory_space<vmem>>, %arg12: memref<32x2xf32, #tpu.memory_space<vmem>>, %arg13: memref<1x2xf32, #tpu.memory_space<vmem>>, %arg14: memref<128x2xf32, #tpu.memory_space<vmem>>, %arg15: memref<128x64xf32, #tpu.memory_space<vmem>>, %arg16: memref<10000x64xf32, #tpu.memory_space<vmem>>, %arg17: memref<625x64xf32, #tpu.memory_space<vmem>>) attributes {dimension_semantics = [], scalar_prefetch = 0 : i64, scratch_operands = 3 : i64, tpu.core_type = #tpu.core_type<tc>} {
    %get3A = arith.constant 0 : index
    %get3A_0 = arith.constant 0 : index
    %get3A_1 = vector.load %arg2[%get3A, %get3A_0] : memref<10000x128xf32, #tpu.memory_space<vmem>>, vector<10000x1xf32>
    %add3A = arith.constant 1.000000e+00 : f32
    %add3A_2 = vector.broadcast %add3A : f32 to vector<10000x1xf32>
    %add3A_3 = arith.addf %add3A_2, %get3A_1 : vector<10000x1xf32>
    %get3A_4 = arith.constant 0 : index
    %get3A_5 = arith.constant 16 : index
    %get3A_6 = vector.load %arg2[%get3A_4, %get3A_5] : memref<10000x128xf32, #tpu.memory_space<vmem>>, vector<10000x1xf32>
    %add3A_7 = arith.addf %add3A_3, %get3A_6 : vector<10000x1xf32>
    %rsqrt3A = math.rsqrt %add3A_7 : vector<10000x1xf32>
    %get3A_8 = arith.constant 0 : index
    %get3A_9 = arith.constant 0 : index
    %get3A_10 = vector.load %arg0[%get3A_8, %get3A_9] : memref<10000x128xf32, #tpu.memory_space<vmem>>, vector<10000x64xf32>
    %get3A_11 = arith.constant 0 : index
    %get3A_12 = arith.constant 64 : index
    %get3A_13 = vector.load %arg0[%get3A_11, %get3A_12] : memref<10000x128xf32, #tpu.memory_space<vmem>>, vector<10000x64xf32>
    %add3A_14 = arith.addf %get3A_10, %get3A_13 : vector<10000x64xf32>
    %get3A_15 = arith.constant 0 : index
    %get3A_16 = arith.constant 0 : index
    %get3A_17 = vector.load %arg1[%get3A_15, %get3A_16] : memref<10000x64xf32, #tpu.memory_space<vmem>>, vector<10000x64xf32>
    %add3A_18 = arith.addf %add3A_14, %get3A_17 : vector<10000x64xf32>
    %mul3A = vector.broadcast %rsqrt3A : vector<10000x1xf32> to vector<10000x64xf32>
    %mul3A_19 = arith.mulf %add3A_18, %mul3A : vector<10000x64xf32>
    %get3A_20 = arith.constant 0 : index
    %get3A_21 = arith.constant 0 : index
    %get3A_22 = vector.load %arg3[%get3A_20, %get3A_21] : memref<1x64xf32, #tpu.memory_space<vmem>>, vector<1x64xf32>
    %add3A_23 = vector.broadcast %get3A_22 : vector<1x64xf32> to vector<10000x64xf32>
    %add3A_24 = arith.addf %mul3A_19, %add3A_23 : vector<10000x64xf32>
    %max3A = arith.constant 0.000000e+00 : f32
    %max3A_25 = vector.broadcast %max3A : f32 to vector<10000x64xf32>
    %max3A_26 = arith.maximumf %add3A_24, %max3A_25 : vector<10000x64xf32>
    %swap3A = arith.constant 0 : index
    %swap3A_27 = arith.constant 0 : index
    %swap3A_28 = vector.load %arg16[%swap3A, %swap3A_27] : memref<10000x64xf32, #tpu.memory_space<vmem>>, vector<10000x64xf32>
    tpu.vector_store %arg16[%swap3A, %swap3A_27], %max3A_26 {strides = array<i32>} : memref<10000x64xf32, #tpu.memory_space<vmem>>, vector<10000x64xf32>,
    %get3A_29 = arith.constant 0 : index
    %get3A_30 = arith.constant 0 : index
    %get3A_31 = vector.load %arg16[%get3A_29, %get3A_30] : memref<10000x64xf32, #tpu.memory_space<vmem>>, vector<10000x64xf32>
    %iota3A = tpu.iota {dimensions = array<i32: 0>} : vector<128x10000xi32>
    %get3A_32 = arith.constant 0 : index
    %get3A_33 = arith.constant 0 : index
    %get3A_34 = vector.load %arg4[%get3A_32, %get3A_33] : memref<1x10000xi32, #tpu.memory_space<vmem>>, vector<1x10000xi32>
    %eq3A = vector.broadcast %get3A_34 : vector<1x10000xi32> to vector<128x10000xi32>
    %eq3A_35 = arith.cmpi eq, %eq3A, %iota3A : vector<128x10000xi32>
    %convert_element_type3A = arith.extui %eq3A_35 : vector<128x10000xi1> to vector<128x10000xi32>
    %convert_element_type3A_36 = arith.sitofp %convert_element_type3A : vector<128x10000xi32> to vector<128x10000xf32>
    %reduce_sum3A = arith.constant dense<0.000000e+00> : vector<128xf32>
    %reduce_sum3A_37 = vector.multi_reduction <add>, %convert_element_type3A_36, %reduce_sum3A [1] : vector<128x10000xf32> to vector<128xf32>
    %broadcast_in_dim3A = vector.shape_cast %reduce_sum3A_37 : vector<128xf32> to vector<128x1xf32>
    %dot_general3A = arith.constant dense<0.000000e+00> : vector<128x64xf32>
    %dot_general3A_38 = tpu.matmul %convert_element_type3A_36, %get3A_31, %dot_general3A {dimension_numbers = #tpu.dot_dimension_numbers<[1], [0], [0], [1], [0, 0, 1, 1], [], []>, transpose_lhs_hint = false} : vector<128x10000xf32>, vector<10000x64xf32>, vector<128x64xf32> -> vector<128x64xf32>
    %max3A_39 = arith.constant 1.000000e+00 : f32
    %max3A_40 = vector.broadcast %max3A_39 : f32 to vector<128x1xf32>
    %max3A_41 = arith.maximumf %broadcast_in_dim3A, %max3A_40 : vector<128x1xf32>
    %div3A = vector.broadcast %max3A_41 : vector<128x1xf32> to vector<128x64xf32>
    %div3A_42 = arith.divf %dot_general3A_38, %div3A : vector<128x64xf32>
    %reshape3A = vector.shape_cast %get3A_31 : vector<10000x64xf32> to vector<625x16x64xf32>
    %reduce_max3A = arith.constant dense<0xFF800000> : vector<625x64xf32>
    %reduce_max3A_43 = vector.multi_reduction <maximumf>, %reshape3A, %reduce_max3A [1] : vector<625x16x64xf32> to vector<625x64xf32>
    %swap3A_44 = arith.constant 0 : index
    %swap3A_45 = arith.constant 0 : index
    %swap3A_46 = vector.load %arg17[%swap3A_44, %swap3A_45] : memref<625x64xf32, #tpu.memory_space<vmem>>, vector<625x64xf32>
    tpu.vector_store %arg17[%swap3A_44, %swap3A_45], %reduce_max3A_43 {strides = array<i32>} : memref<625x64xf32, #tpu.memory_space<vmem>>, vector<625x64xf32>,
    %get3A_47 = arith.constant 0 : index
    %get3A_48 = arith.constant 0 : index
    %get3A_49 = vector.load %arg6[%get3A_47, %get3A_48] : memref<625x16xi32, #tpu.memory_space<vmem>>, vector<625x1xi32>
    %get3A_50 = arith.constant 0 : index
    %get3A_51 = arith.constant 15 : index
    %get3A_52 = vector.load %arg6[%get3A_50, %get3A_51] : memref<625x16xi32, #tpu.memory_space<vmem>>, vector<625x1xi32>
    %eq3A_53 = arith.cmpi eq, %get3A_49, %get3A_52 : vector<625x1xi32>
    %jit3A = arith.constant -1 : i32
    %broadcast_in_dim3A_54 = vector.broadcast %jit3A : i32 to vector<625x1xi32>
    %select_n3A = arith.select %eq3A_53, %get3A_49, %broadcast_in_dim3A_54 : vector<625x1xi1>, vector<625x1xi32>
    %scan3A = arith.constant 0xFF800000 : f32
    %scan3A_55 = arith.constant 0 : i32
    %scan3A_56 = arith.constant 128 : i32
    %scan3A_57 = arith.addi %scan3A_55, %scan3A_56 : i32
    %scan3A_58 = arith.constant 1 : i32
    scf.for %scan3A_118 = %scan3A_55 to %scan3A_57 step %scan3A_58  : i32 {
      %eq3A_119 = vector.broadcast %scan3A_118 : i32 to vector<625x1xi32>
      %eq3A_120 = arith.cmpi eq, %select_n3A, %eq3A_119 : vector<625x1xi32>
      %get3A_121 = arith.constant 0 : index
      %get3A_122 = arith.constant 0 : index
      %get3A_123 = vector.load %arg17[%get3A_121, %get3A_122] : memref<625x64xf32, #tpu.memory_space<vmem>>, vector<625x64xf32>
      %broadcast_in_dim3A_124 = vector.shape_cast %eq3A_120 : vector<625x1xi1> to vector<625x1xi1>
      %broadcast_in_dim3A_125 = vector.broadcast %broadcast_in_dim3A_124 : vector<625x1xi1> to vector<625x64xi1>
      %broadcast_in_dim3A_126 = vector.broadcast %scan3A : f32 to vector<625x64xf32>
      %select_n3A_127 = arith.select %broadcast_in_dim3A_125, %get3A_123, %broadcast_in_dim3A_126 : vector<625x64xi1>, vector<625x64xf32>
      %reduce_max3A_128 = arith.constant dense<0xFF800000> : vector<64xf32>
      %reduce_max3A_129 = vector.multi_reduction <maximumf>, %select_n3A_127, %reduce_max3A_128 [0] : vector<625x64xf32> to vector<64xf32>
      %broadcast_in_dim3A_130 = vector.shape_cast %reduce_max3A_129 : vector<64xf32> to vector<1x64xf32>
      %get3A_131 = arith.constant 0 : index
      %get3A_132 = arith.index_cast %scan3A_118 : i32 to index
      %get3A_133 = memref.load %arg7[%get3A_131, %get3A_132] : memref<2x128xi32, #tpu.memory_space<smem>>
      %get3A_134 = arith.constant 1 : index
      %get3A_135 = arith.index_cast %scan3A_118 : i32 to index
      %get3A_136 = memref.load %arg7[%get3A_134, %get3A_135] : memref<2x128xi32, #tpu.memory_space<smem>>
      %jit3A_137 = arith.constant 16 : i32
      %div3A_138 = arith.divsi %get3A_133, %jit3A_137 : i32
      %sign3A = arith.constant 0 : i32
      %sign3A_139 = arith.cmpi sgt, %get3A_133, %sign3A : i32
      %sign3A_140 = arith.extui %sign3A_139 : i1 to i32
      %sign3A_141 = arith.constant 0 : i32
      %sign3A_142 = arith.cmpi slt, %get3A_133, %sign3A_141 : i32
      %sign3A_143 = arith.extui %sign3A_142 : i1 to i32
      %sign3A_144 = arith.subi %sign3A_140, %sign3A_143 : i32
      %sign3A_145 = arith.constant 0 : i32
      %sign3A_146 = arith.cmpi sgt, %jit3A_137, %sign3A_145 : i32
      %sign3A_147 = arith.extui %sign3A_146 : i1 to i32
      %sign3A_148 = arith.constant 0 : i32
      %sign3A_149 = arith.cmpi slt, %jit3A_137, %sign3A_148 : i32
      %sign3A_150 = arith.extui %sign3A_149 : i1 to i32
      %sign3A_151 = arith.subi %sign3A_147, %sign3A_150 : i32
      %ne3A = arith.cmpi ne, %sign3A_144, %sign3A_151 : i32
      %rem3A = arith.remsi %get3A_133, %jit3A_137 : i32
      %ne3A_152 = arith.constant 0 : i32
      %ne3A_153 = arith.cmpi ne, %rem3A, %ne3A_152 : i32
      %and3A = arith.andi %ne3A, %ne3A_153 : i1
      %sub3A_154 = arith.constant 1 : i32
      %sub3A_155 = arith.subi %div3A_138, %sub3A_154 : i32
      %select_n3A_156 = arith.select %and3A, %sub3A_155, %div3A_138 : i32
      %min3A = arith.constant 624 : i32
      %min3A_157 = arith.minsi %select_n3A_156, %min3A : i32
      %sub3A_158 = arith.constant 1 : i32
      %sub3A_159 = arith.subi %get3A_136, %sub3A_158 : i32
      %max3A_160 = arith.constant 0 : i32
      %max3A_161 = arith.maxsi %sub3A_159, %max3A_160 : i32
      %jit3A_162 = arith.constant 16 : i32
      %div3A_163 = arith.divsi %max3A_161, %jit3A_162 : i32
      %sign3A_164 = arith.constant 0 : i32
      %sign3A_165 = arith.cmpi sgt, %max3A_161, %sign3A_164 : i32
      %sign3A_166 = arith.extui %sign3A_165 : i1 to i32
      %sign3A_167 = arith.constant 0 : i32
      %sign3A_168 = arith.cmpi slt, %max3A_161, %sign3A_167 : i32
      %sign3A_169 = arith.extui %sign3A_168 : i1 to i32
      %sign3A_170 = arith.subi %sign3A_166, %sign3A_169 : i32
      %sign3A_171 = arith.constant 0 : i32
      %sign3A_172 = arith.cmpi sgt, %jit3A_162, %sign3A_171 : i32
      %sign3A_173 = arith.extui %sign3A_172 : i1 to i32
      %sign3A_174 = arith.constant 0 : i32
      %sign3A_175 = arith.cmpi slt, %jit3A_162, %sign3A_174 : i32
      %sign3A_176 = arith.extui %sign3A_175 : i1 to i32
      %sign3A_177 = arith.subi %sign3A_173, %sign3A_176 : i32
      %ne3A_178 = arith.cmpi ne, %sign3A_170, %sign3A_177 : i32
      %rem3A_179 = arith.remsi %max3A_161, %jit3A_162 : i32
      %ne3A_180 = arith.constant 0 : i32
      %ne3A_181 = arith.cmpi ne, %rem3A_179, %ne3A_180 : i32
      %and3A_182 = arith.andi %ne3A_178, %ne3A_181 : i1
      %sub3A_183 = arith.constant 1 : i32
      %sub3A_184 = arith.subi %div3A_163, %sub3A_183 : i32
      %select_n3A_185 = arith.select %and3A_182, %sub3A_184, %div3A_163 : i32
      %min3A_186 = arith.constant 624 : i32
      %min3A_187 = arith.minsi %select_n3A_185, %min3A_186 : i32
      %mul3A_188 = arith.constant 16 : i32
      %mul3A_189 = arith.muli %min3A_157, %mul3A_188 : i32
      %get3A_190 = arith.index_cast %mul3A_189 : i32 to index
      %get3A_191 = arith.constant 0 : index
      %get3A_192 = vector.load %arg16[%get3A_190, %get3A_191] : memref<10000x64xf32, #tpu.memory_space<vmem>>, vector<16x64xf32>
      %mul3A_193 = arith.constant 16 : i32
      %mul3A_194 = arith.muli %min3A_157, %mul3A_193 : i32
      %get3A_195 = arith.index_cast %mul3A_194 : i32 to index
      %get3A_196 = arith.constant 0 : index
      %get3A_197 = vector.load %arg5[%get3A_195, %get3A_196] : memref<10000x1xi32, #tpu.memory_space<vmem>>, vector<16x1xi32>
      %eq3A_198 = vector.broadcast %scan3A_118 : i32 to vector<16x1xi32>
      %eq3A_199 = arith.cmpi eq, %get3A_197, %eq3A_198 : vector<16x1xi32>
      %broadcast_in_dim3A_200 = vector.shape_cast %eq3A_199 : vector<16x1xi1> to vector<16x1xi1>
      %broadcast_in_dim3A_201 = vector.broadcast %broadcast_in_dim3A_200 : vector<16x1xi1> to vector<16x64xi1>
      %broadcast_in_dim3A_202 = vector.broadcast %scan3A : f32 to vector<16x64xf32>
      %select_n3A_203 = arith.select %broadcast_in_dim3A_201, %get3A_192, %broadcast_in_dim3A_202 : vector<16x64xi1>, vector<16x64xf32>
      %reduce_max3A_204 = arith.constant dense<0xFF800000> : vector<64xf32>
      %reduce_max3A_205 = vector.multi_reduction <maximumf>, %select_n3A_203, %reduce_max3A_204 [0] : vector<16x64xf32> to vector<64xf32>
      %broadcast_in_dim3A_206 = vector.shape_cast %reduce_max3A_205 : vector<64xf32> to vector<1x64xf32>
      %mul3A_207 = arith.constant 16 : i32
      %mul3A_208 = arith.muli %min3A_187, %mul3A_207 : i32
      %get3A_209 = arith.index_cast %mul3A_208 : i32 to index
      %get3A_210 = arith.constant 0 : index
      %get3A_211 = vector.load %arg16[%get3A_209, %get3A_210] : memref<10000x64xf32, #tpu.memory_space<vmem>>, vector<16x64xf32>
      %mul3A_212 = arith.constant 16 : i32
      %mul3A_213 = arith.muli %min3A_187, %mul3A_212 : i32
      %get3A_214 = arith.index_cast %mul3A_213 : i32 to index
      %get3A_215 = arith.constant 0 : index
      %get3A_216 = vector.load %arg5[%get3A_214, %get3A_215] : memref<10000x1xi32, #tpu.memory_space<vmem>>, vector<16x1xi32>
      %eq3A_217 = vector.broadcast %scan3A_118 : i32 to vector<16x1xi32>
      %eq3A_218 = arith.cmpi eq, %get3A_216, %eq3A_217 : vector<16x1xi32>
      %broadcast_in_dim3A_219 = vector.shape_cast %eq3A_218 : vector<16x1xi1> to vector<16x1xi1>
      %broadcast_in_dim3A_220 = vector.broadcast %broadcast_in_dim3A_219 : vector<16x1xi1> to vector<16x64xi1>
      %broadcast_in_dim3A_221 = vector.broadcast %scan3A : f32 to vector<16x64xf32>
      %select_n3A_222 = arith.select %broadcast_in_dim3A_220, %get3A_211, %broadcast_in_dim3A_221 : vector<16x64xi1>, vector<16x64xf32>
      %reduce_max3A_223 = arith.constant dense<0xFF800000> : vector<64xf32>
      %reduce_max3A_224 = vector.multi_reduction <maximumf>, %select_n3A_222, %reduce_max3A_223 [0] : vector<16x64xf32> to vector<64xf32>
      %broadcast_in_dim3A_225 = vector.shape_cast %reduce_max3A_224 : vector<64xf32> to vector<1x64xf32>
      %max3A_226 = arith.maximumf %broadcast_in_dim3A_206, %broadcast_in_dim3A_225 : vector<1x64xf32>
      %max3A_227 = arith.maximumf %broadcast_in_dim3A_130, %max3A_226 : vector<1x64xf32>
      %swap3A_228 = arith.index_cast %scan3A_118 : i32 to index
      %swap3A_229 = arith.constant 0 : index
      %swap3A_230 = vector.load %arg15[%swap3A_228, %swap3A_229] : memref<128x64xf32, #tpu.memory_space<vmem>>, vector<1x64xf32>
      tpu.vector_store %arg15[%swap3A_228, %swap3A_229], %max3A_227 {strides = array<i32>} : memref<128x64xf32, #tpu.memory_space<vmem>>, vector<1x64xf32>,
    }
    %scan3A_59 = arith.constant 128 : i32
    %get3A_60 = arith.constant 0 : index
    %get3A_61 = arith.constant 0 : index
    %get3A_62 = vector.load %arg15[%get3A_60, %get3A_61] : memref<128x64xf32, #tpu.memory_space<vmem>>, vector<128x64xf32>
    %is_finite3A = tpu.weird %get3A_62 : vector<128x64xf32> -> vector<128x64xi1>
    %is_finite3A_63 = arith.constant dense<true> : vector<128x64xi1>
    %is_finite3A_64 = arith.xori %is_finite3A, %is_finite3A_63 : vector<128x64xi1>
    %jit3A_65 = arith.constant 0.000000e+00 : f32
    %broadcast_in_dim3A_66 = vector.broadcast %jit3A_65 : f32 to vector<128x64xf32>
    %select_n3A_67 = arith.select %is_finite3A_64, %get3A_62, %broadcast_in_dim3A_66 : vector<128x64xi1>, vector<128x64xf32>
    %concatenate3A = tpu.concatenate %div3A_42, %select_n3A_67 in 1 : vector<128x64xf32>, vector<128x64xf32> -> vector<128x128xf32>
    %get3A_68 = arith.constant 0 : index
    %get3A_69 = arith.constant 0 : index
    %get3A_70 = vector.load %arg8[%get3A_68, %get3A_69] : memref<128x64xf32, #tpu.memory_space<vmem>>, vector<128x64xf32>
    %dot_general3A_71 = arith.constant dense<0.000000e+00> : vector<128x64xf32>
    %dot_general3A_72 = tpu.matmul %concatenate3A, %get3A_70, %dot_general3A_71 {dimension_numbers = #tpu.dot_dimension_numbers<[1], [0], [0], [1], [0, 0, 1, 1], [], []>, transpose_lhs_hint = false} : vector<128x128xf32>, vector<128x64xf32>, vector<128x64xf32> -> vector<128x64xf32>
    %get3A_73 = arith.constant 0 : index
    %get3A_74 = arith.constant 0 : index
    %get3A_75 = vector.load %arg9[%get3A_73, %get3A_74] : memref<1x64xf32, #tpu.memory_space<vmem>>, vector<1x64xf32>
    %add3A_76 = vector.broadcast %get3A_75 : vector<1x64xf32> to vector<128x64xf32>
    %add3A_77 = arith.addf %dot_general3A_72, %add3A_76 : vector<128x64xf32>
    %max3A_78 = arith.constant 0.000000e+00 : f32
    %max3A_79 = vector.broadcast %max3A_78 : f32 to vector<128x64xf32>
    %max3A_80 = arith.maximumf %add3A_77, %max3A_79 : vector<128x64xf32>
    %get3A_81 = arith.constant 0 : index
    %get3A_82 = arith.constant 0 : index
    %get3A_83 = vector.load %arg10[%get3A_81, %get3A_82] : memref<64x32xf32, #tpu.memory_space<vmem>>, vector<64x32xf32>
    %dot_general3A_84 = arith.constant dense<0.000000e+00> : vector<128x32xf32>
    %dot_general3A_85 = tpu.matmul %max3A_80, %get3A_83, %dot_general3A_84 {dimension_numbers = #tpu.dot_dimension_numbers<[1], [0], [0], [1], [0, 0, 1, 1], [], []>, transpose_lhs_hint = false} : vector<128x64xf32>, vector<64x32xf32>, vector<128x32xf32> -> vector<128x32xf32>
    %get3A_86 = arith.constant 0 : index
    %get3A_87 = arith.constant 0 : index
    %get3A_88 = vector.load %arg11[%get3A_86, %get3A_87] : memref<1x32xf32, #tpu.memory_space<vmem>>, vector<1x32xf32>
    %add3A_89 = vector.broadcast %get3A_88 : vector<1x32xf32> to vector<128x32xf32>
    %add3A_90 = arith.addf %dot_general3A_85, %add3A_89 : vector<128x32xf32>
    %max3A_91 = arith.constant 0.000000e+00 : f32
    %max3A_92 = vector.broadcast %max3A_91 : f32 to vector<128x32xf32>
    %max3A_93 = arith.maximumf %add3A_90, %max3A_92 : vector<128x32xf32>
    %get3A_94 = arith.constant 0 : index
    %get3A_95 = arith.constant 0 : index
    %get3A_96 = vector.load %arg12[%get3A_94, %get3A_95] : memref<32x2xf32, #tpu.memory_space<vmem>>, vector<32x2xf32>
    %dot_general3A_97 = arith.constant dense<0.000000e+00> : vector<128x2xf32>
    %dot_general3A_98 = tpu.matmul %max3A_93, %get3A_96, %dot_general3A_97 {dimension_numbers = #tpu.dot_dimension_numbers<[1], [0], [0], [1], [0, 0, 1, 1], [], []>, transpose_lhs_hint = false} : vector<128x32xf32>, vector<32x2xf32>, vector<128x2xf32> -> vector<128x2xf32>
    %get3A_99 = arith.constant 0 : index
    %get3A_100 = arith.constant 0 : index
    %get3A_101 = vector.load %arg13[%get3A_99, %get3A_100] : memref<1x2xf32, #tpu.memory_space<vmem>>, vector<1x2xf32>
    %add3A_102 = vector.broadcast %get3A_101 : vector<1x2xf32> to vector<128x2xf32>
    %add3A_103 = arith.addf %dot_general3A_98, %add3A_102 : vector<128x2xf32>
    %reduce_max3A_104 = arith.constant dense<0xFF800000> : vector<128xf32>
    %reduce_max3A_105 = vector.multi_reduction <maximumf>, %add3A_103, %reduce_max3A_104 [1] : vector<128x2xf32> to vector<128xf32>
    %broadcast_in_dim3A_106 = vector.shape_cast %reduce_max3A_105 : vector<128xf32> to vector<128x1xf32>
    %sub3A = vector.broadcast %broadcast_in_dim3A_106 : vector<128x1xf32> to vector<128x2xf32>
    %sub3A_107 = arith.subf %add3A_103, %sub3A : vector<128x2xf32>
    %exp3A = math.exp %sub3A_107 : vector<128x2xf32>
    %reduce_sum3A_108 = arith.constant dense<0.000000e+00> : vector<128xf32>
    %reduce_sum3A_109 = vector.multi_reduction <add>, %exp3A, %reduce_sum3A_108 [1] : vector<128x2xf32> to vector<128xf32>
    %broadcast_in_dim3A_110 = vector.shape_cast %reduce_sum3A_109 : vector<128xf32> to vector<128x1xf32>
    %log3A = math.log %broadcast_in_dim3A_110 : vector<128x1xf32>
    %sub3A_111 = vector.broadcast %broadcast_in_dim3A_106 : vector<128x1xf32> to vector<128x2xf32>
    %sub3A_112 = arith.subf %add3A_103, %sub3A_111 : vector<128x2xf32>
    %sub3A_113 = vector.broadcast %log3A : vector<128x1xf32> to vector<128x2xf32>
    %sub3A_114 = arith.subf %sub3A_112, %sub3A_113 : vector<128x2xf32>
    %swap3A_115 = arith.constant 0 : index
    %swap3A_116 = arith.constant 0 : index
    %swap3A_117 = vector.load %arg14[%swap3A_115, %swap3A_116] : memref<128x2xf32, #tpu.memory_space<vmem>>, vector<128x2xf32>
    tpu.vector_store %arg14[%swap3A_115, %swap3A_116], %sub3A_114 {strides = array<i32>} : memref<128x2xf32, #tpu.memory_space<vmem>>, vector<128x2xf32>,
    return
  }
}

</mosaic_0001>

<sc_bundles>
// kernel: kernel.10.cloned.1.call-start
scs
__scs_entry_jumppad:
0x0: {  	(pc) =	sbr.rel $0x88, $3  }
0x1: {  	(tag) =	ssettag $0x0;
	lr =	simm.s32 $0x1  }
0x2: {  	[smem:$0x3F92] =	sst lr;
	_ =	strace $0xD0000000  }
0x3: {  	_ = 	snop  }
0x4: {  	_ = 	snop  }
0x5: {  	_ = 	snop  }
0x6: {  	_ = 	snop  }
0x7: {  	_ = 	snop  }
__scs_overlays_trampoline_lowered:
0x8: {  	[smem:$0x3FA1] =	sst s0  }
0x9: {  	[smem:$0x3FA2] =	sst s1  }
0xa: {  	[smem:$0x3FA3] =	sst s2  }
0xb: {  	[smem:$0x3FA4] =	sst s3  }
0xc: {  	[smem:$0x3FA5] =	sst s4  }
0xd: {  	[smem:$0x3FA6] =	sst s5  }
0xe: {  	[smem:$0x3FA7] =	sst s6  }
0xf: {  	[smem:$0x3FA8] =	sst s7  }
0x10: {  	[smem:$0x3FA9] =	sst s8  }
0x11: {  	[smem:$0x3FAA] =	sst s9;
	s0 =	simm.s32 @!p0 $0x0  }
0x12: {  	s1 =	sld [smem:$0x3F90];
	s0 =	simm.s32 @p0 $0x1  }
0x13: {  	[smem:$0x3FAB] =	sst s0;
	s0 =	simm.s32 @!p1 $0x0  }
0x14: {  	s2 =	sld [smem:$0x3F8F];
	s0 =	simm.s32 @p1 $0x1  }
0x15: {  	[smem:$0x3FAC] =	sst s0;
	s0 =	simm.s32 @!p2 $0x0  }
0x16: {  	s3 =	sld [smem:$0x3FDB];
	s0 =	simm.s32 @p2 $0x1  }
0x17: {  	s4 =	simm.s32 $0x1BF5;
	[smem:$0x3FAE] =	sst s0  }
0x18: {  	s0 =	sld [smem:$0x3F91];
	_ =	swait.ge [sflag:s4], $0x0  }
0x19: {  	s7 =	sld [smem:$0x3F92]  }
0x1a: {  	s8 =	sadd.s32 $0xFFFFE003, lr  }
0x1b: {  	s9 =	sadd.s32 $0xFFFFFEF7, lr;
	s5 =	simm.s32 $0xFFFFFFFF;
	p2 =	slt.u32 s8, $0xFFFFF086  }
0x1c: {  	p1 =	slt.u32 s9, $0xF7A;
	s5 =	simm.s32 @!p2 $0x0  }
0x1d: {  	s5 =	simm.s32 @p1 $0x1;
	p0 =	seq.s32 s7, s2  }
0x1e: {  	s7 =	smul.u32 @!p0 $0xF7A, s2;
	p2 =	seq.s32 @!p0 s5, $0x0  }
0x1f: {  	s9 =	smul.u32 $0xF7A, s1;
	s8 =	simm.s32 @!p0 $0x1BF5;
	p2 =	por !p2, p0  }
0x20: {  	[sflag:s8] =	ssyncset.s32 @!p0 $0xFFFFF086;
	s6 =	sadd.s32 @!p0 s3, s7;
	s7 =	simm.s32 @!p0 $0x108  }
0x21: {  	s3 =	sadd.s32 s3, s9;
	s6 =	sadd.s32 @!p0 $0x88, s6;
	s7 =	simm.s32 @p2 $0x1082  }
0x22: {  	[simem:s7], [sflag:s8] =	dma.local @!p0 [hbm:s6], $0xF7A  }
0x23: {  	s9 =	sor.u32 $0xD0000000, s2;
	s6 =	simm.s32 $0x108;
	_ =	swait.ge @!p0 [sflag:s8], $0x0  }
0x24: {  	s3 =	sadd.s32 $0x88, s3;
	s6 =	simm.s32 @!p1 $0x1082;
	[sflag:s4] =	ssyncset.s32 $0xFFFFF086  }
0x25: {  	[simem:s6], [sflag:s4] =	dma.local [hbm:s3], $0xF7A  }
0x26: {  	[smem:$0x3F92] =	sst s1;
	(tag) =	ssettag s2;
	_ =	strace s9  }
0x27: {  	s1 =	sld [smem:$0x3FA2]  }
0x28: {  	s2 =	sld [smem:$0x3FA3]  }
0x29: {  	s4 =	sld [smem:$0x3FA5]  }
0x2a: {  	p0 =	seq.s32 s5, $0x0;
	s5 =	sld [smem:$0x3FA6]  }
0x2b: {  	s6 =	sld [smem:$0x3FA7]  }
0x2c: {  	s7 =	sld [smem:$0x3FA8]  }
0x2d: {  	s3 =	simm.s32 $0x108;
	s8 =	sld [smem:$0x3FA9]  }
0x2e: {  	s3 =	simm.s32 @!p0 $0x1082;
	s9 =	sld [smem:$0x3FAA]  }
0x2f: {  	lr =	sadd.s32 s0, s3;
	s0 =	sld [smem:$0x3FA1]  }
0x30: {  	s3 =	sld [smem:$0x3FA4]  }
0x31: {  	[smem:$0x3FAD] =	sst s10  }
0x32: {  	s10 =	sld [smem:$0x3FAB];
	_ =	sdelay $0x3  }
0x33: {  	p0 =	seq.s32 s10, $0x1;
	s10 =	sld [smem:$0x3FAD];
	_ =	sdelay $0x3  }
0x34: {  	[smem:$0x3FAD] =	sst s10  }
0x35: {  	s10 =	sld [smem:$0x3FAC];
	_ =	sdelay $0x3  }
0x36: {  	p1 =	seq.s32 s10, $0x1;
	s10 =	sld [smem:$0x3FAD];
	_ =	sdelay $0x3  }
0x37: {  	[smem:$0x3FAD] =	sst s10  }
0x38: {  	s10 =	sld [smem:$0x3FAE]  }
0x39: {  	_ = 	snop;
	(pc) =	sbr.ind lr, $3  }
0x3a: {  	_ = 	snop  }
0x3b: {  	_ = 	snop  }
0x3c: {  	p2 =	seq.s32 s10, $0x1;
	s10 =	sld [smem:$0x3FAD]  }
0x3d: {  	_ =	shalt  }
0x3e: {  	_ =	shalt  }
0x3f: {  	_ =	shalt  }
0x40: {  	_ =	shalt  }
0x41: {  	_ =	shalt  }
0x42: {  	_ =	shalt  }
0x43: {  	_ =	shalt  }
0x44: {  	_ =	shalt  }
0x45: {  	_ =	shalt  }
0x46: {  	_ =	shalt  }
0x47: {  	_ =	shalt  }
0x48: {  	_ =	shalt  }
0x49: {  	_ =	shalt  }
0x4a: {  	_ =	shalt  }
0x4b: {  	_ =	shalt  }
0x4c: {  	_ =	shalt  }
0x4d: {  	_ =	shalt  }
0x4e: {  	_ =	shalt  }
0x4f: {  	_ =	shalt  }
0x50: {  	_ =	shalt  }
0x51: {  	_ =	shalt  }
0x52: {  	_ =	shalt  }
0x53: {  	_ =	shalt  }
0x54: {  	_ =	shalt  }
0x55: {  	_ =	shalt  }
0x56: {  	_ =	shalt  }
0x57: {  	_ =	shalt  }
0x58: {  	_ =	shalt  }
0x59: {  	_ =	shalt  }
0x5a: {  	_ =	shalt  }
0x5b: {  	_ =	shalt  }
0x5c: {  	_ =	shalt  }
0x5d: {  	_ =	shalt  }
0x5e: {  	_ =	shalt  }
0x5f: {  	_ =	shalt  }
0x60: {  	_ =	shalt  }
0x61: {  	_ =	shalt  }
0x62: {  	_ =	shalt  }
0x63: {  	_ =	shalt  }
0x64: {  	_ =	shalt  }
0x65: {  	_ =	shalt  }
0x66: {  	_ =	shalt  }
0x67: {  	_ =	shalt  }
0x68: {  	_ =	shalt  }
0x69: {  	_ =	shalt  }
0x6a: {  	_ =	shalt  }
0x6b: {  	_ =	shalt  }
0x6c: {  	_ =	shalt  }
0x6d: {  	_ =	shalt  }
0x6e: {  	_ =	shalt  }
0x6f: {  	_ =	shalt  }
0x70: {  	_ =	shalt  }
0x71: {  	_ =	shalt  }
0x72: {  	_ =	shalt  }
0x73: {  	_ =	shalt  }
0x74: {  	_ =	shalt  }
0x75: {  	_ =	shalt  }
0x76: {  	_ =	shalt  }
0x77: {  	_ =	shalt  }
0x78: {  	_ =	shalt  }
0x79: {  	_ =	shalt  }
0x7a: {  	_ =	shalt  }
0x7b: {  	_ =	shalt  }
0x7c: {  	_ =	shalt  }
0x7d: {  	_ =	shalt  }
0x7e: {  	_ =	shalt  }
0x7f: {  	_ =	shalt  }
0x80: {  	_ =	shalt  }
0x81: {  	_ =	shalt  }
0x82: {  	_ =	shalt  }
0x83: {  	_ =	shalt  }
0x84: {  	_ =	shalt  }
0x85: {  	_ =	shalt  }
0x86: {  	_ =	shalt  }
0x87: {  	_ =	shalt  }
.Lfunc_end0:
.L_simem_size_0:
called_computation_lowered:
.L_overlay_start_0:
0x88: {  	s2 =	sld [smem:$0x3FD9]  }
0x89: {  	s3 =	sld [smem:$0x3FFE];
	_ =	sdelay $0x1  }
0x8a: {  	s1 =	srdreg.scid  }
0x8b: {  	s0 =	sand.u32 $0x1, s1  }
0x8c: {  	s16 =	sshll.u32 s0, $0xA;
	s2 =	sadd.s32 s3, s2  }
0x8d: {  	s2 =	sadd.s32 s2, s16  }
0x8e: {  	[smem:$0x3FB9] =	sst s2  }
0x8f: {  	_ = 	snop  }
0x90: {  	(tm) =	ssettm $0x1  }
0x91: {  	s17 =	sld [smem:$0x3FFB];
	_ =	sdelay $0x3  }
0x92: {  	_ =	strace s17  }
0x93: {  	s2 =	sld [smem:$0x3FFC];
	_ =	sdelay $0x3  }
0x94: {  	_ =	strace s2  }
0x95: {  	s2 =	sld [smem:$0x3FFD];
	_ =	sdelay $0x3  }
0x96: {  	_ =	strace s2  }
0x97: {  	_ =	strace $0x8FFFFFFF  }
0x98: {  	s18 =	sld [smem:$0x3FDB];
	_ =	sdelay $0x1  }
0x99: {  	s19 =	simm.s32 $_scs_section_size  }
0x9a: {  	s4 =	simm.s32 $_size__tile_overlayer_lowered;
	s5 =	simm.s32 $_tile_overlayer_lowered  }
0x9b: {  	s22 =	simm.s32 $0x1BFF;
	s21 =	sshll.u32 s5, $0x1;
	s2 =	sadd.s32 s19, s18  }
0x9c: {  	s6 =	simm.s32 $0x0;
	s20 =	sshll.u32 s4, $0x1;
	s4 =	sadd.s32 s21, s2  }
0x9d: {  	[timem:s6], [sflag:s22] =	dma.local [hbm:s4], s20  }
0x9e: {  	_ =	swait.ge [sflag:s22], s20  }
0x9f: {  	s3 =	ssub.s32 $0x0, s20;
	[sflag:s22] =	ssyncset.done $0x0  }
0xa0: {  	[sflag:s22] =	ssyncadd.s32 s3;
	_ =	sdelay $0x1  }
0xa1: {  	s23 =	simm.s32 $0x1B8B  }
0xa2: {  	_ =	swait.ge [sflag:s23], $0x1  }
0xa3: {  	[sflag:s23] =	ssyncset.done $0x0  }
0xa4: {  	s25 =	simm.s32 $0x1B8E;
	s24 =	sld [smem:$0x3FFE];
	[sflag:s23] =	ssyncadd.s32 $0xFFFFFFFF  }
0xa5: {  	s26 =	simm.s32 $execute0_lowered;
	[smem:$0x3FD2] =	sst s25  }
0xa6: {  	s4 =	sshll.u32 s26, $0x1;
	_ =	strace $0x80000046;
	[dreg:$0x1] =	wrdreg $0xFFFFFFFF  }
0xa7: {  	s28 =	simm.s32 $_size_execute0_lowered;
	s2 =	sadd.s32 s2, s4;
	[dreg:$0x0] =	wrdreg $0x0  }
0xa8: {  	s4 =	sshll.u32 s28, $0x1;
	[dreg:$0x2] =	wrdreg s2  }
0xa9: {  	[dreg:$0x3] =	wrdreg s4  }
0xaa: {  	[dreg:$0x4] =	wrdreg $0xC0  }
0xab: {  	_ =	task [dreg:s6], $0x5FFFF  }
0xac: {  	[dreg:$0x1] =	wrdreg $0xFFFFFFFF  }
0xad: {  	[dreg:$0x0] =	wrdreg $0x60  }
0xae: {  	[dreg:$0x2] =	wrdreg s24  }
0xaf: {  	[dreg:$0x3] =	wrdreg $0x56800  }
0xb0: {  	[dreg:$0x4] =	wrdreg $0x9  }
0xb1: {  	_ =	task.clear_ibuf [dreg:s6], $0x5FFFF;
	_ =	strace $0x90000046  }
0xb2: {  	s29 =	simm.s32 $0x9;
	_ =	strace $0x80000048  }
0xb3: {  	_ =	swait.ge [sflag:s29], $0x1  }
0xb4: {  	[sflag:s29] =	ssyncadd.s32 $0xFFFFFFFF  }
0xb5: {  	_ =	strace $0x90000048  }
0xb6: {  	_ =	sfence  }
0xb7: {  	s30 =	sld [smem:$0x0];
	_ =	sdelay $0x2  }
0xb8: {  	s31 =	sshll.u32 s1, $0xD;
	s1 =	sshrl.u32 s1, $0x2  }
0xb9: {  	s3 =	sand.u32 $0x4000, s31;
	s1 =	sadd.s32 s1, s30  }
0xba: {  	s0 =	sor.u32 s3, s0;
	s1 =	sshll.u32 s1, $0x11  }
0xbb: {  	s0 =	sor.u32 s1, s0  }
0xbc: {  	s0 =	sadd.s32 $0x8F2B, s0  }
0xbd: {  	[sflag:s0] =	ssyncadd.remote.s32 $0x1  }
0xbe: {  	_ =	sfence.sel $0xFFFF  }
0xbf: {  	[dreg:$0x0] =	wrdreg $0xFFFFFFFF;
	(pc) =	sbr.abs _section_cstart, $3  }
0xc0: {  	[dreg:$0x1] =	wrdreg $0xFFFFFFFF  }
0xc1: {  	_ =	task.clear_ibuf [dreg:s6], $0x2FFFF;
	_ =	strace $0x9FFFFFFF  }
0xc2: {  	(tm) =	ssettm $0x7FFFFFFF  }
0xc3: {  	_ =	shalt  }
tec
execute0_lowered:
.L_overlay_start_1:
0x0: {  	(tag) =	ssettag $0x1  }
0x1: {  	s4 =	rddreg [dreg:$0x0]  }
0x2: {  	s0 =	srdreg.scid;
	s2 =	rddreg [dreg:$0x1]  }
0x3: {  	s1 =	stileid.u32;
	s3 =	simm.s32 $0x0;
	s13 =	simm.s32 $0x2780  }
0x4: {  	s16 =	simm.s32 $0x10;
	s17 =	simm.s32 $0x2;
	s19 =	simm.s32 $0x0  }
0x5: {  	s6 =	sand.u32 $0x1, s0;
	s0 =	rddreg [dreg:$0x2];
	s9 =	smul.u32 $0x9C00, s1  }
0x6: {  	[smem:$0x7FF] =	sst s3;
	s10 =	sadd.s32 $0x17A00, s4;
	s11 =	smul.u32 $0x13800, s1  }
0x7: {  	p0 =	sne.s32 s1, $0xF;
	s14 =	sshll.u32 s1, $0x6;
	s7 =	sshll.u32 s6, $0x4  }
0x8: {  	_ =	strace $0x80000047;
	s8 =	ssub.s32 $0x2, s6;
	s31 =	sshll.u32 s6, $0x1  }
0x9: {  	s6 =	sadd.s32 $0x27000, s2;
	s14 =	sor.u32 $0x1C01, s14;
	s5 =	sor.u32 s1, s7  }
0xa: {  	s29 =	sshrl.u32 s8, $0x1;
	s30 =	sshrl.u32 s9, $0x2;
	s7 =	sor.u32 s7, s11  }
0xb: {  	s11 =	simm.s32 $0x2F80;
	s18 =	sshrl.u32 @!p0 s6, $0x3;
	s5 =	smul.u32 $0x4F0, s5  }
0xc: {  	s12 =	ssub.s32 s8, s29;
	s7 =	sshrl.u32 s7, $0x3;
	s8 =	sadd.s32 s31, s10  }
0xd: {  	s7 =	sadd.s32 s10, s7;
	s8 =	sadd.s32 $0x27000, s8;
	s5 =	sadd.s32 s5, s4  }
0xe: {  	s9 =	smax.u32 s12, $0x1;
	s4 =	sadd.s32 $0xDC00, s5;
	s5 =	sadd.s32 s30, s2  }
0xf: {  	v0 =	vimm.f32 $1.000000000e+00;
	v1 =	vimm.f32 $0.0e+00;
	s10 =	simm.s32 $0x1;
	s12 =	simm.s32 $0x80;
	s15 =	sshrl.u32 s5, $0x3  }
.LBB2_1:
0x10: {  	[tilespmem:s3], [sflag:$0x1] =	stream.linear.gather [hbm4b:s4+s3], $0x2780, $0x38;
	[tilespmem:$0x7DA0] =	vst v63  }
0x11: {  	_ =	swait.ge [sflag:s10], $0x2780  }
0x12: {  	[sflag:s10] =	ssyncset.done $0x0  }
0x13: {  	s20 =	simm.s32 $0x0;
	[sflag:s10] =	ssyncadd.s32 $0xFFFFD880  }
.LBB2_2:
0x14: {  	p1 =	sne.s32 s20, $0x1FC0  }
.Ltmp0:
0x15: {  	_ = 	snop;
	(pc) =	sbr.rel @p1 .LBB2_2-.Ltmp0, $3  }
0x16: {  	_ =	sdelay $0x1  }
0x17: {  	s21 =	sshra.s32 s20, $0x2  }
0x18: {  	s20 =	sadd.s32 $0x40, s20;
	[tilespmem:s21+$0x2780] =	vst v0  }
0x19: {  	s20 =	simm.s32 $0x40;
	s21 =	simm.s32 $0x0  }
.LBB2_4:
0x1a: {  	p1 =	sne.s32 s20, $0x9BC0;
	[tilespmem:s21+$0x2F80] =	vst v1;
	s21 =	smov.u32 s20;
	s20 =	sadd.s32 $0x40, s20  }
.Ltmp1:
0x1b: {  	(pc) =	sbr.rel @p1 .LBB2_4-.Ltmp1, $2  }
0x1c: {  	_ =	sdelay $0x2  }
0x1d: {  	s21 =	sshra.s32 s21, $0x2  }
0x1e: {  	[tilespmem:s21+$0x2F80] =	vst v1  }
0x1f: {  	[spmem:s5] =	stream.linear.scatter [tilespmem:s11], [sflag:$0x1], $0x2700, $0x38;
	[tilespmem:$0x7DA0] =	vst v63  }
0x20: {  	_ =	swait.ge [sflag:s10], $0x2700  }
0x21: {  	[sflag:s10] =	ssyncset.done $0x0  }
0x22: {  	s20 =	simm.s32 @!p0 $0x2F80;
	[sflag:s10] =	ssyncadd.s32 $0xFFFFD900  }
0x23: {  	[spmem:s6] =	stream.linear.scatter @!p0 [tilespmem:s20], [sflag:$0x1], $0x200, $0x38;
	[tilespmem:$0x7DA0] =	vst v63  }
0x24: {  	s20 =	simm.s32 @!p0 $0x1  }
0x25: {  	_ =	swait.ge @!p0 [sflag:s20], $0x200  }
0x26: {  	[sflag:s20] =	ssyncset.done @!p0 $0x0  }
0x27: {  	[sflag:s20] =	ssyncadd.s32 @!p0 $0xFFFFFE00  }
0x28: {  	s31 =	simm.s32 $0x0;
	[bflag:$0x0] =	sbarrier.arrive $0xFFFF  }
0x29: {  	[spmem:s2] =	stream.indirect.scatter.add.f32 [tilespmem:s13], [sflag:$0x1], $0x10, s31, s12, $0xb8;
	[tilespmem:$0x7DA0] =	vst v63  }
0x2a: {  	_ =	swait.ge [sflag:s10], $0x800  }
0x2b: {  	s20 =	simm.s32 $0x200;
	[sflag:s10] =	ssyncset.done $0x0  }
.LBB2_6:
0x2c: {  	s21 =	sshra.s32 s20, $0x2;
	[sflag:s10] =	ssyncadd.s32 $0xFFFFF800;
	p1 =	sne.s32 s20, $0x9C00  }
0x2d: {  	[spmem:s2] =	stream.indirect.scatter.add.f32 [tilespmem:s13], [sflag:$0x1], $0x10, s21, s12, $0xb8;
	[tilespmem:$0x7DA0] =	vst v63  }
.Ltmp2:
0x2e: {  	_ = 	snop;
	(pc) =	sbr.rel @p1 .LBB2_6-.Ltmp2, $4  }
0x2f: {  	_ = 	snop  }
0x30: {  	s20 =	sadd.s32 $0x200, s20  }
0x31: {  	_ =	swait.ge [sflag:s10], $0x800  }
0x32: {  	[sflag:s10] =	ssyncset.done $0x0  }
0x33: {  	[sflag:s10] =	ssyncadd.s32 $0xFFFFF800  }
0x34: {  	[bflag:$0x0] =	sbarrier.arrive $0xFFFF  }
0x35: {  	[hbm:s7@s16], [sflag:s14] =	dma.strided [spmem:s15@s17], $0x4E0, s10, $0x2   }
0x36: {  	s20 =	simm.s32 @!p0 $0x1;
	s19 =	sadd.s32 $0x1, s19;
	_ =	swait.ge [sflag:s10], $0x4E0  }
0x37: {  	s21 =	simm.s32 @!p0 $0x10;
	p1 =	sne.s32 s19, s9;
	[sflag:s10] =	ssyncset.done $0x0  }
.Ltmp3:
0x38: {  	s22 =	simm.s32 @!p0 $0x2;
	[sflag:s10] =	ssyncadd.s32 $0xFFFFFB20;
	(pc) =	sbr.rel @p1 .LBB2_1-.Ltmp3, $4  }
0x39: {  	[hbm:s8@s21], [sflag:s14] =	dma.strided @!p0 [spmem:s18@s22], $0x20, s20, $0x2   }
0x3a: {  	_ =	swait.ge @!p0 [sflag:s20], $0x20  }
0x3b: {  	[sflag:s20] =	ssyncset.done @!p0 $0x0  }
0x3c: {  	[sflag:s20] =	ssyncadd.s32 @!p0 $0xFFFFFFE0  }
0x3d: {  	_ =	sfence.sel $0x180000  }
0x3e: {  	[bflag:$0x0] =	sbarrier.arrive $0xFFFF  }
0x3f: {  	p0 =	sne.s32 s1, $0x0;
	_ =	strace $0x90000047  }
0x40: {  	s0 =	sadd.s32 @!p0 $0x100000, s0;
	[bflag:$0x2] =	sbarrier.arrive $0xFFFF  }
0x41: {  	[sflag:s0] =	ssyncadd.tile.s32 @!p0 $0x1;
	_ =	shalt  }
.Lfunc_end2:
_tile_overlayer_lowered:
.L_overlay_start_2:
0x42: {  	(tag) =	ssettag $0x2  }
0x43: {  	s0 =	rddreg [dreg:$0x0];
	s2 =	stileid.u32  }
0x44: {  	s1 =	rddreg [dreg:$0x1];
	p0 =	sne.s32 s2, $0x0  }
0x45: {  	s3 =	rddreg [dreg:$0x2];
	[bflag:$0x3] =	sbarrier.arrive $0xFFFF;
	s2 =	simm.s32 @!p0 $0x1C01  }
0x46: {  	[timem:s3], [sflag:s2] =	dma.local @!p0 [hbm:s0], s1  }
0x47: {  	s0 =	simm.s32 @!p0 $0x1  }
0x48: {  	_ =	swait.ge @!p0 [sflag:s0], s1  }
0x49: {  	s1 =	ssub.s32 @!p0 $0x0, s1;
	[sflag:s0] =	ssyncset.done @!p0 $0x0  }
0x4a: {  	[sflag:s0] =	ssyncadd.s32 @!p0 s1  }
0x4b: {  	[bflag:$0x3] =	sbarrier.arrive $0xFFFF  }
0x4c: {  	_ =	shalt  }

// kernel: kernel.13.cloned.1.call-start
scs
__scs_entry_jumppad:
0x0: {  	(pc) =	sbr.rel $0x88, $3  }
0x1: {  	(tag) =	ssettag $0x0;
	lr =	simm.s32 $0x1  }
0x2: {  	[smem:$0x3F92] =	sst lr;
	_ =	strace $0xD0000000  }
0x3: {  	_ = 	snop  }
0x4: {  	_ = 	snop  }
0x5: {  	_ = 	snop  }
0x6: {  	_ = 	snop  }
0x7: {  	_ = 	snop  }
__scs_overlays_trampoline_lowered:
0x8: {  	[smem:$0x3FA1] =	sst s0  }
0x9: {  	[smem:$0x3FA2] =	sst s1  }
0xa: {  	[smem:$0x3FA3] =	sst s2  }
0xb: {  	[smem:$0x3FA4] =	sst s3  }
0xc: {  	[smem:$0x3FA5] =	sst s4  }
0xd: {  	[smem:$0x3FA6] =	sst s5  }
0xe: {  	[smem:$0x3FA7] =	sst s6  }
0xf: {  	[smem:$0x3FA8] =	sst s7  }
0x10: {  	[smem:$0x3FA9] =	sst s8  }
0x11: {  	[smem:$0x3FAA] =	sst s9;
	s0 =	simm.s32 @!p0 $0x0  }
0x12: {  	s1 =	sld [smem:$0x3F90];
	s0 =	simm.s32 @p0 $0x1  }
0x13: {  	[smem:$0x3FAB] =	sst s0;
	s0 =	simm.s32 @!p1 $0x0  }
0x14: {  	s2 =	sld [smem:$0x3F8F];
	s0 =	simm.s32 @p1 $0x1  }
0x15: {  	[smem:$0x3FAC] =	sst s0;
	s0 =	simm.s32 @!p2 $0x0  }
0x16: {  	s3 =	sld [smem:$0x3FDB];
	s0 =	simm.s32 @p2 $0x1  }
0x17: {  	s4 =	simm.s32 $0x1BF5;
	[smem:$0x3FAE] =	sst s0  }
0x18: {  	s0 =	sld [smem:$0x3F91];
	_ =	swait.ge [sflag:s4], $0x0  }
0x19: {  	s7 =	sld [smem:$0x3F92]  }
0x1a: {  	s8 =	sadd.s32 $0xFFFFE003, lr  }
0x1b: {  	s9 =	sadd.s32 $0xFFFFFEF7, lr;
	s5 =	simm.s32 $0xFFFFFFFF;
	p2 =	slt.u32 s8, $0xFFFFF086  }
0x1c: {  	p1 =	slt.u32 s9, $0xF7A;
	s5 =	simm.s32 @!p2 $0x0  }
0x1d: {  	s5 =	simm.s32 @p1 $0x1;
	p0 =	seq.s32 s7, s2  }
0x1e: {  	s7 =	smul.u32 @!p0 $0xF7A, s2;
	p2 =	seq.s32 @!p0 s5, $0x0  }
0x1f: {  	s9 =	smul.u32 $0xF7A, s1;
	s8 =	simm.s32 @!p0 $0x1BF5;
	p2 =	por !p2, p0  }
0x20: {  	[sflag:s8] =	ssyncset.s32 @!p0 $0xFFFFF086;
	s6 =	sadd.s32 @!p0 s3, s7;
	s7 =	simm.s32 @!p0 $0x108  }
0x21: {  	s3 =	sadd.s32 s3, s9;
	s6 =	sadd.s32 @!p0 $0x88, s6;
	s7 =	simm.s32 @p2 $0x1082  }
0x22: {  	[simem:s7], [sflag:s8] =	dma.local @!p0 [hbm:s6], $0xF7A  }
0x23: {  	s9 =	sor.u32 $0xD0000000, s2;
	s6 =	simm.s32 $0x108;
	_ =	swait.ge @!p0 [sflag:s8], $0x0  }
0x24: {  	s3 =	sadd.s32 $0x88, s3;
	s6 =	simm.s32 @!p1 $0x1082;
	[sflag:s4] =	ssyncset.s32 $0xFFFFF086  }
0x25: {  	[simem:s6], [sflag:s4] =	dma.local [hbm:s3], $0xF7A  }
0x26: {  	[smem:$0x3F92] =	sst s1;
	(tag) =	ssettag s2;
	_ =	strace s9  }
0x27: {  	s1 =	sld [smem:$0x3FA2]  }
0x28: {  	s2 =	sld [smem:$0x3FA3]  }
0x29: {  	s4 =	sld [smem:$0x3FA5]  }
0x2a: {  	p0 =	seq.s32 s5, $0x0;
	s5 =	sld [smem:$0x3FA6]  }
0x2b: {  	s6 =	sld [smem:$0x3FA7]  }
0x2c: {  	s7 =	sld [smem:$0x3FA8]  }
0x2d: {  	s3 =	simm.s32 $0x108;
	s8 =	sld [smem:$0x3FA9]  }
0x2e: {  	s3 =	simm.s32 @!p0 $0x1082;
	s9 =	sld [smem:$0x3FAA]  }
0x2f: {  	lr =	sadd.s32 s0, s3;
	s0 =	sld [smem:$0x3FA1]  }
0x30: {  	s3 =	sld [smem:$0x3FA4]  }
0x31: {  	[smem:$0x3FAD] =	sst s10  }
0x32: {  	s10 =	sld [smem:$0x3FAB];
	_ =	sdelay $0x3  }
0x33: {  	p0 =	seq.s32 s10, $0x1;
	s10 =	sld [smem:$0x3FAD];
	_ =	sdelay $0x3  }
0x34: {  	[smem:$0x3FAD] =	sst s10  }
0x35: {  	s10 =	sld [smem:$0x3FAC];
	_ =	sdelay $0x3  }
0x36: {  	p1 =	seq.s32 s10, $0x1;
	s10 =	sld [smem:$0x3FAD];
	_ =	sdelay $0x3  }
0x37: {  	[smem:$0x3FAD] =	sst s10  }
0x38: {  	s10 =	sld [smem:$0x3FAE]  }
0x39: {  	_ = 	snop;
	(pc) =	sbr.ind lr, $3  }
0x3a: {  	_ = 	snop  }
0x3b: {  	_ = 	snop  }
0x3c: {  	p2 =	seq.s32 s10, $0x1;
	s10 =	sld [smem:$0x3FAD]  }
0x3d: {  	_ =	shalt  }
0x3e: {  	_ =	shalt  }
0x3f: {  	_ =	shalt  }
0x40: {  	_ =	shalt  }
0x41: {  	_ =	shalt  }
0x42: {  	_ =	shalt  }
0x43: {  	_ =	shalt  }
0x44: {  	_ =	shalt  }
0x45: {  	_ =	shalt  }
0x46: {  	_ =	shalt  }
0x47: {  	_ =	shalt  }
0x48: {  	_ =	shalt  }
0x49: {  	_ =	shalt  }
0x4a: {  	_ =	shalt  }
0x4b: {  	_ =	shalt  }
0x4c: {  	_ =	shalt  }
0x4d: {  	_ =	shalt  }
0x4e: {  	_ =	shalt  }
0x4f: {  	_ =	shalt  }
0x50: {  	_ =	shalt  }
0x51: {  	_ =	shalt  }
0x52: {  	_ =	shalt  }
0x53: {  	_ =	shalt  }
0x54: {  	_ =	shalt  }
0x55: {  	_ =	shalt  }
0x56: {  	_ =	shalt  }
0x57: {  	_ =	shalt  }
0x58: {  	_ =	shalt  }
0x59: {  	_ =	shalt  }
0x5a: {  	_ =	shalt  }
0x5b: {  	_ =	shalt  }
0x5c: {  	_ =	shalt  }
0x5d: {  	_ =	shalt  }
0x5e: {  	_ =	shalt  }
0x5f: {  	_ =	shalt  }
0x60: {  	_ =	shalt  }
0x61: {  	_ =	shalt  }
0x62: {  	_ =	shalt  }
0x63: {  	_ =	shalt  }
0x64: {  	_ =	shalt  }
0x65: {  	_ =	shalt  }
0x66: {  	_ =	shalt  }
0x67: {  	_ =	shalt  }
0x68: {  	_ =	shalt  }
0x69: {  	_ =	shalt  }
0x6a: {  	_ =	shalt  }
0x6b: {  	_ =	shalt  }
0x6c: {  	_ =	shalt  }
0x6d: {  	_ =	shalt  }
0x6e: {  	_ =	shalt  }
0x6f: {  	_ =	shalt  }
0x70: {  	_ =	shalt  }
0x71: {  	_ =	shalt  }
0x72: {  	_ =	shalt  }
0x73: {  	_ =	shalt  }
0x74: {  	_ =	shalt  }
0x75: {  	_ =	shalt  }
0x76: {  	_ =	shalt  }
0x77: {  	_ =	shalt  }
0x78: {  	_ =	shalt  }
0x79: {  	_ =	shalt  }
0x7a: {  	_ =	shalt  }
0x7b: {  	_ =	shalt  }
0x7c: {  	_ =	shalt  }
0x7d: {  	_ =	shalt  }
0x7e: {  	_ =	shalt  }
0x7f: {  	_ =	shalt  }
0x80: {  	_ =	shalt  }
0x81: {  	_ =	shalt  }
0x82: {  	_ =	shalt  }
0x83: {  	_ =	shalt  }
0x84: {  	_ =	shalt  }
0x85: {  	_ =	shalt  }
0x86: {  	_ =	shalt  }
0x87: {  	_ =	shalt  }
.Lfunc_end0:
.L_simem_size_0:
called_computation.1_lowered:
.L_overlay_start_0:
0x88: {  	s2 =	sld [smem:$0x3FD9]  }
0x89: {  	s3 =	sld [smem:$0x3FFE];
	_ =	sdelay $0x1  }
0x8a: {  	s1 =	srdreg.scid  }
0x8b: {  	s0 =	sand.u32 $0x1, s1  }
0x8c: {  	s16 =	sshll.u32 s0, $0xA;
	s2 =	sadd.s32 s3, s2  }
0x8d: {  	s2 =	sadd.s32 s2, s16  }
0x8e: {  	[smem:$0x3FB9] =	sst s2  }
0x8f: {  	_ = 	snop  }
0x90: {  	(tm) =	ssettm $0x1  }
0x91: {  	s17 =	sld [smem:$0x3FFB];
	_ =	sdelay $0x3  }
0x92: {  	_ =	strace s17  }
0x93: {  	s2 =	sld [smem:$0x3FFC];
	_ =	sdelay $0x3  }
0x94: {  	_ =	strace s2  }
0x95: {  	s2 =	sld [smem:$0x3FFD];
	_ =	sdelay $0x3  }
0x96: {  	_ =	strace s2  }
0x97: {  	_ =	strace $0x8FFFFFFF  }
0x98: {  	s18 =	sld [smem:$0x3FDB];
	_ =	sdelay $0x1  }
0x99: {  	s19 =	simm.s32 $_scs_section_size  }
0x9a: {  	s4 =	simm.s32 $_size__tile_overlayer_lowered;
	s5 =	simm.s32 $_tile_overlayer_lowered  }
0x9b: {  	s22 =	simm.s32 $0x1BFF;
	s21 =	sshll.u32 s5, $0x1;
	s2 =	sadd.s32 s19, s18  }
0x9c: {  	s6 =	simm.s32 $0x0;
	s20 =	sshll.u32 s4, $0x1;
	s4 =	sadd.s32 s21, s2  }
0x9d: {  	[timem:s6], [sflag:s22] =	dma.local [hbm:s4], s20  }
0x9e: {  	_ =	swait.ge [sflag:s22], s20  }
0x9f: {  	s3 =	ssub.s32 $0x0, s20;
	[sflag:s22] =	ssyncset.done $0x0  }
0xa0: {  	[sflag:s22] =	ssyncadd.s32 s3;
	_ =	sdelay $0x1  }
0xa1: {  	s23 =	simm.s32 $0x1B8B  }
0xa2: {  	_ =	swait.ge [sflag:s23], $0x1  }
0xa3: {  	[sflag:s23] =	ssyncset.done $0x0  }
0xa4: {  	s25 =	simm.s32 $0x1B8E;
	s24 =	sld [smem:$0x3FFE];
	[sflag:s23] =	ssyncadd.s32 $0xFFFFFFFF  }
0xa5: {  	s26 =	simm.s32 $execute0_lowered;
	[smem:$0x3FD2] =	sst s25  }
0xa6: {  	s4 =	sshll.u32 s26, $0x1;
	_ =	strace $0x80000049;
	[dreg:$0x1] =	wrdreg $0xFFFFFFFF  }
0xa7: {  	s28 =	simm.s32 $_size_execute0_lowered;
	s2 =	sadd.s32 s2, s4;
	[dreg:$0x0] =	wrdreg $0x0  }
0xa8: {  	s4 =	sshll.u32 s28, $0x1;
	[dreg:$0x2] =	wrdreg s2  }
0xa9: {  	[dreg:$0x3] =	wrdreg s4  }
0xaa: {  	[dreg:$0x4] =	wrdreg $0xC0  }
0xab: {  	_ =	task [dreg:s6], $0x5FFFF  }
0xac: {  	[dreg:$0x1] =	wrdreg $0xFFFFFFFF  }
0xad: {  	[dreg:$0x0] =	wrdreg $0x60  }
0xae: {  	[dreg:$0x2] =	wrdreg s24  }
0xaf: {  	[dreg:$0x3] =	wrdreg $0x12B000  }
0xb0: {  	[dreg:$0x4] =	wrdreg $0x9  }
0xb1: {  	_ =	task.clear_ibuf [dreg:s6], $0x5FFFF;
	_ =	strace $0x90000049  }
0xb2: {  	s29 =	simm.s32 $0x9;
	_ =	strace $0x8000004B  }
0xb3: {  	_ =	swait.ge [sflag:s29], $0x1  }
0xb4: {  	[sflag:s29] =	ssyncadd.s32 $0xFFFFFFFF  }
0xb5: {  	_ =	strace $0x9000004B  }
0xb6: {  	_ =	sfence  }
0xb7: {  	s30 =	sld [smem:$0x0];
	_ =	sdelay $0x2  }
0xb8: {  	s31 =	sshll.u32 s1, $0xD;
	s1 =	sshrl.u32 s1, $0x2  }
0xb9: {  	s3 =	sand.u32 $0x4000, s31;
	s1 =	sadd.s32 s1, s30  }
0xba: {  	s0 =	sor.u32 s3, s0;
	s1 =	sshll.u32 s1, $0x11  }
0xbb: {  	s0 =	sor.u32 s1, s0  }
0xbc: {  	s0 =	sadd.s32 $0x8F2B, s0  }
0xbd: {  	[sflag:s0] =	ssyncadd.remote.s32 $0x1  }
0xbe: {  	_ =	sfence.sel $0xFFFF  }
0xbf: {  	[dreg:$0x0] =	wrdreg $0xFFFFFFFF;
	(pc) =	sbr.abs _section_cstart, $3  }
0xc0: {  	[dreg:$0x1] =	wrdreg $0xFFFFFFFF  }
0xc1: {  	_ =	task.clear_ibuf [dreg:s6], $0x2FFFF;
	_ =	strace $0x9FFFFFFF  }
0xc2: {  	(tm) =	ssettm $0x7FFFFFFF  }
0xc3: {  	_ =	shalt  }
tec
execute0_lowered:
.L_overlay_start_1:
0x0: {  	(tag) =	ssettag $0x1  }
0x1: {  	s0 =	srdreg.scid;
	s6 =	rddreg [dreg:$0x0]  }
0x2: {  	s2 =	rddreg [dreg:$0x1];
	s1 =	stileid.u32  }
0x3: {  	s3 =	simm.s32 $0x0;
	s15 =	simm.s32 $0x80;
	s16 =	simm.s32 $0x4F00  }
0x4: {  	s17 =	simm.s32 $0x6F00;
	s18 =	simm.s32 $0x1;
	s19 =	simm.s32 $0x2  }
0x5: {  	s20 =	simm.s32 $0x4E80;
	s22 =	simm.s32 $0x10;
	s23 =	simm.s32 $0x8  }
0x6: {  	s24 =	simm.s32 $0x0;
	s7 =	sand.u32 $0x1, s0;
	s0 =	rddreg [dreg:$0x2]  }
0x7: {  	[smem:$0x7FF] =	sst s3;
	s9 =	smul.u32 $0x27000, s1;
	s10 =	sadd.s32 $0x2B400, s6  }
0x8: {  	s13 =	smul.u32 $0x13800, s1;
	s14 =	sadd.s32 $0xDC00, s6;
	p0 =	sne.s32 s1, $0xF  }
0x9: {  	s21 =	sshll.u32 s1, $0x6;
	s4 =	sshll.u32 s7, $0x4;
	_ =	strace $0x8000004A  }
0xa: {  	s8 =	ssub.s32 $0x2, s7;
	s29 =	sshll.u32 s7, $0x6;
	s31 =	sshll.u32 s7, $0x3  }
0xb: {  	s7 =	sadd.s32 $0x9C000, s2;
	s21 =	sor.u32 $0x1C03, s21;
	s4 =	sor.u32 s1, s4  }
0xc: {  	s11 =	sshrl.u32 s8, $0x1;
	s30 =	sshrl.u32 s9, $0x2;
	s9 =	sadd.s32 s31, s10  }
0xd: {  	s12 =	smul.u32 $0x4F0, s4;
	s4 =	sadd.s32 $0x17A00, s6;
	s11 =	ssub.s32 s8, s11  }
0xe: {  	s8 =	sor.u32 s29, s13;
	s9 =	sadd.s32 $0x27000, s9;
	s13 =	simm.s32 $0x2780  }
0xf: {  	s8 =	sshrl.u32 s8, $0x3;
	s5 =	sadd.s32 s12, s6;
	s6 =	sadd.s32 s30, s2  }
0x10: {  	s8 =	sadd.s32 s10, s8;
	s10 =	smax.u32 s11, $0x1;
	s11 =	simm.s32 $0x3  }
0x11: {  	v0 =	vimm.f32 $0.0e+00;
	s12 =	sadd.s32 s12, s14;
	s14 =	simm.s32 $0x8F00;
	s5 =	sadd.s32 $0x3E00, s5  }
.LBB2_1:
0x12: {  	[tilespmem:s3], [sflag:$0x3] =	stream.linear.gather [hbm4b:s5+s3], $0x2780, $0x38;
	[tilespmem:$0x1C780] =	vst v63  }
0x13: {  	_ =	swait.ge [sflag:s11], $0x2780  }
0x14: {  	[sflag:s11] =	ssyncset.done $0x0  }
0x15: {  	[sflag:s11] =	ssyncadd.s32 $0xFFFFD880  }
0x16: {  	[tilespmem:s13], [sflag:$0x3] =	stream.linear.gather [hbm4b:s12+s3], $0x2780, $0x38;
	[tilespmem:$0x1C780] =	vst v63  }
0x17: {  	_ =	swait.ge [sflag:s11], $0x2780  }
0x18: {  	[sflag:s11] =	ssyncset.done $0x0  }
0x19: {  	s26 =	simm.s32 $0x100;
	s25 =	simm.s32 $0x0;
	[sflag:s11] =	ssyncadd.s32 $0xFFFFD880  }
.LBB2_2:
0x1a: {  	p1 =	sne.s32 s26, $0x26F00;
	[tilespmem:s25+$0x8F30] =	vst v0;
	s28 =	smov.u32 s26;
	s26 =	sadd.s32 $0x100, s26  }
.Ltmp0:
0x1b: {  	[tilespmem:s25+$0x8F20] =	vst v0;
	(pc) =	sbr.rel @p1 .LBB2_2-.Ltmp0, $3  }
0x1c: {  	[tilespmem:s25+$0x8F00] =	vst v0  }
0x1d: {  	[tilespmem:s25+$0x8F10] =	vst v0;
	_ =	sdelay $0x1  }
0x1e: {  	s25 =	sshra.s32 s28, $0x2  }
0x1f: {  	[tilespmem:s25+$0x8F30] =	vst v0  }
0x20: {  	[tilespmem:s25+$0x8F20] =	vst v0  }
0x21: {  	[tilespmem:s25+$0x8F00] =	vst v0  }
0x22: {  	[tilespmem:s25+$0x8F10] =	vst v0  }
0x23: {  	[spmem:s6] =	stream.linear.scatter [tilespmem:s14], [sflag:$0x3], $0x9C00, $0x38;
	[tilespmem:$0x1C780] =	vst v63  }
0x24: {  	_ =	swait.ge [sflag:s11], $0x9C00  }
0x25: {  	[sflag:s11] =	ssyncset.done $0x0  }
0x26: {  	s25 =	simm.s32 @!p0 $0x8F00;
	[sflag:s11] =	ssyncadd.s32 $0xFFFF6400  }
0x27: {  	[spmem:s7] =	stream.linear.scatter @!p0 [tilespmem:s25], [sflag:$0x3], $0x800, $0x38;
	[tilespmem:$0x1C780] =	vst v63  }
0x28: {  	s25 =	simm.s32 @!p0 $0x3  }
0x29: {  	_ =	swait.ge @!p0 [sflag:s25], $0x800  }
0x2a: {  	[sflag:s25] =	ssyncset.done @!p0 $0x0  }
0x2b: {  	[sflag:s25] =	ssyncadd.s32 @!p0 $0xFFFFF800  }
0x2c: {  	s26 =	simm.s32 $0x0;
	[bflag:$0x0] =	sbarrier.arrive $0xFFFF  }
0x2d: {  	[tilespmem:s16], [sflag:$0x1] =	stream.indirect.gather [hbm4b:s4+s15], $0x40, s26, s15, $0xb8;
	[tilespmem:$0x1C780] =	vst v63  }
0x2e: {  	s28 =	simm.s32 $0x80  }
0x2f: {  	[tilespmem:s17], [sflag:$0x2] =	stream.indirect.gather [hbm4b:s4+s15], $0x40, s28, s15, $0xb8;
	[tilespmem:$0x1C780] =	vst v63  }
0x30: {  	_ =	swait.ge [sflag:s18], $0x2000  }
0x31: {  	[sflag:s18] =	ssyncset.done $0x0  }
0x32: {  	s29 =	simm.s32 $0x2780;
	[sflag:s18] =	ssyncadd.s32 $0xFFFFE000  }
0x33: {  	[spmem:s2] =	stream.indirect.scatter.add.f32 [tilespmem:s16], [sflag:$0x3], $0x40, s29, s15, $0xb8;
	[tilespmem:$0x1C780] =	vst v63  }
0x34: {  	_ =	swait.ge [sflag:s11], $0x2000  }
0x35: {  	[sflag:s11] =	ssyncset.done $0x0  }
0x36: {  	s30 =	simm.s32 $0x100;
	[sflag:s11] =	ssyncadd.s32 $0xFFFFE000  }
0x37: {  	[tilespmem:s16], [sflag:$0x1] =	stream.indirect.gather [hbm4b:s4+s15], $0x40, s30, s15, $0xb8;
	[tilespmem:$0x1C780] =	vst v63  }
0x38: {  	_ =	swait.ge [sflag:s19], $0x2000  }
0x39: {  	[sflag:s19] =	ssyncset.done $0x0  }
0x3a: {  	s31 =	simm.s32 $0x2800;
	[sflag:s19] =	ssyncadd.s32 $0xFFFFE000  }
0x3b: {  	[spmem:s2] =	stream.indirect.scatter.add.f32 [tilespmem:s17], [sflag:$0x3], $0x40, s31, s15, $0xb8;
	[tilespmem:$0x1C780] =	vst v63  }
0x3c: {  	_ =	swait.ge [sflag:s11], $0x2000  }
0x3d: {  	s25 =	simm.s32 $0x100;
	s26 =	simm.s32 $0x800;
	[sflag:s11] =	ssyncset.done $0x0  }
.LBB2_4:
0x3e: {  	s28 =	sadd.s32 $0x80, s25  }
0x3f: {  	[sflag:s11] =	ssyncadd.s32 $0xFFFFE000;
	s29 =	smov.u32 s26;
	s30 =	sadd.s32 $0x400, s26  }
0x40: {  	[tilespmem:s17], [sflag:$0x2] =	stream.indirect.gather [hbm4b:s4+s15], $0x40, s28, s15, $0xb8;
	[tilespmem:$0x1C780] =	vst v63  }
0x41: {  	p1 =	sne.s32 s26, $0x9800;
	_ =	swait.ge [sflag:s18], $0x2000  }
0x42: {  	[sflag:s18] =	ssyncset.done $0x0  }
0x43: {  	s26 =	sadd.s32 $0x2780, s25;
	[sflag:s18] =	ssyncadd.s32 $0xFFFFE000  }
0x44: {  	[spmem:s2] =	stream.indirect.scatter.add.f32 [tilespmem:s16], [sflag:$0x3], $0x40, s26, s15, $0xb8;
	[tilespmem:$0x1C780] =	vst v63  }
0x45: {  	_ =	swait.ge [sflag:s11], $0x2000  }
0x46: {  	[sflag:s11] =	ssyncset.done $0x0  }
0x47: {  	s26 =	sadd.s32 $0x100, s25;
	[sflag:s11] =	ssyncadd.s32 $0xFFFFE000  }
0x48: {  	[tilespmem:s16], [sflag:$0x1] =	stream.indirect.gather [hbm4b:s4+s15], $0x40, s26, s15, $0xb8;
	[tilespmem:$0x1C780] =	vst v63  }
0x49: {  	_ =	swait.ge [sflag:s19], $0x2000  }
.Ltmp1:
0x4a: {  	[sflag:s19] =	ssyncset.done $0x0;
	(pc) =	sbr.rel @p1 .LBB2_4-.Ltmp1, $4  }
0x4b: {  	s25 =	sadd.s32 $0x2800, s25;
	[sflag:s19] =	ssyncadd.s32 $0xFFFFE000  }
0x4c: {  	[spmem:s2] =	stream.indirect.scatter.add.f32 [tilespmem:s17], [sflag:$0x3], $0x40, s25, s15, $0xb8;
	[tilespmem:$0x1C780] =	vst v63  }
0x4d: {  	_ =	swait.ge [sflag:s11], $0x2000  }
0x4e: {  	s26 =	smov.u32 s30;
	s25 =	sshra.s32 s29, $0x2;
	[sflag:s11] =	ssyncset.done $0x0  }
0x4f: {  	s26 =	sadd.s32 $0x80, s25;
	[sflag:s11] =	ssyncadd.s32 $0xFFFFE000  }
0x50: {  	[tilespmem:s17], [sflag:$0x2] =	stream.indirect.gather [hbm4b:s4+s15], $0x40, s26, s15, $0xb8;
	[tilespmem:$0x1C780] =	vst v63  }
0x51: {  	_ =	swait.ge [sflag:s18], $0x2000  }
0x52: {  	[sflag:s18] =	ssyncset.done $0x0  }
0x53: {  	s28 =	sadd.s32 $0x2780, s25;
	[sflag:s18] =	ssyncadd.s32 $0xFFFFE000  }
0x54: {  	[spmem:s2] =	stream.indirect.scatter.add.f32 [tilespmem:s16], [sflag:$0x3], $0x40, s28, s15, $0xb8;
	[tilespmem:$0x1C780] =	vst v63  }
0x55: {  	_ =	swait.ge [sflag:s11], $0x2000  }
0x56: {  	[sflag:s11] =	ssyncset.done $0x0  }
0x57: {  	s29 =	sadd.s32 $0x100, s25;
	[sflag:s11] =	ssyncadd.s32 $0xFFFFE000  }
0x58: {  	[tilespmem:s16], [sflag:$0x1] =	stream.indirect.gather [hbm4b:s4+s15], $0x40, s29, s15, $0xb8;
	[tilespmem:$0x1C780] =	vst v63  }
0x59: {  	_ =	swait.ge [sflag:s19], $0x2000  }
0x5a: {  	[sflag:s19] =	ssyncset.done $0x0  }
0x5b: {  	s30 =	sadd.s32 $0x2800, s25;
	[sflag:s19] =	ssyncadd.s32 $0xFFFFE000  }
0x5c: {  	[spmem:s2] =	stream.indirect.scatter.add.f32 [tilespmem:s17], [sflag:$0x3], $0x40, s30, s15, $0xb8;
	[tilespmem:$0x1C780] =	vst v63  }
0x5d: {  	_ =	swait.ge [sflag:s11], $0x2000  }
0x5e: {  	[sflag:s11] =	ssyncset.done $0x0  }
0x5f: {  	[sflag:s11] =	ssyncadd.s32 $0xFFFFE000  }
0x60: {  	_ =	swait.ge [sflag:s18], $0x2000  }
0x61: {  	[sflag:s18] =	ssyncset.done $0x0  }
0x62: {  	[sflag:s18] =	ssyncadd.s32 $0xFFFFE000  }
0x63: {  	[spmem:s2] =	stream.indirect.scatter.add.f32 [tilespmem:s16], [sflag:$0x3], $0x40, s20, s15, $0xb8;
	[tilespmem:$0x1C780] =	vst v63  }
0x64: {  	_ =	swait.ge [sflag:s11], $0x2000  }
0x65: {  	[sflag:s11] =	ssyncset.done $0x0  }
0x66: {  	[sflag:s11] =	ssyncadd.s32 $0xFFFFE000  }
0x67: {  	s31 =	sshrl.u32 s6, $0x3;
	[bflag:$0x0] =	sbarrier.arrive $0xFFFF  }
0x68: {  	[hbm:s8@s22], [sflag:s21] =	dma.strided [spmem:s31@s23], $0x1380, s18, $0x8   }
0x69: {  	s25 =	sshrl.u32 @!p0 s7, $0x3;
	s24 =	sadd.s32 $0x1, s24;
	_ =	swait.ge [sflag:s11], $0x1380  }
0x6a: {  	s26 =	simm.s32 @!p0 $0x1;
	p1 =	sne.s32 s24, s10;
	[sflag:s11] =	ssyncset.done $0x0  }
0x6b: {  	s28 =	simm.s32 @!p0 $0x10;
	s29 =	simm.s32 @!p0 $0x8;
	[sflag:s11] =	ssyncadd.s32 $0xFFFFEC80  }
0x6c: {  	[hbm:s9@s28], [sflag:s21] =	dma.strided @!p0 [spmem:s25@s29], $0x80, s26, $0x8   }
.Ltmp2:
0x6d: {  	_ = 	snop;
	(pc) =	sbr.rel @p1 .LBB2_1-.Ltmp2, $4  }
0x6e: {  	s25 =	simm.s32 @!p0 $0x3  }
0x6f: {  	_ =	swait.ge @!p0 [sflag:s25], $0x80  }
0x70: {  	[sflag:s25] =	ssyncset.done @!p0 $0x0  }
0x71: {  	[sflag:s25] =	ssyncadd.s32 @!p0 $0xFFFFFF80  }
0x72: {  	_ =	sfence.sel $0x180000  }
0x73: {  	[bflag:$0x0] =	sbarrier.arrive $0xFFFF  }
0x74: {  	p0 =	sne.s32 s1, $0x0;
	_ =	strace $0x9000004A  }
0x75: {  	s0 =	sadd.s32 @!p0 $0x100000, s0;
	[bflag:$0x2] =	sbarrier.arrive $0xFFFF  }
0x76: {  	[sflag:s0] =	ssyncadd.tile.s32 @!p0 $0x1;
	_ =	shalt  }
.Lfunc_end2:
_tile_overlayer_lowered:
.L_overlay_start_2:
0x77: {  	(tag) =	ssettag $0x2  }
0x78: {  	s0 =	rddreg [dreg:$0x0];
	s2 =	stileid.u32  }
0x79: {  	s1 =	rddreg [dreg:$0x1];
	p0 =	sne.s32 s2, $0x0  }
0x7a: {  	s3 =	rddreg [dreg:$0x2];
	[bflag:$0x3] =	sbarrier.arrive $0xFFFF;
	s2 =	simm.s32 @!p0 $0x1C03  }
0x7b: {  	[timem:s3], [sflag:s2] =	dma.local @!p0 [hbm:s0], s1  }
0x7c: {  	s0 =	simm.s32 @!p0 $0x3  }
0x7d: {  	_ =	swait.ge @!p0 [sflag:s0], s1  }
0x7e: {  	s1 =	ssub.s32 @!p0 $0x0, s1;
	[sflag:s0] =	ssyncset.done @!p0 $0x0  }
0x7f: {  	[sflag:s0] =	ssyncadd.s32 @!p0 s1  }
0x80: {  	[bflag:$0x3] =	sbarrier.arrive $0xFFFF  }
0x81: {  	_ =	shalt  }

// kernel: kernel.16.cloned.1.call-start
scs
__scs_entry_jumppad:
0x0: {  	(pc) =	sbr.rel $0x88, $3  }
0x1: {  	(tag) =	ssettag $0x0;
	lr =	simm.s32 $0x1  }
0x2: {  	[smem:$0x3F92] =	sst lr;
	_ =	strace $0xD0000000  }
0x3: {  	_ = 	snop  }
0x4: {  	_ = 	snop  }
0x5: {  	_ = 	snop  }
0x6: {  	_ = 	snop  }
0x7: {  	_ = 	snop  }
__scs_overlays_trampoline_lowered:
0x8: {  	[smem:$0x3FA1] =	sst s0  }
0x9: {  	[smem:$0x3FA2] =	sst s1  }
0xa: {  	[smem:$0x3FA3] =	sst s2  }
0xb: {  	[smem:$0x3FA4] =	sst s3  }
0xc: {  	[smem:$0x3FA5] =	sst s4  }
0xd: {  	[smem:$0x3FA6] =	sst s5  }
0xe: {  	[smem:$0x3FA7] =	sst s6  }
0xf: {  	[smem:$0x3FA8] =	sst s7  }
0x10: {  	[smem:$0x3FA9] =	sst s8  }
0x11: {  	[smem:$0x3FAA] =	sst s9;
	s0 =	simm.s32 @!p0 $0x0  }
0x12: {  	s1 =	sld [smem:$0x3F90];
	s0 =	simm.s32 @p0 $0x1  }
0x13: {  	[smem:$0x3FAB] =	sst s0;
	s0 =	simm.s32 @!p1 $0x0  }
0x14: {  	s2 =	sld [smem:$0x3F8F];
	s0 =	simm.s32 @p1 $0x1  }
0x15: {  	[smem:$0x3FAC] =	sst s0;
	s0 =	simm.s32 @!p2 $0x0  }
0x16: {  	s3 =	sld [smem:$0x3FDB];
	s0 =	simm.s32 @p2 $0x1  }
0x17: {  	s4 =	simm.s32 $0x1BF5;
	[smem:$0x3FAE] =	sst s0  }
0x18: {  	s0 =	sld [smem:$0x3F91];
	_ =	swait.ge [sflag:s4], $0x0  }
0x19: {  	s7 =	sld [smem:$0x3F92]  }
0x1a: {  	s8 =	sadd.s32 $0xFFFFE003, lr  }
0x1b: {  	s9 =	sadd.s32 $0xFFFFFEF7, lr;
	s5 =	simm.s32 $0xFFFFFFFF;
	p2 =	slt.u32 s8, $0xFFFFF086  }
0x1c: {  	p1 =	slt.u32 s9, $0xF7A;
	s5 =	simm.s32 @!p2 $0x0  }
0x1d: {  	s5 =	simm.s32 @p1 $0x1;
	p0 =	seq.s32 s7, s2  }
0x1e: {  	s7 =	smul.u32 @!p0 $0xF7A, s2;
	p2 =	seq.s32 @!p0 s5, $0x0  }
0x1f: {  	s9 =	smul.u32 $0xF7A, s1;
	s8 =	simm.s32 @!p0 $0x1BF5;
	p2 =	por !p2, p0  }
0x20: {  	[sflag:s8] =	ssyncset.s32 @!p0 $0xFFFFF086;
	s6 =	sadd.s32 @!p0 s3, s7;
	s7 =	simm.s32 @!p0 $0x108  }
0x21: {  	s3 =	sadd.s32 s3, s9;
	s6 =	sadd.s32 @!p0 $0x88, s6;
	s7 =	simm.s32 @p2 $0x1082  }
0x22: {  	[simem:s7], [sflag:s8] =	dma.local @!p0 [hbm:s6], $0xF7A  }
0x23: {  	s9 =	sor.u32 $0xD0000000, s2;
	s6 =	simm.s32 $0x108;
	_ =	swait.ge @!p0 [sflag:s8], $0x0  }
0x24: {  	s3 =	sadd.s32 $0x88, s3;
	s6 =	simm.s32 @!p1 $0x1082;
	[sflag:s4] =	ssyncset.s32 $0xFFFFF086  }
0x25: {  	[simem:s6], [sflag:s4] =	dma.local [hbm:s3], $0xF7A  }
0x26: {  	[smem:$0x3F92] =	sst s1;
	(tag) =	ssettag s2;
	_ =	strace s9  }
0x27: {  	s1 =	sld [smem:$0x3FA2]  }
0x28: {  	s2 =	sld [smem:$0x3FA3]  }
0x29: {  	s4 =	sld [smem:$0x3FA5]  }
0x2a: {  	p0 =	seq.s32 s5, $0x0;
	s5 =	sld [smem:$0x3FA6]  }
0x2b: {  	s6 =	sld [smem:$0x3FA7]  }
0x2c: {  	s7 =	sld [smem:$0x3FA8]  }
0x2d: {  	s3 =	simm.s32 $0x108;
	s8 =	sld [smem:$0x3FA9]  }
0x2e: {  	s3 =	simm.s32 @!p0 $0x1082;
	s9 =	sld [smem:$0x3FAA]  }
0x2f: {  	lr =	sadd.s32 s0, s3;
	s0 =	sld [smem:$0x3FA1]  }
0x30: {  	s3 =	sld [smem:$0x3FA4]  }
0x31: {  	[smem:$0x3FAD] =	sst s10  }
0x32: {  	s10 =	sld [smem:$0x3FAB];
	_ =	sdelay $0x3  }
0x33: {  	p0 =	seq.s32 s10, $0x1;
	s10 =	sld [smem:$0x3FAD];
	_ =	sdelay $0x3  }
0x34: {  	[smem:$0x3FAD] =	sst s10  }
0x35: {  	s10 =	sld [smem:$0x3FAC];
	_ =	sdelay $0x3  }
0x36: {  	p1 =	seq.s32 s10, $0x1;
	s10 =	sld [smem:$0x3FAD];
	_ =	sdelay $0x3  }
0x37: {  	[smem:$0x3FAD] =	sst s10  }
0x38: {  	s10 =	sld [smem:$0x3FAE]  }
0x39: {  	_ = 	snop;
	(pc) =	sbr.ind lr, $3  }
0x3a: {  	_ = 	snop  }
0x3b: {  	_ = 	snop  }
0x3c: {  	p2 =	seq.s32 s10, $0x1;
	s10 =	sld [smem:$0x3FAD]  }
0x3d: {  	_ =	shalt  }
0x3e: {  	_ =	shalt  }
0x3f: {  	_ =	shalt  }
0x40: {  	_ =	shalt  }
0x41: {  	_ =	shalt  }
0x42: {  	_ =	shalt  }
0x43: {  	_ =	shalt  }
0x44: {  	_ =	shalt  }
0x45: {  	_ =	shalt  }
0x46: {  	_ =	shalt  }
0x47: {  	_ =	shalt  }
0x48: {  	_ =	shalt  }
0x49: {  	_ =	shalt  }
0x4a: {  	_ =	shalt  }
0x4b: {  	_ =	shalt  }
0x4c: {  	_ =	shalt  }
0x4d: {  	_ =	shalt  }
0x4e: {  	_ =	shalt  }
0x4f: {  	_ =	shalt  }
0x50: {  	_ =	shalt  }
0x51: {  	_ =	shalt  }
0x52: {  	_ =	shalt  }
0x53: {  	_ =	shalt  }
0x54: {  	_ =	shalt  }
0x55: {  	_ =	shalt  }
0x56: {  	_ =	shalt  }
0x57: {  	_ =	shalt  }
0x58: {  	_ =	shalt  }
0x59: {  	_ =	shalt  }
0x5a: {  	_ =	shalt  }
0x5b: {  	_ =	shalt  }
0x5c: {  	_ =	shalt  }
0x5d: {  	_ =	shalt  }
0x5e: {  	_ =	shalt  }
0x5f: {  	_ =	shalt  }
0x60: {  	_ =	shalt  }
0x61: {  	_ =	shalt  }
0x62: {  	_ =	shalt  }
0x63: {  	_ =	shalt  }
0x64: {  	_ =	shalt  }
0x65: {  	_ =	shalt  }
0x66: {  	_ =	shalt  }
0x67: {  	_ =	shalt  }
0x68: {  	_ =	shalt  }
0x69: {  	_ =	shalt  }
0x6a: {  	_ =	shalt  }
0x6b: {  	_ =	shalt  }
0x6c: {  	_ =	shalt  }
0x6d: {  	_ =	shalt  }
0x6e: {  	_ =	shalt  }
0x6f: {  	_ =	shalt  }
0x70: {  	_ =	shalt  }
0x71: {  	_ =	shalt  }
0x72: {  	_ =	shalt  }
0x73: {  	_ =	shalt  }
0x74: {  	_ =	shalt  }
0x75: {  	_ =	shalt  }
0x76: {  	_ =	shalt  }
0x77: {  	_ =	shalt  }
0x78: {  	_ =	shalt  }
0x79: {  	_ =	shalt  }
0x7a: {  	_ =	shalt  }
0x7b: {  	_ =	shalt  }
0x7c: {  	_ =	shalt  }
0x7d: {  	_ =	shalt  }
0x7e: {  	_ =	shalt  }
0x7f: {  	_ =	shalt  }
0x80: {  	_ =	shalt  }
0x81: {  	_ =	shalt  }
0x82: {  	_ =	shalt  }
0x83: {  	_ =	shalt  }
0x84: {  	_ =	shalt  }
0x85: {  	_ =	shalt  }
0x86: {  	_ =	shalt  }
0x87: {  	_ =	shalt  }
.Lfunc_end0:
.L_simem_size_0:
called_computation.2_lowered:
.L_overlay_start_0:
0x88: {  	s2 =	sld [smem:$0x3FD9]  }
0x89: {  	s3 =	sld [smem:$0x3FFE];
	_ =	sdelay $0x1  }
0x8a: {  	s1 =	srdreg.scid  }
0x8b: {  	s0 =	sand.u32 $0x1, s1  }
0x8c: {  	s16 =	sshll.u32 s0, $0xA;
	s2 =	sadd.s32 s3, s2  }
0x8d: {  	s2 =	sadd.s32 s2, s16  }
0x8e: {  	[smem:$0x3FB9] =	sst s2  }
0x8f: {  	_ = 	snop  }
0x90: {  	(tm) =	ssettm $0x1  }
0x91: {  	s17 =	sld [smem:$0x3FFB];
	_ =	sdelay $0x3  }
0x92: {  	_ =	strace s17  }
0x93: {  	s2 =	sld [smem:$0x3FFC];
	_ =	sdelay $0x3  }
0x94: {  	_ =	strace s2  }
0x95: {  	s2 =	sld [smem:$0x3FFD];
	_ =	sdelay $0x3  }
0x96: {  	_ =	strace s2  }
0x97: {  	_ =	strace $0x8FFFFFFF  }
0x98: {  	s18 =	sld [smem:$0x3FDB];
	_ =	sdelay $0x1  }
0x99: {  	s19 =	simm.s32 $_scs_section_size  }
0x9a: {  	s4 =	simm.s32 $_size__tile_overlayer_lowered;
	s5 =	simm.s32 $_tile_overlayer_lowered  }
0x9b: {  	s22 =	simm.s32 $0x1BFF;
	s21 =	sshll.u32 s5, $0x1;
	s2 =	sadd.s32 s19, s18  }
0x9c: {  	s6 =	simm.s32 $0x0;
	s20 =	sshll.u32 s4, $0x1;
	s4 =	sadd.s32 s21, s2  }
0x9d: {  	[timem:s6], [sflag:s22] =	dma.local [hbm:s4], s20  }
0x9e: {  	_ =	swait.ge [sflag:s22], s20  }
0x9f: {  	s3 =	ssub.s32 $0x0, s20;
	[sflag:s22] =	ssyncset.done $0x0  }
0xa0: {  	[sflag:s22] =	ssyncadd.s32 s3;
	_ =	sdelay $0x1  }
0xa1: {  	s23 =	simm.s32 $0x1B8B  }
0xa2: {  	_ =	swait.ge [sflag:s23], $0x1  }
0xa3: {  	[sflag:s23] =	ssyncset.done $0x0  }
0xa4: {  	s25 =	simm.s32 $0x1B8E;
	s24 =	sld [smem:$0x3FFE];
	[sflag:s23] =	ssyncadd.s32 $0xFFFFFFFF  }
0xa5: {  	s26 =	simm.s32 $execute0_lowered;
	[smem:$0x3FD2] =	sst s25  }
0xa6: {  	s4 =	sshll.u32 s26, $0x1;
	_ =	strace $0x8000004C;
	[dreg:$0x1] =	wrdreg $0xFFFFFFFF  }
0xa7: {  	s28 =	simm.s32 $_size_execute0_lowered;
	s2 =	sadd.s32 s2, s4;
	[dreg:$0x0] =	wrdreg $0x0  }
0xa8: {  	s4 =	sshll.u32 s28, $0x1;
	[dreg:$0x2] =	wrdreg s2  }
0xa9: {  	[dreg:$0x3] =	wrdreg s4  }
0xaa: {  	[dreg:$0x4] =	wrdreg $0xC0  }
0xab: {  	_ =	task [dreg:s6], $0x5FFFF  }
0xac: {  	[dreg:$0x1] =	wrdreg $0xFFFFFFFF  }
0xad: {  	[dreg:$0x0] =	wrdreg $0x60  }
0xae: {  	[dreg:$0x2] =	wrdreg s24  }
0xaf: {  	[dreg:$0x3] =	wrdreg $0x12B000  }
0xb0: {  	[dreg:$0x4] =	wrdreg $0x9  }
0xb1: {  	_ =	task.clear_ibuf [dreg:s6], $0x5FFFF;
	_ =	strace $0x9000004C  }
0xb2: {  	s29 =	simm.s32 $0x9;
	_ =	strace $0x8000004E  }
0xb3: {  	_ =	swait.ge [sflag:s29], $0x1  }
0xb4: {  	[sflag:s29] =	ssyncadd.s32 $0xFFFFFFFF  }
0xb5: {  	_ =	strace $0x9000004E  }
0xb6: {  	_ =	sfence  }
0xb7: {  	s30 =	sld [smem:$0x0];
	_ =	sdelay $0x2  }
0xb8: {  	s31 =	sshll.u32 s1, $0xD;
	s1 =	sshrl.u32 s1, $0x2  }
0xb9: {  	s3 =	sand.u32 $0x4000, s31;
	s1 =	sadd.s32 s1, s30  }
0xba: {  	s0 =	sor.u32 s3, s0;
	s1 =	sshll.u32 s1, $0x11  }
0xbb: {  	s0 =	sor.u32 s1, s0  }
0xbc: {  	s0 =	sadd.s32 $0x8F2B, s0  }
0xbd: {  	[sflag:s0] =	ssyncadd.remote.s32 $0x1  }
0xbe: {  	_ =	sfence.sel $0xFFFF  }
0xbf: {  	[dreg:$0x0] =	wrdreg $0xFFFFFFFF;
	(pc) =	sbr.abs _section_cstart, $3  }
0xc0: {  	[dreg:$0x1] =	wrdreg $0xFFFFFFFF  }
0xc1: {  	_ =	task.clear_ibuf [dreg:s6], $0x2FFFF;
	_ =	strace $0x9FFFFFFF  }
0xc2: {  	(tm) =	ssettm $0x7FFFFFFF  }
0xc3: {  	_ =	shalt  }
tec
execute0_lowered:
.L_overlay_start_1:
0x0: {  	(tag) =	ssettag $0x1  }
0x1: {  	s0 =	srdreg.scid;
	s6 =	rddreg [dreg:$0x0]  }
0x2: {  	s2 =	rddreg [dreg:$0x1];
	s1 =	stileid.u32  }
0x3: {  	s3 =	simm.s32 $0x0;
	s15 =	simm.s32 $0x80;
	s16 =	simm.s32 $0x4F00  }
0x4: {  	s17 =	simm.s32 $0x6F00;
	s18 =	simm.s32 $0x1;
	s19 =	simm.s32 $0x2  }
0x5: {  	s20 =	simm.s32 $0x4E80;
	s22 =	simm.s32 $0x10;
	s23 =	simm.s32 $0x8  }
0x6: {  	s24 =	simm.s32 $0x0;
	s7 =	sand.u32 $0x1, s0;
	s0 =	rddreg [dreg:$0x2]  }
0x7: {  	[smem:$0x7FF] =	sst s3;
	s9 =	smul.u32 $0x27000, s1;
	s10 =	sadd.s32 $0x2B400, s6  }
0x8: {  	s13 =	smul.u32 $0x13800, s1;
	s14 =	sadd.s32 $0xDC00, s6;
	p0 =	sne.s32 s1, $0xF  }
0x9: {  	s21 =	sshll.u32 s1, $0x6;
	s4 =	sshll.u32 s7, $0x4;
	_ =	strace $0x8000004D  }
0xa: {  	s8 =	ssub.s32 $0x2, s7;
	s29 =	sshll.u32 s7, $0x6;
	s31 =	sshll.u32 s7, $0x3  }
0xb: {  	s7 =	sadd.s32 $0x9C000, s2;
	s21 =	sor.u32 $0x1C03, s21;
	s4 =	sor.u32 s1, s4  }
0xc: {  	s11 =	sshrl.u32 s8, $0x1;
	s30 =	sshrl.u32 s9, $0x2;
	s9 =	sadd.s32 s31, s10  }
0xd: {  	s12 =	smul.u32 $0x4F0, s4;
	s4 =	sadd.s32 $0x17A00, s6;
	s11 =	ssub.s32 s8, s11  }
0xe: {  	s8 =	sor.u32 s29, s13;
	s9 =	sadd.s32 $0x27000, s9;
	s13 =	simm.s32 $0x2780  }
0xf: {  	s8 =	sshrl.u32 s8, $0x3;
	s5 =	sadd.s32 s12, s6;
	s6 =	sadd.s32 s30, s2  }
0x10: {  	s8 =	sadd.s32 s10, s8;
	s10 =	smax.u32 s11, $0x1;
	s11 =	simm.s32 $0x3  }
0x11: {  	v0 =	vimm.f32 $0.0e+00;
	s12 =	sadd.s32 s12, s14;
	s14 =	simm.s32 $0x8F00;
	s5 =	sadd.s32 $0x3E00, s5  }
.LBB2_1:
0x12: {  	[tilespmem:s3], [sflag:$0x3] =	stream.linear.gather [hbm4b:s5+s3], $0x2780, $0x38;
	[tilespmem:$0x1C780] =	vst v63  }
0x13: {  	_ =	swait.ge [sflag:s11], $0x2780  }
0x14: {  	[sflag:s11] =	ssyncset.done $0x0  }
0x15: {  	[sflag:s11] =	ssyncadd.s32 $0xFFFFD880  }
0x16: {  	[tilespmem:s13], [sflag:$0x3] =	stream.linear.gather [hbm4b:s12+s3], $0x2780, $0x38;
	[tilespmem:$0x1C780] =	vst v63  }
0x17: {  	_ =	swait.ge [sflag:s11], $0x2780  }
0x18: {  	[sflag:s11] =	ssyncset.done $0x0  }
0x19: {  	s26 =	simm.s32 $0x100;
	s25 =	simm.s32 $0x0;
	[sflag:s11] =	ssyncadd.s32 $0xFFFFD880  }
.LBB2_2:
0x1a: {  	p1 =	sne.s32 s26, $0x26F00;
	[tilespmem:s25+$0x8F30] =	vst v0;
	s28 =	smov.u32 s26;
	s26 =	sadd.s32 $0x100, s26  }
.Ltmp0:
0x1b: {  	[tilespmem:s25+$0x8F20] =	vst v0;
	(pc) =	sbr.rel @p1 .LBB2_2-.Ltmp0, $3  }
0x1c: {  	[tilespmem:s25+$0x8F00] =	vst v0  }
0x1d: {  	[tilespmem:s25+$0x8F10] =	vst v0;
	_ =	sdelay $0x1  }
0x1e: {  	s25 =	sshra.s32 s28, $0x2  }
0x1f: {  	[tilespmem:s25+$0x8F30] =	vst v0  }
0x20: {  	[tilespmem:s25+$0x8F20] =	vst v0  }
0x21: {  	[tilespmem:s25+$0x8F00] =	vst v0  }
0x22: {  	[tilespmem:s25+$0x8F10] =	vst v0  }
0x23: {  	[spmem:s6] =	stream.linear.scatter [tilespmem:s14], [sflag:$0x3], $0x9C00, $0x38;
	[tilespmem:$0x1C780] =	vst v63  }
0x24: {  	_ =	swait.ge [sflag:s11], $0x9C00  }
0x25: {  	[sflag:s11] =	ssyncset.done $0x0  }
0x26: {  	s25 =	simm.s32 @!p0 $0x8F00;
	[sflag:s11] =	ssyncadd.s32 $0xFFFF6400  }
0x27: {  	[spmem:s7] =	stream.linear.scatter @!p0 [tilespmem:s25], [sflag:$0x3], $0x800, $0x38;
	[tilespmem:$0x1C780] =	vst v63  }
0x28: {  	s25 =	simm.s32 @!p0 $0x3  }
0x29: {  	_ =	swait.ge @!p0 [sflag:s25], $0x800  }
0x2a: {  	[sflag:s25] =	ssyncset.done @!p0 $0x0  }
0x2b: {  	[sflag:s25] =	ssyncadd.s32 @!p0 $0xFFFFF800  }
0x2c: {  	s26 =	simm.s32 $0x0;
	[bflag:$0x0] =	sbarrier.arrive $0xFFFF  }
0x2d: {  	[tilespmem:s16], [sflag:$0x1] =	stream.indirect.gather [hbm4b:s4+s15], $0x40, s26, s15, $0xb8;
	[tilespmem:$0x1C780] =	vst v63  }
0x2e: {  	s28 =	simm.s32 $0x80  }
0x2f: {  	[tilespmem:s17], [sflag:$0x2] =	stream.indirect.gather [hbm4b:s4+s15], $0x40, s28, s15, $0xb8;
	[tilespmem:$0x1C780] =	vst v63  }
0x30: {  	_ =	swait.ge [sflag:s18], $0x2000  }
0x31: {  	[sflag:s18] =	ssyncset.done $0x0  }
0x32: {  	s29 =	simm.s32 $0x2780;
	[sflag:s18] =	ssyncadd.s32 $0xFFFFE000  }
0x33: {  	[spmem:s2] =	stream.indirect.scatter.add.f32 [tilespmem:s16], [sflag:$0x3], $0x40, s29, s15, $0xb8;
	[tilespmem:$0x1C780] =	vst v63  }
0x34: {  	_ =	swait.ge [sflag:s11], $0x2000  }
0x35: {  	[sflag:s11] =	ssyncset.done $0x0  }
0x36: {  	s30 =	simm.s32 $0x100;
	[sflag:s11] =	ssyncadd.s32 $0xFFFFE000  }
0x37: {  	[tilespmem:s16], [sflag:$0x1] =	stream.indirect.gather [hbm4b:s4+s15], $0x40, s30, s15, $0xb8;
	[tilespmem:$0x1C780] =	vst v63  }
0x38: {  	_ =	swait.ge [sflag:s19], $0x2000  }
0x39: {  	[sflag:s19] =	ssyncset.done $0x0  }
0x3a: {  	s31 =	simm.s32 $0x2800;
	[sflag:s19] =	ssyncadd.s32 $0xFFFFE000  }
0x3b: {  	[spmem:s2] =	stream.indirect.scatter.add.f32 [tilespmem:s17], [sflag:$0x3], $0x40, s31, s15, $0xb8;
	[tilespmem:$0x1C780] =	vst v63  }
0x3c: {  	_ =	swait.ge [sflag:s11], $0x2000  }
0x3d: {  	s25 =	simm.s32 $0x100;
	s26 =	simm.s32 $0x800;
	[sflag:s11] =	ssyncset.done $0x0  }
.LBB2_4:
0x3e: {  	s28 =	sadd.s32 $0x80, s25  }
0x3f: {  	[sflag:s11] =	ssyncadd.s32 $0xFFFFE000;
	s29 =	smov.u32 s26;
	s30 =	sadd.s32 $0x400, s26  }
0x40: {  	[tilespmem:s17], [sflag:$0x2] =	stream.indirect.gather [hbm4b:s4+s15], $0x40, s28, s15, $0xb8;
	[tilespmem:$0x1C780] =	vst v63  }
0x41: {  	p1 =	sne.s32 s26, $0x9800;
	_ =	swait.ge [sflag:s18], $0x2000  }
0x42: {  	[sflag:s18] =	ssyncset.done $0x0  }
0x43: {  	s26 =	sadd.s32 $0x2780, s25;
	[sflag:s18] =	ssyncadd.s32 $0xFFFFE000  }
0x44: {  	[spmem:s2] =	stream.indirect.scatter.add.f32 [tilespmem:s16], [sflag:$0x3], $0x40, s26, s15, $0xb8;
	[tilespmem:$0x1C780] =	vst v63  }
0x45: {  	_ =	swait.ge [sflag:s11], $0x2000  }
0x46: {  	[sflag:s11] =	ssyncset.done $0x0  }
0x47: {  	s26 =	sadd.s32 $0x100, s25;
	[sflag:s11] =	ssyncadd.s32 $0xFFFFE000  }
0x48: {  	[tilespmem:s16], [sflag:$0x1] =	stream.indirect.gather [hbm4b:s4+s15], $0x40, s26, s15, $0xb8;
	[tilespmem:$0x1C780] =	vst v63  }
0x49: {  	_ =	swait.ge [sflag:s19], $0x2000  }
.Ltmp1:
0x4a: {  	[sflag:s19] =	ssyncset.done $0x0;
	(pc) =	sbr.rel @p1 .LBB2_4-.Ltmp1, $4  }
0x4b: {  	s25 =	sadd.s32 $0x2800, s25;
	[sflag:s19] =	ssyncadd.s32 $0xFFFFE000  }
0x4c: {  	[spmem:s2] =	stream.indirect.scatter.add.f32 [tilespmem:s17], [sflag:$0x3], $0x40, s25, s15, $0xb8;
	[tilespmem:$0x1C780] =	vst v63  }
0x4d: {  	_ =	swait.ge [sflag:s11], $0x2000  }
0x4e: {  	s26 =	smov.u32 s30;
	s25 =	sshra.s32 s29, $0x2;
	[sflag:s11] =	ssyncset.done $0x0  }
0x4f: {  	s26 =	sadd.s32 $0x80, s25;
	[sflag:s11] =	ssyncadd.s32 $0xFFFFE000  }
0x50: {  	[tilespmem:s17], [sflag:$0x2] =	stream.indirect.gather [hbm4b:s4+s15], $0x40, s26, s15, $0xb8;
	[tilespmem:$0x1C780] =	vst v63  }
0x51: {  	_ =	swait.ge [sflag:s18], $0x2000  }
0x52: {  	[sflag:s18] =	ssyncset.done $0x0  }
0x53: {  	s28 =	sadd.s32 $0x2780, s25;
	[sflag:s18] =	ssyncadd.s32 $0xFFFFE000  }
0x54: {  	[spmem:s2] =	stream.indirect.scatter.add.f32 [tilespmem:s16], [sflag:$0x3], $0x40, s28, s15, $0xb8;
	[tilespmem:$0x1C780] =	vst v63  }
0x55: {  	_ =	swait.ge [sflag:s11], $0x2000  }
0x56: {  	[sflag:s11] =	ssyncset.done $0x0  }
0x57: {  	s29 =	sadd.s32 $0x100, s25;
	[sflag:s11] =	ssyncadd.s32 $0xFFFFE000  }
0x58: {  	[tilespmem:s16], [sflag:$0x1] =	stream.indirect.gather [hbm4b:s4+s15], $0x40, s29, s15, $0xb8;
	[tilespmem:$0x1C780] =	vst v63  }
0x59: {  	_ =	swait.ge [sflag:s19], $0x2000  }
0x5a: {  	[sflag:s19] =	ssyncset.done $0x0  }
0x5b: {  	s30 =	sadd.s32 $0x2800, s25;
	[sflag:s19] =	ssyncadd.s32 $0xFFFFE000  }
0x5c: {  	[spmem:s2] =	stream.indirect.scatter.add.f32 [tilespmem:s17], [sflag:$0x3], $0x40, s30, s15, $0xb8;
	[tilespmem:$0x1C780] =	vst v63  }
0x5d: {  	_ =	swait.ge [sflag:s11], $0x2000  }
0x5e: {  	[sflag:s11] =	ssyncset.done $0x0  }
0x5f: {  	[sflag:s11] =	ssyncadd.s32 $0xFFFFE000  }
0x60: {  	_ =	swait.ge [sflag:s18], $0x2000  }
0x61: {  	[sflag:s18] =	ssyncset.done $0x0  }
0x62: {  	[sflag:s18] =	ssyncadd.s32 $0xFFFFE000  }
0x63: {  	[spmem:s2] =	stream.indirect.scatter.add.f32 [tilespmem:s16], [sflag:$0x3], $0x40, s20, s15, $0xb8;
	[tilespmem:$0x1C780] =	vst v63  }
0x64: {  	_ =	swait.ge [sflag:s11], $0x2000  }
0x65: {  	[sflag:s11] =	ssyncset.done $0x0  }
0x66: {  	[sflag:s11] =	ssyncadd.s32 $0xFFFFE000  }
0x67: {  	s31 =	sshrl.u32 s6, $0x3;
	[bflag:$0x0] =	sbarrier.arrive $0xFFFF  }
0x68: {  	[hbm:s8@s22], [sflag:s21] =	dma.strided [spmem:s31@s23], $0x1380, s18, $0x8   }
0x69: {  	s25 =	sshrl.u32 @!p0 s7, $0x3;
	s24 =	sadd.s32 $0x1, s24;
	_ =	swait.ge [sflag:s11], $0x1380  }
0x6a: {  	s26 =	simm.s32 @!p0 $0x1;
	p1 =	sne.s32 s24, s10;
	[sflag:s11] =	ssyncset.done $0x0  }
0x6b: {  	s28 =	simm.s32 @!p0 $0x10;
	s29 =	simm.s32 @!p0 $0x8;
	[sflag:s11] =	ssyncadd.s32 $0xFFFFEC80  }
0x6c: {  	[hbm:s9@s28], [sflag:s21] =	dma.strided @!p0 [spmem:s25@s29], $0x80, s26, $0x8   }
.Ltmp2:
0x6d: {  	_ = 	snop;
	(pc) =	sbr.rel @p1 .LBB2_1-.Ltmp2, $4  }
0x6e: {  	s25 =	simm.s32 @!p0 $0x3  }
0x6f: {  	_ =	swait.ge @!p0 [sflag:s25], $0x80  }
0x70: {  	[sflag:s25] =	ssyncset.done @!p0 $0x0  }
0x71: {  	[sflag:s25] =	ssyncadd.s32 @!p0 $0xFFFFFF80  }
0x72: {  	_ =	sfence.sel $0x180000  }
0x73: {  	[bflag:$0x0] =	sbarrier.arrive $0xFFFF  }
0x74: {  	p0 =	sne.s32 s1, $0x0;
	_ =	strace $0x9000004D  }
0x75: {  	s0 =	sadd.s32 @!p0 $0x100000, s0;
	[bflag:$0x2] =	sbarrier.arrive $0xFFFF  }
0x76: {  	[sflag:s0] =	ssyncadd.tile.s32 @!p0 $0x1;
	_ =	shalt  }
.Lfunc_end2:
_tile_overlayer_lowered:
.L_overlay_start_2:
0x77: {  	(tag) =	ssettag $0x2  }
0x78: {  	s0 =	rddreg [dreg:$0x0];
	s2 =	stileid.u32  }
0x79: {  	s1 =	rddreg [dreg:$0x1];
	p0 =	sne.s32 s2, $0x0  }
0x7a: {  	s3 =	rddreg [dreg:$0x2];
	[bflag:$0x3] =	sbarrier.arrive $0xFFFF;
	s2 =	simm.s32 @!p0 $0x1C03  }
0x7b: {  	[timem:s3], [sflag:s2] =	dma.local @!p0 [hbm:s0], s1  }
0x7c: {  	s0 =	simm.s32 @!p0 $0x3  }
0x7d: {  	_ =	swait.ge @!p0 [sflag:s0], s1  }
0x7e: {  	s1 =	ssub.s32 @!p0 $0x0, s1;
	[sflag:s0] =	ssyncset.done @!p0 $0x0  }
0x7f: {  	[sflag:s0] =	ssyncadd.s32 @!p0 s1  }
0x80: {  	[bflag:$0x3] =	sbarrier.arrive $0xFFFF  }
0x81: {  	_ =	shalt  }

// kernel: kernel.19.cloned.1.call-start
scs
__scs_entry_jumppad:
0x0: {  	(pc) =	sbr.rel $0x88, $3  }
0x1: {  	(tag) =	ssettag $0x0;
	lr =	simm.s32 $0x1  }
0x2: {  	[smem:$0x3F92] =	sst lr;
	_ =	strace $0xD0000000  }
0x3: {  	_ = 	snop  }
0x4: {  	_ = 	snop  }
0x5: {  	_ = 	snop  }
0x6: {  	_ = 	snop  }
0x7: {  	_ = 	snop  }
__scs_overlays_trampoline_lowered:
0x8: {  	[smem:$0x3FA1] =	sst s0  }
0x9: {  	[smem:$0x3FA2] =	sst s1  }
0xa: {  	[smem:$0x3FA3] =	sst s2  }
0xb: {  	[smem:$0x3FA4] =	sst s3  }
0xc: {  	[smem:$0x3FA5] =	sst s4  }
0xd: {  	[smem:$0x3FA6] =	sst s5  }
0xe: {  	[smem:$0x3FA7] =	sst s6  }
0xf: {  	[smem:$0x3FA8] =	sst s7  }
0x10: {  	[smem:$0x3FA9] =	sst s8  }
0x11: {  	[smem:$0x3FAA] =	sst s9;
	s0 =	simm.s32 @!p0 $0x0  }
0x12: {  	s1 =	sld [smem:$0x3F90];
	s0 =	simm.s32 @p0 $0x1  }
0x13: {  	[smem:$0x3FAB] =	sst s0;
	s0 =	simm.s32 @!p1 $0x0  }
0x14: {  	s2 =	sld [smem:$0x3F8F];
	s0 =	simm.s32 @p1 $0x1  }
0x15: {  	[smem:$0x3FAC] =	sst s0;
	s0 =	simm.s32 @!p2 $0x0  }
0x16: {  	s3 =	sld [smem:$0x3FDB];
	s0 =	simm.s32 @p2 $0x1  }
0x17: {  	s4 =	simm.s32 $0x1BF5;
	[smem:$0x3FAE] =	sst s0  }
0x18: {  	s0 =	sld [smem:$0x3F91];
	_ =	swait.ge [sflag:s4], $0x0  }
0x19: {  	s7 =	sld [smem:$0x3F92]  }
0x1a: {  	s8 =	sadd.s32 $0xFFFFE003, lr  }
0x1b: {  	s9 =	sadd.s32 $0xFFFFFEF7, lr;
	s5 =	simm.s32 $0xFFFFFFFF;
	p2 =	slt.u32 s8, $0xFFFFF086  }
0x1c: {  	p1 =	slt.u32 s9, $0xF7A;
	s5 =	simm.s32 @!p2 $0x0  }
0x1d: {  	s5 =	simm.s32 @p1 $0x1;
	p0 =	seq.s32 s7, s2  }
0x1e: {  	s7 =	smul.u32 @!p0 $0xF7A, s2;
	p2 =	seq.s32 @!p0 s5, $0x0  }
0x1f: {  	s9 =	smul.u32 $0xF7A, s1;
	s8 =	simm.s32 @!p0 $0x1BF5;
	p2 =	por !p2, p0  }
0x20: {  	[sflag:s8] =	ssyncset.s32 @!p0 $0xFFFFF086;
	s6 =	sadd.s32 @!p0 s3, s7;
	s7 =	simm.s32 @!p0 $0x108  }
0x21: {  	s3 =	sadd.s32 s3, s9;
	s6 =	sadd.s32 @!p0 $0x88, s6;
	s7 =	simm.s32 @p2 $0x1082  }
0x22: {  	[simem:s7], [sflag:s8] =	dma.local @!p0 [hbm:s6], $0xF7A  }
0x23: {  	s9 =	sor.u32 $0xD0000000, s2;
	s6 =	simm.s32 $0x108;
	_ =	swait.ge @!p0 [sflag:s8], $0x0  }
0x24: {  	s3 =	sadd.s32 $0x88, s3;
	s6 =	simm.s32 @!p1 $0x1082;
	[sflag:s4] =	ssyncset.s32 $0xFFFFF086  }
0x25: {  	[simem:s6], [sflag:s4] =	dma.local [hbm:s3], $0xF7A  }
0x26: {  	[smem:$0x3F92] =	sst s1;
	(tag) =	ssettag s2;
	_ =	strace s9  }
0x27: {  	s1 =	sld [smem:$0x3FA2]  }
0x28: {  	s2 =	sld [smem:$0x3FA3]  }
0x29: {  	s4 =	sld [smem:$0x3FA5]  }
0x2a: {  	p0 =	seq.s32 s5, $0x0;
	s5 =	sld [smem:$0x3FA6]  }
0x2b: {  	s6 =	sld [smem:$0x3FA7]  }
0x2c: {  	s7 =	sld [smem:$0x3FA8]  }
0x2d: {  	s3 =	simm.s32 $0x108;
	s8 =	sld [smem:$0x3FA9]  }
0x2e: {  	s3 =	simm.s32 @!p0 $0x1082;
	s9 =	sld [smem:$0x3FAA]  }
0x2f: {  	lr =	sadd.s32 s0, s3;
	s0 =	sld [smem:$0x3FA1]  }
0x30: {  	s3 =	sld [smem:$0x3FA4]  }
0x31: {  	[smem:$0x3FAD] =	sst s10  }
0x32: {  	s10 =	sld [smem:$0x3FAB];
	_ =	sdelay $0x3  }
0x33: {  	p0 =	seq.s32 s10, $0x1;
	s10 =	sld [smem:$0x3FAD];
	_ =	sdelay $0x3  }
0x34: {  	[smem:$0x3FAD] =	sst s10  }
0x35: {  	s10 =	sld [smem:$0x3FAC];
	_ =	sdelay $0x3  }
0x36: {  	p1 =	seq.s32 s10, $0x1;
	s10 =	sld [smem:$0x3FAD];
	_ =	sdelay $0x3  }
0x37: {  	[smem:$0x3FAD] =	sst s10  }
0x38: {  	s10 =	sld [smem:$0x3FAE]  }
0x39: {  	_ = 	snop;
	(pc) =	sbr.ind lr, $3  }
0x3a: {  	_ = 	snop  }
0x3b: {  	_ = 	snop  }
0x3c: {  	p2 =	seq.s32 s10, $0x1;
	s10 =	sld [smem:$0x3FAD]  }
0x3d: {  	_ =	shalt  }
0x3e: {  	_ =	shalt  }
0x3f: {  	_ =	shalt  }
0x40: {  	_ =	shalt  }
0x41: {  	_ =	shalt  }
0x42: {  	_ =	shalt  }
0x43: {  	_ =	shalt  }
0x44: {  	_ =	shalt  }
0x45: {  	_ =	shalt  }
0x46: {  	_ =	shalt  }
0x47: {  	_ =	shalt  }
0x48: {  	_ =	shalt  }
0x49: {  	_ =	shalt  }
0x4a: {  	_ =	shalt  }
0x4b: {  	_ =	shalt  }
0x4c: {  	_ =	shalt  }
0x4d: {  	_ =	shalt  }
0x4e: {  	_ =	shalt  }
0x4f: {  	_ =	shalt  }
0x50: {  	_ =	shalt  }
0x51: {  	_ =	shalt  }
0x52: {  	_ =	shalt  }
0x53: {  	_ =	shalt  }
0x54: {  	_ =	shalt  }
0x55: {  	_ =	shalt  }
0x56: {  	_ =	shalt  }
0x57: {  	_ =	shalt  }
0x58: {  	_ =	shalt  }
0x59: {  	_ =	shalt  }
0x5a: {  	_ =	shalt  }
0x5b: {  	_ =	shalt  }
0x5c: {  	_ =	shalt  }
0x5d: {  	_ =	shalt  }
0x5e: {  	_ =	shalt  }
0x5f: {  	_ =	shalt  }
0x60: {  	_ =	shalt  }
0x61: {  	_ =	shalt  }
0x62: {  	_ =	shalt  }
0x63: {  	_ =	shalt  }
0x64: {  	_ =	shalt  }
0x65: {  	_ =	shalt  }
0x66: {  	_ =	shalt  }
0x67: {  	_ =	shalt  }
0x68: {  	_ =	shalt  }
0x69: {  	_ =	shalt  }
0x6a: {  	_ =	shalt  }
0x6b: {  	_ =	shalt  }
0x6c: {  	_ =	shalt  }
0x6d: {  	_ =	shalt  }
0x6e: {  	_ =	shalt  }
0x6f: {  	_ =	shalt  }
0x70: {  	_ =	shalt  }
0x71: {  	_ =	shalt  }
0x72: {  	_ =	shalt  }
0x73: {  	_ =	shalt  }
0x74: {  	_ =	shalt  }
0x75: {  	_ =	shalt  }
0x76: {  	_ =	shalt  }
0x77: {  	_ =	shalt  }
0x78: {  	_ =	shalt  }
0x79: {  	_ =	shalt  }
0x7a: {  	_ =	shalt  }
0x7b: {  	_ =	shalt  }
0x7c: {  	_ =	shalt  }
0x7d: {  	_ =	shalt  }
0x7e: {  	_ =	shalt  }
0x7f: {  	_ =	shalt  }
0x80: {  	_ =	shalt  }
0x81: {  	_ =	shalt  }
0x82: {  	_ =	shalt  }
0x83: {  	_ =	shalt  }
0x84: {  	_ =	shalt  }
0x85: {  	_ =	shalt  }
0x86: {  	_ =	shalt  }
0x87: {  	_ =	shalt  }
.Lfunc_end0:
.L_simem_size_0:
called_computation.3_lowered:
.L_overlay_start_0:
0x88: {  	s2 =	sld [smem:$0x3FD9]  }
0x89: {  	s3 =	sld [smem:$0x3FFE];
	_ =	sdelay $0x1  }
0x8a: {  	s1 =	srdreg.scid  }
0x8b: {  	s0 =	sand.u32 $0x1, s1  }
0x8c: {  	s16 =	sshll.u32 s0, $0xA;
	s2 =	sadd.s32 s3, s2  }
0x8d: {  	s2 =	sadd.s32 s2, s16  }
0x8e: {  	[smem:$0x3FB9] =	sst s2  }
0x8f: {  	_ = 	snop  }
0x90: {  	(tm) =	ssettm $0x1  }
0x91: {  	s17 =	sld [smem:$0x3FFB];
	_ =	sdelay $0x3  }
0x92: {  	_ =	strace s17  }
0x93: {  	s2 =	sld [smem:$0x3FFC];
	_ =	sdelay $0x3  }
0x94: {  	_ =	strace s2  }
0x95: {  	s2 =	sld [smem:$0x3FFD];
	_ =	sdelay $0x3  }
0x96: {  	_ =	strace s2  }
0x97: {  	_ =	strace $0x8FFFFFFF  }
0x98: {  	s18 =	sld [smem:$0x3FDB];
	_ =	sdelay $0x1  }
0x99: {  	s19 =	simm.s32 $_scs_section_size  }
0x9a: {  	s4 =	simm.s32 $_size__tile_overlayer_lowered;
	s5 =	simm.s32 $_tile_overlayer_lowered  }
0x9b: {  	s22 =	simm.s32 $0x1BFF;
	s21 =	sshll.u32 s5, $0x1;
	s2 =	sadd.s32 s19, s18  }
0x9c: {  	s6 =	simm.s32 $0x0;
	s20 =	sshll.u32 s4, $0x1;
	s4 =	sadd.s32 s21, s2  }
0x9d: {  	[timem:s6], [sflag:s22] =	dma.local [hbm:s4], s20  }
0x9e: {  	_ =	swait.ge [sflag:s22], s20  }
0x9f: {  	s3 =	ssub.s32 $0x0, s20;
	[sflag:s22] =	ssyncset.done $0x0  }
0xa0: {  	[sflag:s22] =	ssyncadd.s32 s3;
	_ =	sdelay $0x1  }
0xa1: {  	s23 =	simm.s32 $0x1B8B  }
0xa2: {  	_ =	swait.ge [sflag:s23], $0x1  }
0xa3: {  	[sflag:s23] =	ssyncset.done $0x0  }
0xa4: {  	s25 =	simm.s32 $0x1B8E;
	s24 =	sld [smem:$0x3FFE];
	[sflag:s23] =	ssyncadd.s32 $0xFFFFFFFF  }
0xa5: {  	s26 =	simm.s32 $execute0_lowered;
	[smem:$0x3FD2] =	sst s25  }
0xa6: {  	s4 =	sshll.u32 s26, $0x1;
	_ =	strace $0x8000004F;
	[dreg:$0x1] =	wrdreg $0xFFFFFFFF  }
0xa7: {  	s28 =	simm.s32 $_size_execute0_lowered;
	s2 =	sadd.s32 s2, s4;
	[dreg:$0x0] =	wrdreg $0x0  }
0xa8: {  	s4 =	sshll.u32 s28, $0x1;
	[dreg:$0x2] =	wrdreg s2  }
0xa9: {  	[dreg:$0x3] =	wrdreg s4  }
0xaa: {  	[dreg:$0x4] =	wrdreg $0xC0  }
0xab: {  	_ =	task [dreg:s6], $0x5FFFF  }
0xac: {  	[dreg:$0x1] =	wrdreg $0xFFFFFFFF  }
0xad: {  	[dreg:$0x0] =	wrdreg $0x60  }
0xae: {  	[dreg:$0x2] =	wrdreg s24  }
0xaf: {  	[dreg:$0x3] =	wrdreg $0x12B000  }
0xb0: {  	[dreg:$0x4] =	wrdreg $0x9  }
0xb1: {  	_ =	task.clear_ibuf [dreg:s6], $0x5FFFF;
	_ =	strace $0x9000004F  }
0xb2: {  	s29 =	simm.s32 $0x9;
	_ =	strace $0x80000051  }
0xb3: {  	_ =	swait.ge [sflag:s29], $0x1  }
0xb4: {  	[sflag:s29] =	ssyncadd.s32 $0xFFFFFFFF  }
0xb5: {  	_ =	strace $0x90000051  }
0xb6: {  	_ =	sfence  }
0xb7: {  	s30 =	sld [smem:$0x0];
	_ =	sdelay $0x2  }
0xb8: {  	s31 =	sshll.u32 s1, $0xD;
	s1 =	sshrl.u32 s1, $0x2  }
0xb9: {  	s3 =	sand.u32 $0x4000, s31;
	s1 =	sadd.s32 s1, s30  }
0xba: {  	s0 =	sor.u32 s3, s0;
	s1 =	sshll.u32 s1, $0x11  }
0xbb: {  	s0 =	sor.u32 s1, s0  }
0xbc: {  	s0 =	sadd.s32 $0x8F2B, s0  }
0xbd: {  	[sflag:s0] =	ssyncadd.remote.s32 $0x1  }
0xbe: {  	_ =	sfence.sel $0xFFFF  }
0xbf: {  	[dreg:$0x0] =	wrdreg $0xFFFFFFFF;
	(pc) =	sbr.abs _section_cstart, $3  }
0xc0: {  	[dreg:$0x1] =	wrdreg $0xFFFFFFFF  }
0xc1: {  	_ =	task.clear_ibuf [dreg:s6], $0x2FFFF;
	_ =	strace $0x9FFFFFFF  }
0xc2: {  	(tm) =	ssettm $0x7FFFFFFF  }
0xc3: {  	_ =	shalt  }
tec
execute0_lowered:
.L_overlay_start_1:
0x0: {  	(tag) =	ssettag $0x1  }
0x1: {  	s0 =	srdreg.scid;
	s6 =	rddreg [dreg:$0x0]  }
0x2: {  	s2 =	rddreg [dreg:$0x1];
	s1 =	stileid.u32  }
0x3: {  	s3 =	simm.s32 $0x0;
	s15 =	simm.s32 $0x80;
	s16 =	simm.s32 $0x4F00  }
0x4: {  	s17 =	simm.s32 $0x6F00;
	s18 =	simm.s32 $0x1;
	s19 =	simm.s32 $0x2  }
0x5: {  	s20 =	simm.s32 $0x4E80;
	s22 =	simm.s32 $0x10;
	s23 =	simm.s32 $0x8  }
0x6: {  	s24 =	simm.s32 $0x0;
	s7 =	sand.u32 $0x1, s0;
	s0 =	rddreg [dreg:$0x2]  }
0x7: {  	[smem:$0x7FF] =	sst s3;
	s9 =	smul.u32 $0x27000, s1;
	s10 =	sadd.s32 $0x2B400, s6  }
0x8: {  	s13 =	smul.u32 $0x13800, s1;
	s14 =	sadd.s32 $0xDC00, s6;
	p0 =	sne.s32 s1, $0xF  }
0x9: {  	s21 =	sshll.u32 s1, $0x6;
	s4 =	sshll.u32 s7, $0x4;
	_ =	strace $0x80000050  }
0xa: {  	s8 =	ssub.s32 $0x2, s7;
	s29 =	sshll.u32 s7, $0x6;
	s31 =	sshll.u32 s7, $0x3  }
0xb: {  	s7 =	sadd.s32 $0x9C000, s2;
	s21 =	sor.u32 $0x1C03, s21;
	s4 =	sor.u32 s1, s4  }
0xc: {  	s11 =	sshrl.u32 s8, $0x1;
	s30 =	sshrl.u32 s9, $0x2;
	s9 =	sadd.s32 s31, s10  }
0xd: {  	s12 =	smul.u32 $0x4F0, s4;
	s4 =	sadd.s32 $0x17A00, s6;
	s11 =	ssub.s32 s8, s11  }
0xe: {  	s8 =	sor.u32 s29, s13;
	s9 =	sadd.s32 $0x27000, s9;
	s13 =	simm.s32 $0x2780  }
0xf: {  	s8 =	sshrl.u32 s8, $0x3;
	s5 =	sadd.s32 s12, s6;
	s6 =	sadd.s32 s30, s2  }
0x10: {  	s8 =	sadd.s32 s10, s8;
	s10 =	smax.u32 s11, $0x1;
	s11 =	simm.s32 $0x3  }
0x11: {  	v0 =	vimm.f32 $0.0e+00;
	s12 =	sadd.s32 s12, s14;
	s14 =	simm.s32 $0x8F00;
	s5 =	sadd.s32 $0x3E00, s5  }
.LBB2_1:
0x12: {  	[tilespmem:s3], [sflag:$0x3] =	stream.linear.gather [hbm4b:s5+s3], $0x2780, $0x38;
	[tilespmem:$0x1C780] =	vst v63  }
0x13: {  	_ =	swait.ge [sflag:s11], $0x2780  }
0x14: {  	[sflag:s11] =	ssyncset.done $0x0  }
0x15: {  	[sflag:s11] =	ssyncadd.s32 $0xFFFFD880  }
0x16: {  	[tilespmem:s13], [sflag:$0x3] =	stream.linear.gather [hbm4b:s12+s3], $0x2780, $0x38;
	[tilespmem:$0x1C780] =	vst v63  }
0x17: {  	_ =	swait.ge [sflag:s11], $0x2780  }
0x18: {  	[sflag:s11] =	ssyncset.done $0x0  }
0x19: {  	s26 =	simm.s32 $0x100;
	s25 =	simm.s32 $0x0;
	[sflag:s11] =	ssyncadd.s32 $0xFFFFD880  }
.LBB2_2:
0x1a: {  	p1 =	sne.s32 s26, $0x26F00;
	[tilespmem:s25+$0x8F30] =	vst v0;
	s28 =	smov.u32 s26;
	s26 =	sadd.s32 $0x100, s26  }
.Ltmp0:
0x1b: {  	[tilespmem:s25+$0x8F20] =	vst v0;
	(pc) =	sbr.rel @p1 .LBB2_2-.Ltmp0, $3  }
0x1c: {  	[tilespmem:s25+$0x8F00] =	vst v0  }
0x1d: {  	[tilespmem:s25+$0x8F10] =	vst v0;
	_ =	sdelay $0x1  }
0x1e: {  	s25 =	sshra.s32 s28, $0x2  }
0x1f: {  	[tilespmem:s25+$0x8F30] =	vst v0  }
0x20: {  	[tilespmem:s25+$0x8F20] =	vst v0  }
0x21: {  	[tilespmem:s25+$0x8F00] =	vst v0  }
0x22: {  	[tilespmem:s25+$0x8F10] =	vst v0  }
0x23: {  	[spmem:s6] =	stream.linear.scatter [tilespmem:s14], [sflag:$0x3], $0x9C00, $0x38;
	[tilespmem:$0x1C780] =	vst v63  }
0x24: {  	_ =	swait.ge [sflag:s11], $0x9C00  }
0x25: {  	[sflag:s11] =	ssyncset.done $0x0  }
0x26: {  	s25 =	simm.s32 @!p0 $0x8F00;
	[sflag:s11] =	ssyncadd.s32 $0xFFFF6400  }
0x27: {  	[spmem:s7] =	stream.linear.scatter @!p0 [tilespmem:s25], [sflag:$0x3], $0x800, $0x38;
	[tilespmem:$0x1C780] =	vst v63  }
0x28: {  	s25 =	simm.s32 @!p0 $0x3  }
0x29: {  	_ =	swait.ge @!p0 [sflag:s25], $0x800  }
0x2a: {  	[sflag:s25] =	ssyncset.done @!p0 $0x0  }
0x2b: {  	[sflag:s25] =	ssyncadd.s32 @!p0 $0xFFFFF800  }
0x2c: {  	s26 =	simm.s32 $0x0;
	[bflag:$0x0] =	sbarrier.arrive $0xFFFF  }
0x2d: {  	[tilespmem:s16], [sflag:$0x1] =	stream.indirect.gather [hbm4b:s4+s15], $0x40, s26, s15, $0xb8;
	[tilespmem:$0x1C780] =	vst v63  }
0x2e: {  	s28 =	simm.s32 $0x80  }
0x2f: {  	[tilespmem:s17], [sflag:$0x2] =	stream.indirect.gather [hbm4b:s4+s15], $0x40, s28, s15, $0xb8;
	[tilespmem:$0x1C780] =	vst v63  }
0x30: {  	_ =	swait.ge [sflag:s18], $0x2000  }
0x31: {  	[sflag:s18] =	ssyncset.done $0x0  }
0x32: {  	s29 =	simm.s32 $0x2780;
	[sflag:s18] =	ssyncadd.s32 $0xFFFFE000  }
0x33: {  	[spmem:s2] =	stream.indirect.scatter.add.f32 [tilespmem:s16], [sflag:$0x3], $0x40, s29, s15, $0xb8;
	[tilespmem:$0x1C780] =	vst v63  }
0x34: {  	_ =	swait.ge [sflag:s11], $0x2000  }
0x35: {  	[sflag:s11] =	ssyncset.done $0x0  }
0x36: {  	s30 =	simm.s32 $0x100;
	[sflag:s11] =	ssyncadd.s32 $0xFFFFE000  }
0x37: {  	[tilespmem:s16], [sflag:$0x1] =	stream.indirect.gather [hbm4b:s4+s15], $0x40, s30, s15, $0xb8;
	[tilespmem:$0x1C780] =	vst v63  }
0x38: {  	_ =	swait.ge [sflag:s19], $0x2000  }
0x39: {  	[sflag:s19] =	ssyncset.done $0x0  }
0x3a: {  	s31 =	simm.s32 $0x2800;
	[sflag:s19] =	ssyncadd.s32 $0xFFFFE000  }
0x3b: {  	[spmem:s2] =	stream.indirect.scatter.add.f32 [tilespmem:s17], [sflag:$0x3], $0x40, s31, s15, $0xb8;
	[tilespmem:$0x1C780] =	vst v63  }
0x3c: {  	_ =	swait.ge [sflag:s11], $0x2000  }
0x3d: {  	s25 =	simm.s32 $0x100;
	s26 =	simm.s32 $0x800;
	[sflag:s11] =	ssyncset.done $0x0  }
.LBB2_4:
0x3e: {  	s28 =	sadd.s32 $0x80, s25  }
0x3f: {  	[sflag:s11] =	ssyncadd.s32 $0xFFFFE000;
	s29 =	smov.u32 s26;
	s30 =	sadd.s32 $0x400, s26  }
0x40: {  	[tilespmem:s17], [sflag:$0x2] =	stream.indirect.gather [hbm4b:s4+s15], $0x40, s28, s15, $0xb8;
	[tilespmem:$0x1C780] =	vst v63  }
0x41: {  	p1 =	sne.s32 s26, $0x9800;
	_ =	swait.ge [sflag:s18], $0x2000  }
0x42: {  	[sflag:s18] =	ssyncset.done $0x0  }
0x43: {  	s26 =	sadd.s32 $0x2780, s25;
	[sflag:s18] =	ssyncadd.s32 $0xFFFFE000  }
0x44: {  	[spmem:s2] =	stream.indirect.scatter.add.f32 [tilespmem:s16], [sflag:$0x3], $0x40, s26, s15, $0xb8;
	[tilespmem:$0x1C780] =	vst v63  }
0x45: {  	_ =	swait.ge [sflag:s11], $0x2000  }
0x46: {  	[sflag:s11] =	ssyncset.done $0x0  }
0x47: {  	s26 =	sadd.s32 $0x100, s25;
	[sflag:s11] =	ssyncadd.s32 $0xFFFFE000  }
0x48: {  	[tilespmem:s16], [sflag:$0x1] =	stream.indirect.gather [hbm4b:s4+s15], $0x40, s26, s15, $0xb8;
	[tilespmem:$0x1C780] =	vst v63  }
0x49: {  	_ =	swait.ge [sflag:s19], $0x2000  }
.Ltmp1:
0x4a: {  	[sflag:s19] =	ssyncset.done $0x0;
	(pc) =	sbr.rel @p1 .LBB2_4-.Ltmp1, $4  }
0x4b: {  	s25 =	sadd.s32 $0x2800, s25;
	[sflag:s19] =	ssyncadd.s32 $0xFFFFE000  }
0x4c: {  	[spmem:s2] =	stream.indirect.scatter.add.f32 [tilespmem:s17], [sflag:$0x3], $0x40, s25, s15, $0xb8;
	[tilespmem:$0x1C780] =	vst v63  }
0x4d: {  	_ =	swait.ge [sflag:s11], $0x2000  }
0x4e: {  	s26 =	smov.u32 s30;
	s25 =	sshra.s32 s29, $0x2;
	[sflag:s11] =	ssyncset.done $0x0  }
0x4f: {  	s26 =	sadd.s32 $0x80, s25;
	[sflag:s11] =	ssyncadd.s32 $0xFFFFE000  }
0x50: {  	[tilespmem:s17], [sflag:$0x2] =	stream.indirect.gather [hbm4b:s4+s15], $0x40, s26, s15, $0xb8;
	[tilespmem:$0x1C780] =	vst v63  }
0x51: {  	_ =	swait.ge [sflag:s18], $0x2000  }
0x52: {  	[sflag:s18] =	ssyncset.done $0x0  }
0x53: {  	s28 =	sadd.s32 $0x2780, s25;
	[sflag:s18] =	ssyncadd.s32 $0xFFFFE000  }
0x54: {  	[spmem:s2] =	stream.indirect.scatter.add.f32 [tilespmem:s16], [sflag:$0x3], $0x40, s28, s15, $0xb8;
	[tilespmem:$0x1C780] =	vst v63  }
0x55: {  	_ =	swait.ge [sflag:s11], $0x2000  }
0x56: {  	[sflag:s11] =	ssyncset.done $0x0  }
0x57: {  	s29 =	sadd.s32 $0x100, s25;
	[sflag:s11] =	ssyncadd.s32 $0xFFFFE000  }
0x58: {  	[tilespmem:s16], [sflag:$0x1] =	stream.indirect.gather [hbm4b:s4+s15], $0x40, s29, s15, $0xb8;
	[tilespmem:$0x1C780] =	vst v63  }
0x59: {  	_ =	swait.ge [sflag:s19], $0x2000  }
0x5a: {  	[sflag:s19] =	ssyncset.done $0x0  }
0x5b: {  	s30 =	sadd.s32 $0x2800, s25;
	[sflag:s19] =	ssyncadd.s32 $0xFFFFE000  }
0x5c: {  	[spmem:s2] =	stream.indirect.scatter.add.f32 [tilespmem:s17], [sflag:$0x3], $0x40, s30, s15, $0xb8;
	[tilespmem:$0x1C780] =	vst v63  }
0x5d: {  	_ =	swait.ge [sflag:s11], $0x2000  }
0x5e: {  	[sflag:s11] =	ssyncset.done $0x0  }
0x5f: {  	[sflag:s11] =	ssyncadd.s32 $0xFFFFE000  }
0x60: {  	_ =	swait.ge [sflag:s18], $0x2000  }
0x61: {  	[sflag:s18] =	ssyncset.done $0x0  }
0x62: {  	[sflag:s18] =	ssyncadd.s32 $0xFFFFE000  }
0x63: {  	[spmem:s2] =	stream.indirect.scatter.add.f32 [tilespmem:s16], [sflag:$0x3], $0x40, s20, s15, $0xb8;
	[tilespmem:$0x1C780] =	vst v63  }
0x64: {  	_ =	swait.ge [sflag:s11], $0x2000  }
0x65: {  	[sflag:s11] =	ssyncset.done $0x0  }
0x66: {  	[sflag:s11] =	ssyncadd.s32 $0xFFFFE000  }
0x67: {  	s31 =	sshrl.u32 s6, $0x3;
	[bflag:$0x0] =	sbarrier.arrive $0xFFFF  }
0x68: {  	[hbm:s8@s22], [sflag:s21] =	dma.strided [spmem:s31@s23], $0x1380, s18, $0x8   }
0x69: {  	s25 =	sshrl.u32 @!p0 s7, $0x3;
	s24 =	sadd.s32 $0x1, s24;
	_ =	swait.ge [sflag:s11], $0x1380  }
0x6a: {  	s26 =	simm.s32 @!p0 $0x1;
	p1 =	sne.s32 s24, s10;
	[sflag:s11] =	ssyncset.done $0x0  }
0x6b: {  	s28 =	simm.s32 @!p0 $0x10;
	s29 =	simm.s32 @!p0 $0x8;
	[sflag:s11] =	ssyncadd.s32 $0xFFFFEC80  }
0x6c: {  	[hbm:s9@s28], [sflag:s21] =	dma.strided @!p0 [spmem:s25@s29], $0x80, s26, $0x8   }
.Ltmp2:
0x6d: {  	_ = 	snop;
	(pc) =	sbr.rel @p1 .LBB2_1-.Ltmp2, $4  }
0x6e: {  	s25 =	simm.s32 @!p0 $0x3  }
0x6f: {  	_ =	swait.ge @!p0 [sflag:s25], $0x80  }
0x70: {  	[sflag:s25] =	ssyncset.done @!p0 $0x0  }
0x71: {  	[sflag:s25] =	ssyncadd.s32 @!p0 $0xFFFFFF80  }
0x72: {  	_ =	sfence.sel $0x180000  }
0x73: {  	[bflag:$0x0] =	sbarrier.arrive $0xFFFF  }
0x74: {  	p0 =	sne.s32 s1, $0x0;
	_ =	strace $0x90000050  }
0x75: {  	s0 =	sadd.s32 @!p0 $0x100000, s0;
	[bflag:$0x2] =	sbarrier.arrive $0xFFFF  }
0x76: {  	[sflag:s0] =	ssyncadd.tile.s32 @!p0 $0x1;
	_ =	shalt  }
.Lfunc_end2:
_tile_overlayer_lowered:
.L_overlay_start_2:
0x77: {  	(tag) =	ssettag $0x2  }
0x78: {  	s0 =	rddreg [dreg:$0x0];
	s2 =	stileid.u32  }
0x79: {  	s1 =	rddreg [dreg:$0x1];
	p0 =	sne.s32 s2, $0x0  }
0x7a: {  	s3 =	rddreg [dreg:$0x2];
	[bflag:$0x3] =	sbarrier.arrive $0xFFFF;
	s2 =	simm.s32 @!p0 $0x1C03  }
0x7b: {  	[timem:s3], [sflag:s2] =	dma.local @!p0 [hbm:s0], s1  }
0x7c: {  	s0 =	simm.s32 @!p0 $0x3  }
0x7d: {  	_ =	swait.ge @!p0 [sflag:s0], s1  }
0x7e: {  	s1 =	ssub.s32 @!p0 $0x0, s1;
	[sflag:s0] =	ssyncset.done @!p0 $0x0  }
0x7f: {  	[sflag:s0] =	ssyncadd.s32 @!p0 s1  }
0x80: {  	[bflag:$0x3] =	sbarrier.arrive $0xFFFF  }
0x81: {  	_ =	shalt  }

</sc_bundles>
